<compile_context>
chip_gen: v7x
topology: tpu7x:2x2x1
jax: 0.10.2.dev20260603
libtpu: 0.0.44.dev20260713+nightly
codegen_flags: <defaults>
</compile_context>

<pallas_src>
import functools

import jax
import jax.numpy as jnp
from jax import lax
from jax.experimental import pallas as pl
from jax.experimental.pallas import tpu as pltpu
from jax.experimental.pallas import tpu_sc as plsc

N = 10000
D = 256
DH = 128
E = 160000
NC = 2
NS = 16
CHUNK = 128
NCHUNK = E // CHUNK
NPAD = 10240
RPT = NPAD // NS
ROWB = 2000
GRID_R = N // ROWB

_MESH = plsc.VectorSubcoreMesh(core_axis_name="c", subcore_axis_name="s")


def _zero_fill(buf, rows):
    width = buf.shape[1]
    if buf.dtype == jnp.bfloat16:
        z = jnp.zeros((2, 16), jnp.bfloat16)

        @pl.loop(0, rows // 2)
        def _(r):
            r2 = pl.multiple_of(r * 2, 2)

            @pl.loop(0, width // 16)
            def _(c):
                buf[pl.ds(r2, 2), pl.ds(c * 16, 16)] = z
    else:
        z = jnp.zeros((16,), buf.dtype)

        @pl.loop(0, rows)
        def _(r):
            @pl.loop(0, width // 16)
            def _(c):
                buf[r, pl.ds(c * 16, 16)] = z


_DEG_CHUNKS = NCHUNK // (NC * NS)
_DEG_EXTRA = NCHUNK - _DEG_CHUNKS * NC * NS


@functools.partial(
    pl.kernel,
    mesh=_MESH,
    out_type=jax.ShapeDtypeStruct((NC, NPAD, 16), jnp.float32),
    scratch_types=[
        pltpu.VMEM((_DEG_CHUNKS, 1, CHUNK), jnp.int32),
        pltpu.VMEM((CHUNK, 16), jnp.float32),
        pltpu.VMEM((64, 16), jnp.float32),
        pltpu.VMEM_SHARED((NPAD, 16), jnp.float32),
        pltpu.SemaphoreType.DMA,
    ],
)
def _deg_kernel(dst_hbm, out_hbm, dstb, ones, zbuf, dacc, zsem):
    cid = lax.axis_index("c")
    sid = lax.axis_index("s")

    _zero_fill(zbuf, 64)
    o = jnp.ones((16,), jnp.float32)

    @pl.loop(0, CHUNK)
    def _(r):
        ones[r, pl.ds(0, 16)] = o

    @pl.loop(0, RPT // 64)
    def _(k):
        pltpu.async_copy(zbuf, dacc.at[pl.ds(sid * RPT + k * 64, 64)], zsem)

    @pl.loop(0, RPT // 64)
    def _(k):
        pltpu.make_async_copy(zbuf, dacc.at[pl.ds(sid * RPT, 64)],
                              zsem).wait()

    wid = cid * NS + sid
    row0 = NCHUNK + wid * _DEG_CHUNKS
    pltpu.sync_copy(dst_hbm.at[pl.ds(row0, _DEG_CHUNKS)], dstb)

    plsc.subcore_barrier()

    @pl.loop(0, _DEG_CHUNKS)
    def _(ci):
        pltpu.sync_copy(ones, dacc.at[dstb.at[ci, 0]], add=True)

    @pl.when(wid < _DEG_EXTRA)
    def _():
        pltpu.sync_copy(
            dst_hbm.at[pl.ds(NCHUNK + NC * NS * _DEG_CHUNKS + wid, 1)],
            dstb.at[pl.ds(0, 1)])
        pltpu.sync_copy(ones, dacc.at[dstb.at[0, 0]], add=True)

    plsc.subcore_barrier()
    pltpu.sync_copy(
        dacc.at[pl.ds(sid * RPT, RPT)], out_hbm.at[cid, pl.ds(sid * RPT, RPT)]
    )


_AGG_CHUNKS = NCHUNK // NS
_AGG_BATCH = 26
_AGG_NB = _AGG_CHUNKS // _AGG_BATCH
_AGG_EXTRA = NCHUNK - _AGG_CHUNKS * NS


@functools.partial(
    pl.kernel,
    mesh=_MESH,
    out_type=jax.ShapeDtypeStruct((NC, NPAD, DH), jnp.float32),
    scratch_types=[
        pltpu.VMEM((_AGG_BATCH * CHUNK,), jnp.int32),
        pltpu.VMEM((_AGG_BATCH, 1, CHUNK), jnp.int32),
        pltpu.VMEM((CHUNK, DH), jnp.float32),
        pltpu.VMEM((CHUNK, DH), jnp.float32),
        pltpu.VMEM_SHARED((NPAD, DH), jnp.float32),
        pltpu.SemaphoreType.DMA,
        pltpu.SemaphoreType.DMA,
    ],
)
def _agg_kernel(hp_hbm, src_hbm, dst_hbm, out_hbm,
                srcb, dstb, rows0, rows1, acc, sem0, sem1):
    cid = lax.axis_index("c")
    sid = lax.axis_index("s")

    _zero_fill(rows0, 64)

    @pl.loop(0, RPT // 64)
    def _(k):
        pltpu.async_copy(rows0.at[pl.ds(0, 64)],
                         acc.at[pl.ds(sid * RPT + k * 64, 64)], sem0)

    off = cid * NPAD

    def _load_batch(b):
        e0 = (sid * _AGG_CHUNKS + b * _AGG_BATCH) * CHUNK
        pltpu.sync_copy(src_hbm.at[pl.ds(e0, _AGG_BATCH * CHUNK)], srcb)
        pltpu.sync_copy(
            dst_hbm.at[pl.ds(NCHUNK + sid * _AGG_CHUNKS + b * _AGG_BATCH,
                             _AGG_BATCH)],
            dstb)

        @pl.loop(0, _AGG_BATCH * CHUNK // 16)
        def _(j):
            srcb[pl.ds(j * 16, 16)] = srcb[pl.ds(j * 16, 16)] + off

    @pl.loop(0, RPT // 64)
    def _(k):
        pltpu.make_async_copy(rows0.at[pl.ds(0, 64)],
                              acc.at[pl.ds(sid * RPT, 64)], sem0).wait()

    _load_batch(0)

    plsc.subcore_barrier()

    @pl.loop(0, _AGG_NB)
    def _(b):
        @pl.when(b > 0)
        def _():
            _load_batch(b)

        pltpu.async_copy(hp_hbm.at[srcb.at[pl.ds(0, CHUNK)]], rows0, sem0)

        @pl.loop(0, _AGG_BATCH, step=2)
        def _(ci):
            pltpu.async_copy(
                hp_hbm.at[srcb.at[pl.ds((ci + 1) * CHUNK, CHUNK)]],
                rows1, sem1)
            pltpu.make_async_copy(
                hp_hbm.at[srcb.at[pl.ds(0, CHUNK)]], rows0, sem0).wait()
            pltpu.sync_copy(rows0, acc.at[dstb.at[ci, 0]], add=True)

            @pl.when(ci + 2 < _AGG_BATCH)
            def _():
                pltpu.async_copy(
                    hp_hbm.at[srcb.at[pl.ds((ci + 2) * CHUNK, CHUNK)]],
                    rows0, sem0)

            pltpu.make_async_copy(
                hp_hbm.at[srcb.at[pl.ds(0, CHUNK)]], rows1, sem1).wait()
            pltpu.sync_copy(rows1, acc.at[dstb.at[ci + 1, 0]], add=True)

    @pl.when(sid < _AGG_EXTRA)
    def _():
        ce = NS * _AGG_CHUNKS + sid
        pltpu.sync_copy(src_hbm.at[pl.ds(ce * CHUNK, CHUNK)],
                        srcb.at[pl.ds(0, CHUNK)])
        pltpu.sync_copy(dst_hbm.at[pl.ds(NCHUNK + ce, 1)],
                        dstb.at[pl.ds(0, 1)])

        @pl.loop(0, CHUNK // 16)
        def _(j):
            srcb[pl.ds(j * 16, 16)] = srcb[pl.ds(j * 16, 16)] + off

        pltpu.async_copy(hp_hbm.at[srcb.at[pl.ds(0, CHUNK)]],
                         rows0, sem0).wait()
        pltpu.sync_copy(rows0, acc.at[dstb.at[0, 0]], add=True)

    plsc.subcore_barrier()
    pltpu.sync_copy(
        acc.at[pl.ds(sid * RPT, RPT)], out_hbm.at[cid, pl.ds(sid * RPT, RPT)]
    )


_STACK_SPEC = pl.BlockSpec((NC, ROWB, DH), lambda i: (0, i, 0))
_DEG0_SPEC = pl.BlockSpec((1, ROWB, 16), lambda i: (0, i, 0))
_DEG1_SPEC = pl.BlockSpec((1, ROWB, 16), lambda i: (1, i, 0))
_STACK_TY = jax.ShapeDtypeStruct((NC, NPAD, DH), jnp.float32)


def _mm_body(x_ref, w_ref, o_ref):
    h = jnp.dot(x_ref[...].astype(jnp.bfloat16),
                w_ref[...].astype(jnp.bfloat16),
                preferred_element_type=jnp.float32)
    o_ref[0] = h[:, :DH]
    o_ref[1] = h[:, DH:]


def _matmul_stacked(x, w):
    return pl.pallas_call(
        _mm_body,
        grid=(GRID_R,),
        in_specs=[
            pl.BlockSpec((ROWB, D), lambda i: (i, 0)),
            pl.BlockSpec((D, D), lambda i: (0, 0)),
        ],
        out_specs=_STACK_SPEC,
        out_shape=_STACK_TY,
    )(x, w)


def _dinv_of(p0_ref, p1_ref):
    deg = p0_ref[0, :, :1] + p1_ref[0, :, :1] + 1.0
    return lax.rsqrt(deg)


def _scale_body(h_ref, p0_ref, p1_ref, o_ref):
    dinv = _dinv_of(p0_ref, p1_ref)
    o_ref[0] = h_ref[0] * dinv
    o_ref[1] = h_ref[1] * dinv


def _scale_stacked(h, degp):
    return pl.pallas_call(
        _scale_body,
        grid=(GRID_R,),
        in_specs=[_STACK_SPEC, _DEG0_SPEC, _DEG1_SPEC],
        out_specs=_STACK_SPEC,
        out_shape=_STACK_TY,
    )(h, degp, degp)


def _layer2_body(a_ref, h_ref, p0_ref, p1_ref, b_ref, w_ref, o_ref):
    dinv = _dinv_of(p0_ref, p1_ref)
    z0 = jnp.maximum(dinv * (a_ref[0] + h_ref[0]) + b_ref[:, :DH], 0.0)
    z1 = jnp.maximum(dinv * (a_ref[1] + h_ref[1]) + b_ref[:, DH:], 0.0)
    z = jnp.concatenate([z0, z1], axis=1).astype(jnp.bfloat16)
    r = jnp.dot(z, w_ref[...].astype(jnp.bfloat16),
                preferred_element_type=jnp.float32)
    o_ref[0] = dinv * r[:, :DH]
    o_ref[1] = dinv * r[:, DH:]


def _layer2(acc1, hp1, degp, b1, w2):
    return pl.pallas_call(
        _layer2_body,
        grid=(GRID_R,),
        in_specs=[
            _STACK_SPEC, _STACK_SPEC, _DEG0_SPEC, _DEG1_SPEC,
            pl.BlockSpec((1, D), lambda i: (0, 0)),
            pl.BlockSpec((D, D), lambda i: (0, 0)),
        ],
        out_specs=_STACK_SPEC,
        out_shape=_STACK_TY,
    )(acc1, hp1, degp, degp, b1, w2)


def _final_body(a_ref, h_ref, p0_ref, p1_ref, b_ref, o_ref):
    dinv = _dinv_of(p0_ref, p1_ref)
    o0 = dinv * (a_ref[0] + h_ref[0]) + b_ref[:, :DH]
    o1 = dinv * (a_ref[1] + h_ref[1]) + b_ref[:, DH:]
    o_ref[...] = jnp.concatenate([o0, o1], axis=1)


def _final(acc2, hp2, degp, b2):
    return pl.pallas_call(
        _final_body,
        grid=(GRID_R,),
        in_specs=[
            _STACK_SPEC, _STACK_SPEC, _DEG0_SPEC, _DEG1_SPEC,
            pl.BlockSpec((1, D), lambda i: (0, 0)),
        ],
        out_specs=pl.BlockSpec((ROWB, D), lambda i: (i, 0)),
        out_shape=jax.ShapeDtypeStruct((N, D), jnp.float32),
    )(acc2, hp2, degp, degp, b2)


def kernel(x, edge_index, W1, b1, W2, b2):
    ei = edge_index.astype(jnp.int32)
    src1d = ei.reshape(2 * E)
    dst3d = ei.reshape(2 * NCHUNK, 1, CHUNK)
    b1r = b1.reshape(1, D)
    b2r = b2.reshape(1, D)

    h1 = _matmul_stacked(x, W1)
    degp = _deg_kernel(dst3d)
    hp1 = _scale_stacked(h1, degp)
    acc1 = _agg_kernel(hp1.reshape(NC * NPAD, DH), src1d, dst3d)
    hp2 = _layer2(acc1, hp1, degp, b1r, W2)
    acc2 = _agg_kernel(hp2.reshape(NC * NPAD, DH), src1d, dst3d)
    return _final(acc2, hp2, degp, b2r)

# --- scband reference (transcript-rebuilt; emitter-appended) ---
"""Pipeline reference for scband-gcnencoder-68135361184526 (READ-ONLY COPY).

The authoritative reference and input builder live on the scoring server;
editing this copy changes nothing except your own understanding.
"""

import jax, jax.numpy as jnp
import numpy as np

N_NODES = 10000
D_IN = 256
D_HID = 256


def setup_inputs(seed: int = 0) -> dict:
    key = jax.random.key(seed)
    k_x, k_e, k_w1, k_w2 = jax.random.split(key, 4)
    x = jax.random.normal(k_x, (N_NODES, D_IN), dtype=jnp.float32)
    edge_index = jax.random.randint(k_e, (2, 160000), 0, N_NODES, dtype=jnp.int64)
    # Glorot-style init like torch_geometric GCNConv
    s1 = (6.0 / (D_IN + D_HID)) ** 0.5
    W1 = jax.random.uniform(k_w1, (D_IN, D_HID), dtype=jnp.float32, minval=-s1, maxval=s1)
    b1 = jnp.zeros((D_HID,), dtype=jnp.float32)
    s2 = (6.0 / (D_HID + D_HID)) ** 0.5
    W2 = jax.random.uniform(k_w2, (D_HID, D_HID), dtype=jnp.float32, minval=-s2, maxval=s2)
    b2 = jnp.zeros((D_HID,), dtype=jnp.float32)
    return {"x": x, "edge_index": edge_index, "W1": W1, "b1": b1, "W2": W2, "b2": b2}


def _gcn_conv(x, edge_index, W, b):
    n = x.shape[0]
    loop = jnp.arange(n, dtype=edge_index.dtype)
    src = jnp.concatenate([edge_index[0], loop])
    dst = jnp.concatenate([edge_index[1], loop])
    # symmetric normalization with self-loops (PyG GCNConv default)
    deg = jnp.zeros((n,), dtype=x.dtype).at[dst].add(1.0)
    dinv = jnp.where(deg > 0, jax.lax.rsqrt(deg), 0.0)
    norm = dinv[src] * dinv[dst]
    h = x @ W
    msg = h[src] * norm[:, None]
    out = jax.ops.segment_sum(msg, dst, num_segments=n)
    return out + b


def reference(x, edge_index, W1, b1, W2, b2):
    h = _gcn_conv(x, edge_index, W1, b1)
    h = jax.nn.relu(h)
    out = _gcn_conv(h, edge_index, W2, b2)
    return out

if __name__ == "__main__":
    import jax
    _d = setup_inputs()
    print(jax.jit(kernel)(*tuple(_d.values())))

</pallas_src>

<mosaic_0001>
#map = affine_map<(d0, d1) -> (0, 0, 0)>
module attributes {stable_mosaic.version = 14 : i64} {
  func.func @_deg_kernel(%arg0: i32, %arg1: i32, %arg2: memref<2500x1x128xi32, #tpu.memory_space<hbm>>, %arg3: memref<2x10240x16xf32, #tpu.memory_space<hbm>>, %arg4: memref<39x1x128xi32, #tpu.memory_space<vmem>>, %arg5: memref<128x16xf32, #tpu.memory_space<vmem>>, %arg6: memref<64x16xf32, #tpu.memory_space<vmem>>, %arg7: memref<10240x16xf32, #tpu.memory_space<vmem_shared>>, %arg8: memref<!tpu.dma_semaphore, #tpu.memory_space<semaphore_mem>>) attributes {dimension_semantics = [#tpu.dimension_semantics<core_parallel>, #tpu.dimension_semantics<subcore_parallel>], iteration_bounds = array<i64: 2, 16>, scalar_prefetch = 0 : i64, scratch_operands = 5 : i64, tpu.core_type = #tpu.core_type<sc_vector_subcore>, window_params = [{transform_indices = #map}, {transform_indices = #map}]} {
    %broadcast_in_dim3A = arith.constant 0.000000e+00 : f32
    %broadcast_in_dim3A_0 = vector.broadcast %broadcast_in_dim3A : f32 to vector<16xf32>
    %scan3A = arith.constant 0 : i32
    %scan3A_1 = arith.constant 64 : i32
    %scan3A_2 = arith.addi %scan3A, %scan3A_1 : i32
    %scan3A_3 = arith.constant 1 : i32
    scf.for %scan3A_39 = %scan3A to %scan3A_2 step %scan3A_3  : i32 {
      %mul3A_40 = arith.constant 1 : i32
      %mul3A_41 = arith.muli %scan3A_39, %mul3A_40 : i32
      %add3A_42 = arith.constant 0 : i32
      %add3A_43 = arith.addi %add3A_42, %mul3A_41 : i32
      %scan3A_44 = arith.constant 0 : i32
      %mul3A_45 = arith.constant 1 : i32
      %mul3A_46 = arith.muli %scan3A_44, %mul3A_45 : i32
      %add3A_47 = arith.constant 0 : i32
      %add3A_48 = arith.addi %add3A_47, %mul3A_46 : i32
      %mul3A_49 = arith.constant 16 : i32
      %mul3A_50 = arith.muli %add3A_48, %mul3A_49 : i32
      %swap3A = arith.index_cast %add3A_43 : i32 to index
      %swap3A_51 = arith.index_cast %mul3A_50 : i32 to index
      %swap3A_52 = tpu.vector_load %arg6[%swap3A, %swap3A_51] {strides = array<i32>} : memref<64x16xf32, #tpu.memory_space<vmem>>, vector<1x16xf32>,
      %swap3A_53 = vector.shape_cast %swap3A_52 : vector<1x16xf32> to vector<16xf32>
      %swap3A_54 = vector.shape_cast %broadcast_in_dim3A_0 : vector<16xf32> to vector<1x16xf32>
      tpu.vector_store %arg6[%swap3A, %swap3A_51], %swap3A_54 {strides = array<i32>} : memref<64x16xf32, #tpu.memory_space<vmem>>, vector<1x16xf32>,
      %scan3A_55 = arith.constant 1 : i32
    }
    %scan3A_4 = arith.constant 64 : i32
    %broadcast_in_dim3A_5 = arith.constant 1.000000e+00 : f32
    %broadcast_in_dim3A_6 = vector.broadcast %broadcast_in_dim3A_5 : f32 to vector<16xf32>
    %scan3A_7 = arith.constant 0 : i32
    %scan3A_8 = arith.constant 128 : i32
    %scan3A_9 = arith.addi %scan3A_7, %scan3A_8 : i32
    %scan3A_10 = arith.constant 1 : i32
    scf.for %scan3A_39 = %scan3A_7 to %scan3A_9 step %scan3A_10  : i32 {
      %mul3A_40 = arith.constant 1 : i32
      %mul3A_41 = arith.muli %scan3A_39, %mul3A_40 : i32
      %add3A_42 = arith.constant 0 : i32
      %add3A_43 = arith.addi %add3A_42, %mul3A_41 : i32
      %swap3A = arith.index_cast %add3A_43 : i32 to index
      %swap3A_44 = arith.constant 0 : index
      %swap3A_45 = tpu.vector_load %arg5[%swap3A, %swap3A_44] {strides = array<i32>} : memref<128x16xf32, #tpu.memory_space<vmem>>, vector<1x16xf32>,
      %swap3A_46 = vector.shape_cast %swap3A_45 : vector<1x16xf32> to vector<16xf32>
      %swap3A_47 = vector.shape_cast %broadcast_in_dim3A_6 : vector<16xf32> to vector<1x16xf32>
      tpu.vector_store %arg5[%swap3A, %swap3A_44], %swap3A_47 {strides = array<i32>} : memref<128x16xf32, #tpu.memory_space<vmem>>, vector<1x16xf32>,
    }
    %scan3A_11 = arith.constant 128 : i32
    %scan3A_12 = arith.constant 0 : i32
    %scan3A_13 = arith.constant 10 : i32
    %scan3A_14 = arith.addi %scan3A_12, %scan3A_13 : i32
    %scan3A_15 = arith.constant 1 : i32
    scf.for %scan3A_39 = %scan3A_12 to %scan3A_14 step %scan3A_15  : i32 {
      %mul3A_40 = arith.constant 1 : i32
      %mul3A_41 = arith.muli %scan3A_39, %mul3A_40 : i32
      %add3A_42 = arith.constant 0 : i32
      %add3A_43 = arith.addi %add3A_42, %mul3A_41 : i32
      %mul3A_44 = arith.constant 640 : i32
      %mul3A_45 = arith.muli %arg1, %mul3A_44 : i32
      %mul3A_46 = arith.constant 64 : i32
      %mul3A_47 = arith.muli %add3A_43, %mul3A_46 : i32
      %add3A_48 = arith.addi %mul3A_45, %mul3A_47 : i32
      %dma_start3A = arith.constant 0 : i32
      %dma_start3A_49 = tpu.memref_slice %arg7[%add3A_48, %dma_start3A] : memref<10240x16xf32, #tpu.memory_space<vmem_shared>> -> memref<64x16xf32, #tpu.memory_space<vmem_shared>>
      %dma_start3A_50 = arith.constant 0 : i32
      %dma_start3A_51 = tpu.memref_slice %arg7[%add3A_48, %dma_start3A_50] : memref<10240x16xf32, #tpu.memory_space<vmem_shared>> -> memref<64x16xf32, #tpu.memory_space<vmem_shared>>
      tpu.enqueue_dma source(%arg6 : memref<64x16xf32, #tpu.memory_space<vmem>>) target(%dma_start3A_51 : memref<64x16xf32, #tpu.memory_space<vmem_shared>>) target_semaphore(%arg8 : memref<!tpu.dma_semaphore, #tpu.memory_space<semaphore_mem>>)
    }
    %scan3A_16 = arith.constant 10 : i32
    %scan3A_17 = arith.constant 0 : i32
    %scan3A_18 = arith.constant 10 : i32
    %scan3A_19 = arith.addi %scan3A_17, %scan3A_18 : i32
    %scan3A_20 = arith.constant 1 : i32
    scf.for %scan3A_39 = %scan3A_17 to %scan3A_19 step %scan3A_20  : i32 {
      %mul3A_40 = arith.constant 1 : i32
      %mul3A_41 = arith.muli %scan3A_39, %mul3A_40 : i32
      %add3A_42 = arith.constant 0 : i32
      %add3A_43 = arith.addi %add3A_42, %mul3A_41 : i32
      %mul3A_44 = arith.constant 640 : i32
      %mul3A_45 = arith.muli %arg1, %mul3A_44 : i32
      %dma_wait3A = arith.constant 0 : i32
      %dma_wait3A_46 = tpu.memref_slice %arg7[%mul3A_45, %dma_wait3A] : memref<10240x16xf32, #tpu.memory_space<vmem_shared>> -> memref<64x16xf32, #tpu.memory_space<vmem_shared>>
      %dma_wait3A_47 = arith.constant 0 : i32
      %dma_wait3A_48 = tpu.memref_slice %arg7[%mul3A_45, %dma_wait3A_47] : memref<10240x16xf32, #tpu.memory_space<vmem_shared>> -> memref<64x16xf32, #tpu.memory_space<vmem_shared>>
      tpu.wait_dma2 semaphore(%arg8 : memref<!tpu.dma_semaphore, #tpu.memory_space<semaphore_mem>>) src(%arg6 : memref<64x16xf32, #tpu.memory_space<vmem>>) dst(%dma_wait3A_48 : memref<64x16xf32, #tpu.memory_space<vmem_shared>>)
    }
    %scan3A_21 = arith.constant 10 : i32
    %mul3A = arith.constant 16 : i32
    %mul3A_22 = arith.muli %arg0, %mul3A : i32
    %add3A = arith.addi %mul3A_22, %arg1 : i32
    %mul3A_23 = arith.constant 39 : i32
    %mul3A_24 = arith.muli %add3A, %mul3A_23 : i32
    %add3A_25 = arith.constant 1250 : i32
    %add3A_26 = arith.addi %add3A_25, %mul3A_24 : i32
    "tpu.region"() ({
      %run_scoped3A = tpu.sem_alloc : memref<!tpu.dma_semaphore, #tpu.memory_space<semaphore_mem>>
      %dma_start3A = arith.constant 0 : i32
      %dma_start3A_39 = arith.constant 0 : i32
      %dma_start3A_40 = tpu.memref_slice %arg2[%add3A_26, %dma_start3A, %dma_start3A_39] : memref<2500x1x128xi32, #tpu.memory_space<hbm>> -> memref<39x1x128xi32, #tpu.memory_space<hbm>>
      %dma_start3A_41 = arith.constant 0 : i32
      %dma_start3A_42 = arith.constant 0 : i32
      %dma_start3A_43 = tpu.memref_slice %arg2[%add3A_26, %dma_start3A_41, %dma_start3A_42] : memref<2500x1x128xi32, #tpu.memory_space<hbm>> -> memref<39x1x128xi32, #tpu.memory_space<hbm>>
      tpu.enqueue_dma source(%dma_start3A_43 : memref<39x1x128xi32, #tpu.memory_space<hbm>>) target(%arg4 : memref<39x1x128xi32, #tpu.memory_space<vmem>>) target_semaphore(%run_scoped3A : memref<!tpu.dma_semaphore, #tpu.memory_space<semaphore_mem>>)
      %dma_wait3A = arith.constant 0 : i32
      %dma_wait3A_44 = arith.constant 0 : i32
      %dma_wait3A_45 = tpu.memref_slice %arg2[%add3A_26, %dma_wait3A, %dma_wait3A_44] : memref<2500x1x128xi32, #tpu.memory_space<hbm>> -> memref<39x1x128xi32, #tpu.memory_space<hbm>>
      %dma_wait3A_46 = arith.constant 0 : i32
      %dma_wait3A_47 = arith.constant 0 : i32
      %dma_wait3A_48 = tpu.memref_slice %arg2[%add3A_26, %dma_wait3A_46, %dma_wait3A_47] : memref<2500x1x128xi32, #tpu.memory_space<hbm>> -> memref<39x1x128xi32, #tpu.memory_space<hbm>>
      tpu.wait_dma2 semaphore(%run_scoped3A : memref<!tpu.dma_semaphore, #tpu.memory_space<semaphore_mem>>) src(%dma_wait3A_48 : memref<39x1x128xi32, #tpu.memory_space<hbm>>) dst(%arg4 : memref<39x1x128xi32, #tpu.memory_space<vmem>>)
      tpu.yield
    }) : () -> ()
    %barrier3A = arith.constant 0 : index
    tpu.barrier barrier_id(%barrier3A)
    %scan3A_27 = arith.constant 0 : i32
    %scan3A_28 = arith.constant 39 : i32
    %scan3A_29 = arith.addi %scan3A_27, %scan3A_28 : i32
    %scan3A_30 = arith.constant 1 : i32
    scf.for %scan3A_39 = %scan3A_27 to %scan3A_29 step %scan3A_30  : i32 {
      %mul3A_40 = arith.constant 1 : i32
      %mul3A_41 = arith.muli %scan3A_39, %mul3A_40 : i32
      %add3A_42 = arith.constant 0 : i32
      %add3A_43 = arith.addi %add3A_42, %mul3A_41 : i32
      %run_scoped3A = arith.constant 0 : i32
      "tpu.region"() ({
        %run_scoped3A_44 = tpu.sem_alloc : memref<!tpu.dma_semaphore, #tpu.memory_space<semaphore_mem>>
        %dma_start3A = arith.constant 0 : i32
        %dma_start3A_45 = tpu.memref_slice %arg4[%add3A_43, %run_scoped3A, %dma_start3A] : memref<39x1x128xi32, #tpu.memory_space<vmem>> -> memref<1x1x128xi32, #tpu.memory_space<vmem>>
        %dma_start3A_46 = tpu.memref_squeeze %dma_start3A_45 : memref<1x1x128xi32, #tpu.memory_space<vmem>> -> memref<128xi32, #tpu.memory_space<vmem>>
        %dma_start3A_47 = arith.constant 0 : i32
        %dma_start3A_48 = arith.constant 0 : i32
        %dma_start3A_49 = tpu.memref_slice %arg7[%dma_start3A_47, %dma_start3A_48] : memref<10240x16xf32, #tpu.memory_space<vmem_shared>> -> memref<10240x16xf32, #tpu.memory_space<vmem_shared>>
        tpu.enqueue_indirect_dma source(%arg5 : memref<128x16xf32, #tpu.memory_space<vmem>>) target(%dma_start3A_49 : memref<10240x16xf32, #tpu.memory_space<vmem_shared>>) offsets(%dma_start3A_46 : memref<128xi32, #tpu.memory_space<vmem>>) semaphore(%run_scoped3A_44 : memref<!tpu.dma_semaphore, #tpu.memory_space<semaphore_mem>>) {add = true}
        %dma_wait3A = arith.constant 0 : i32
        %dma_wait3A_50 = tpu.memref_slice %arg4[%add3A_43, %run_scoped3A, %dma_wait3A] : memref<39x1x128xi32, #tpu.memory_space<vmem>> -> memref<1x1x128xi32, #tpu.memory_space<vmem>>
        %dma_wait3A_51 = tpu.memref_squeeze %dma_wait3A_50 : memref<1x1x128xi32, #tpu.memory_space<vmem>> -> memref<128xi32, #tpu.memory_space<vmem>>
        %dma_wait3A_52 = arith.constant 0 : i32
        %dma_wait3A_53 = arith.constant 0 : i32
        %dma_wait3A_54 = tpu.memref_slice %arg7[%dma_wait3A_52, %dma_wait3A_53] : memref<10240x16xf32, #tpu.memory_space<vmem_shared>> -> memref<10240x16xf32, #tpu.memory_space<vmem_shared>>
        tpu.wait_indirect_dma semaphore(%run_scoped3A_44 : memref<!tpu.dma_semaphore, #tpu.memory_space<semaphore_mem>>) src(%arg5 : memref<128x16xf32, #tpu.memory_space<vmem>>) dst(%dma_wait3A_54 : memref<10240x16xf32, #tpu.memory_space<vmem_shared>>)
        tpu.yield
      }) : () -> ()
    }
    %scan3A_31 = arith.constant 39 : i32
    %lt3A = arith.constant 2 : i32
    %lt3A_32 = arith.cmpi slt, %add3A, %lt3A : i32
    %convert_element_type3A = arith.extui %lt3A_32 : i1 to i32
    %cond3A = arith.constant 0 : i32
    %cond3A_33 = arith.cmpi ne, %convert_element_type3A, %cond3A : i32
    scf.if %cond3A_33 {
      %add3A_39 = arith.constant 2498 : i32
      %add3A_40 = arith.addi %add3A_39, %add3A : i32
      "tpu.region"() ({
        %run_scoped3A_42 = tpu.sem_alloc : memref<!tpu.dma_semaphore, #tpu.memory_space<semaphore_mem>>
        %dma_start3A = arith.constant 0 : i32
        %dma_start3A_43 = arith.constant 0 : i32
        %dma_start3A_44 = arith.constant 0 : i32
        %dma_start3A_45 = tpu.memref_slice %arg4[%dma_start3A, %dma_start3A_43, %dma_start3A_44] : memref<39x1x128xi32, #tpu.memory_space<vmem>> -> memref<1x1x128xi32, #tpu.memory_space<vmem>>
        %dma_start3A_46 = arith.constant 0 : i32
        %dma_start3A_47 = arith.constant 0 : i32
        %dma_start3A_48 = tpu.memref_slice %arg2[%add3A_40, %dma_start3A_46, %dma_start3A_47] : memref<2500x1x128xi32, #tpu.memory_space<hbm>> -> memref<1x1x128xi32, #tpu.memory_space<hbm>>
        %dma_start3A_49 = arith.constant 0 : i32
        %dma_start3A_50 = arith.constant 0 : i32
        %dma_start3A_51 = arith.constant 0 : i32
        %dma_start3A_52 = tpu.memref_slice %arg4[%dma_start3A_49, %dma_start3A_50, %dma_start3A_51] : memref<39x1x128xi32, #tpu.memory_space<vmem>> -> memref<1x1x128xi32, #tpu.memory_space<vmem>>
        %dma_start3A_53 = arith.constant 0 : i32
        %dma_start3A_54 = arith.constant 0 : i32
        %dma_start3A_55 = tpu.memref_slice %arg2[%add3A_40, %dma_start3A_53, %dma_start3A_54] : memref<2500x1x128xi32, #tpu.memory_space<hbm>> -> memref<1x1x128xi32, #tpu.memory_space<hbm>>
        tpu.enqueue_dma source(%dma_start3A_55 : memref<1x1x128xi32, #tpu.memory_space<hbm>>) target(%dma_start3A_52 : memref<1x1x128xi32, #tpu.memory_space<vmem>>) target_semaphore(%run_scoped3A_42 : memref<!tpu.dma_semaphore, #tpu.memory_space<semaphore_mem>>)
        %dma_wait3A = arith.constant 0 : i32
        %dma_wait3A_56 = arith.constant 0 : i32
        %dma_wait3A_57 = arith.constant 0 : i32
        %dma_wait3A_58 = tpu.memref_slice %arg4[%dma_wait3A, %dma_wait3A_56, %dma_wait3A_57] : memref<39x1x128xi32, #tpu.memory_space<vmem>> -> memref<1x1x128xi32, #tpu.memory_space<vmem>>
        %dma_wait3A_59 = arith.constant 0 : i32
        %dma_wait3A_60 = arith.constant 0 : i32
        %dma_wait3A_61 = tpu.memref_slice %arg2[%add3A_40, %dma_wait3A_59, %dma_wait3A_60] : memref<2500x1x128xi32, #tpu.memory_space<hbm>> -> memref<1x1x128xi32, #tpu.memory_space<hbm>>
        %dma_wait3A_62 = arith.constant 0 : i32
        %dma_wait3A_63 = arith.constant 0 : i32
        %dma_wait3A_64 = arith.constant 0 : i32
        %dma_wait3A_65 = tpu.memref_slice %arg4[%dma_wait3A_62, %dma_wait3A_63, %dma_wait3A_64] : memref<39x1x128xi32, #tpu.memory_space<vmem>> -> memref<1x1x128xi32, #tpu.memory_space<vmem>>
        %dma_wait3A_66 = arith.constant 0 : i32
        %dma_wait3A_67 = arith.constant 0 : i32
        %dma_wait3A_68 = tpu.memref_slice %arg2[%add3A_40, %dma_wait3A_66, %dma_wait3A_67] : memref<2500x1x128xi32, #tpu.memory_space<hbm>> -> memref<1x1x128xi32, #tpu.memory_space<hbm>>
        tpu.wait_dma2 semaphore(%run_scoped3A_42 : memref<!tpu.dma_semaphore, #tpu.memory_space<semaphore_mem>>) src(%dma_wait3A_68 : memref<1x1x128xi32, #tpu.memory_space<hbm>>) dst(%dma_wait3A_65 : memref<1x1x128xi32, #tpu.memory_space<vmem>>)
        tpu.yield
      }) : () -> ()
      %run_scoped3A = arith.constant 0 : i32
      %run_scoped3A_41 = arith.constant 0 : i32
      "tpu.region"() ({
        %run_scoped3A_42 = tpu.sem_alloc : memref<!tpu.dma_semaphore, #tpu.memory_space<semaphore_mem>>
        %dma_start3A = arith.constant 0 : i32
        %dma_start3A_43 = tpu.memref_slice %arg4[%run_scoped3A, %run_scoped3A_41, %dma_start3A] : memref<39x1x128xi32, #tpu.memory_space<vmem>> -> memref<1x1x128xi32, #tpu.memory_space<vmem>>
        %dma_start3A_44 = tpu.memref_squeeze %dma_start3A_43 : memref<1x1x128xi32, #tpu.memory_space<vmem>> -> memref<128xi32, #tpu.memory_space<vmem>>
        %dma_start3A_45 = arith.constant 0 : i32
        %dma_start3A_46 = arith.constant 0 : i32
        %dma_start3A_47 = tpu.memref_slice %arg7[%dma_start3A_45, %dma_start3A_46] : memref<10240x16xf32, #tpu.memory_space<vmem_shared>> -> memref<10240x16xf32, #tpu.memory_space<vmem_shared>>
        tpu.enqueue_indirect_dma source(%arg5 : memref<128x16xf32, #tpu.memory_space<vmem>>) target(%dma_start3A_47 : memref<10240x16xf32, #tpu.memory_space<vmem_shared>>) offsets(%dma_start3A_44 : memref<128xi32, #tpu.memory_space<vmem>>) semaphore(%run_scoped3A_42 : memref<!tpu.dma_semaphore, #tpu.memory_space<semaphore_mem>>) {add = true}
        %dma_wait3A = arith.constant 0 : i32
        %dma_wait3A_48 = tpu.memref_slice %arg4[%run_scoped3A, %run_scoped3A_41, %dma_wait3A] : memref<39x1x128xi32, #tpu.memory_space<vmem>> -> memref<1x1x128xi32, #tpu.memory_space<vmem>>
        %dma_wait3A_49 = tpu.memref_squeeze %dma_wait3A_48 : memref<1x1x128xi32, #tpu.memory_space<vmem>> -> memref<128xi32, #tpu.memory_space<vmem>>
        %dma_wait3A_50 = arith.constant 0 : i32
        %dma_wait3A_51 = arith.constant 0 : i32
        %dma_wait3A_52 = tpu.memref_slice %arg7[%dma_wait3A_50, %dma_wait3A_51] : memref<10240x16xf32, #tpu.memory_space<vmem_shared>> -> memref<10240x16xf32, #tpu.memory_space<vmem_shared>>
        tpu.wait_indirect_dma semaphore(%run_scoped3A_42 : memref<!tpu.dma_semaphore, #tpu.memory_space<semaphore_mem>>) src(%arg5 : memref<128x16xf32, #tpu.memory_space<vmem>>) dst(%dma_wait3A_52 : memref<10240x16xf32, #tpu.memory_space<vmem_shared>>)
        tpu.yield
      }) : () -> ()
    } else {
    }
    %barrier3A_34 = arith.constant 0 : index
    tpu.barrier barrier_id(%barrier3A_34)
    %mul3A_35 = arith.constant 640 : i32
    %mul3A_36 = arith.muli %arg1, %mul3A_35 : i32
    %mul3A_37 = arith.constant 640 : i32
    %mul3A_38 = arith.muli %arg1, %mul3A_37 : i32
    "tpu.region"() ({
      %run_scoped3A = tpu.sem_alloc : memref<!tpu.dma_semaphore, #tpu.memory_space<semaphore_mem>>
      %dma_start3A = arith.constant 0 : i32
      %dma_start3A_39 = tpu.memref_slice %arg3[%arg0, %mul3A_38, %dma_start3A] : memref<2x10240x16xf32, #tpu.memory_space<hbm>> -> memref<1x640x16xf32, #tpu.memory_space<hbm>>
      %dma_start3A_40 = tpu.memref_squeeze %dma_start3A_39 : memref<1x640x16xf32, #tpu.memory_space<hbm>> -> memref<640x16xf32, #tpu.memory_space<hbm>>
      %dma_start3A_41 = arith.constant 0 : i32
      %dma_start3A_42 = tpu.memref_slice %arg7[%mul3A_36, %dma_start3A_41] : memref<10240x16xf32, #tpu.memory_space<vmem_shared>> -> memref<640x16xf32, #tpu.memory_space<vmem_shared>>
      tpu.enqueue_dma source(%dma_start3A_42 : memref<640x16xf32, #tpu.memory_space<vmem_shared>>) target(%dma_start3A_40 : memref<640x16xf32, #tpu.memory_space<hbm>>) target_semaphore(%run_scoped3A : memref<!tpu.dma_semaphore, #tpu.memory_space<semaphore_mem>>)
      %dma_wait3A = arith.constant 0 : i32
      %dma_wait3A_43 = tpu.memref_slice %arg3[%arg0, %mul3A_38, %dma_wait3A] : memref<2x10240x16xf32, #tpu.memory_space<hbm>> -> memref<1x640x16xf32, #tpu.memory_space<hbm>>
      %dma_wait3A_44 = tpu.memref_squeeze %dma_wait3A_43 : memref<1x640x16xf32, #tpu.memory_space<hbm>> -> memref<640x16xf32, #tpu.memory_space<hbm>>
      %dma_wait3A_45 = arith.constant 0 : i32
      %dma_wait3A_46 = tpu.memref_slice %arg7[%mul3A_36, %dma_wait3A_45] : memref<10240x16xf32, #tpu.memory_space<vmem_shared>> -> memref<640x16xf32, #tpu.memory_space<vmem_shared>>
      tpu.wait_dma2 semaphore(%run_scoped3A : memref<!tpu.dma_semaphore, #tpu.memory_space<semaphore_mem>>) src(%dma_wait3A_46 : memref<640x16xf32, #tpu.memory_space<vmem_shared>>) dst(%dma_wait3A_44 : memref<640x16xf32, #tpu.memory_space<hbm>>)
      tpu.yield
    }) : () -> ()
    return
  }
}

#map = affine_map<(d0, d1) -> (0, 0)>
#map1 = affine_map<(d0, d1) -> (0)>
#map2 = affine_map<(d0, d1) -> (0, 0, 0)>
module attributes {stable_mosaic.version = 14 : i64} {
  func.func @_agg_kernel(%arg0: i32, %arg1: i32, %arg2: memref<20480x128xf32, #tpu.memory_space<hbm>>, %arg3: memref<320000xi32, #tpu.memory_space<hbm>>, %arg4: memref<2500x1x128xi32, #tpu.memory_space<hbm>>, %arg5: memref<2x10240x128xf32, #tpu.memory_space<hbm>>, %arg6: memref<3328xi32, #tpu.memory_space<vmem>>, %arg7: memref<26x1x128xi32, #tpu.memory_space<vmem>>, %arg8: memref<128x128xf32, #tpu.memory_space<vmem>>, %arg9: memref<128x128xf32, #tpu.memory_space<vmem>>, %arg10: memref<10240x128xf32, #tpu.memory_space<vmem_shared>>, %arg11: memref<!tpu.dma_semaphore, #tpu.memory_space<semaphore_mem>>, %arg12: memref<!tpu.dma_semaphore, #tpu.memory_space<semaphore_mem>>) attributes {dimension_semantics = [#tpu.dimension_semantics<core_parallel>, #tpu.dimension_semantics<subcore_parallel>], iteration_bounds = array<i64: 2, 16>, scalar_prefetch = 0 : i64, scratch_operands = 7 : i64, tpu.core_type = #tpu.core_type<sc_vector_subcore>, window_params = [{transform_indices = #map}, {transform_indices = #map1}, {transform_indices = #map2}, {transform_indices = #map2}]} {
    %broadcast_in_dim3A = arith.constant 0.000000e+00 : f32
    %broadcast_in_dim3A_0 = vector.broadcast %broadcast_in_dim3A : f32 to vector<16xf32>
    %scan3A = arith.constant 0 : i32
    %scan3A_1 = arith.constant 64 : i32
    %scan3A_2 = arith.addi %scan3A, %scan3A_1 : i32
    %scan3A_3 = arith.constant 1 : i32
    scf.for %scan3A_44 = %scan3A to %scan3A_2 step %scan3A_3  : i32 {
      %mul3A_45 = arith.constant 1 : i32
      %mul3A_46 = arith.muli %scan3A_44, %mul3A_45 : i32
      %add3A_47 = arith.constant 0 : i32
      %add3A_48 = arith.addi %add3A_47, %mul3A_46 : i32
      %scan3A_49 = arith.constant 0 : i32
      %scan3A_50 = arith.constant 8 : i32
      %scan3A_51 = arith.addi %scan3A_49, %scan3A_50 : i32
      %scan3A_52 = arith.constant 1 : i32
      scf.for %scan3A_54 = %scan3A_49 to %scan3A_51 step %scan3A_52  : i32 {
        %mul3A_55 = arith.constant 1 : i32
        %mul3A_56 = arith.muli %scan3A_54, %mul3A_55 : i32
        %add3A_57 = arith.constant 0 : i32
        %add3A_58 = arith.addi %add3A_57, %mul3A_56 : i32
        %mul3A_59 = arith.constant 16 : i32
        %mul3A_60 = arith.muli %add3A_58, %mul3A_59 : i32
        %swap3A = arith.index_cast %add3A_48 : i32 to index
        %swap3A_61 = arith.index_cast %mul3A_60 : i32 to index
        %swap3A_62 = tpu.vector_load %arg8[%swap3A, %swap3A_61] {strides = array<i32>} : memref<128x128xf32, #tpu.memory_space<vmem>>, vector<1x16xf32>,
        %swap3A_63 = vector.shape_cast %swap3A_62 : vector<1x16xf32> to vector<16xf32>
        %swap3A_64 = vector.shape_cast %broadcast_in_dim3A_0 : vector<16xf32> to vector<1x16xf32>
        tpu.vector_store %arg8[%swap3A, %swap3A_61], %swap3A_64 {strides = array<i32>} : memref<128x128xf32, #tpu.memory_space<vmem>>, vector<1x16xf32>,
      }
      %scan3A_53 = arith.constant 8 : i32
    }
    %scan3A_4 = arith.constant 64 : i32
    %scan3A_5 = arith.constant 0 : i32
    %scan3A_6 = arith.constant 10 : i32
    %scan3A_7 = arith.addi %scan3A_5, %scan3A_6 : i32
    %scan3A_8 = arith.constant 1 : i32
    scf.for %scan3A_44 = %scan3A_5 to %scan3A_7 step %scan3A_8  : i32 {
      %mul3A_45 = arith.constant 1 : i32
      %mul3A_46 = arith.muli %scan3A_44, %mul3A_45 : i32
      %add3A_47 = arith.constant 0 : i32
      %add3A_48 = arith.addi %add3A_47, %mul3A_46 : i32
      %mul3A_49 = arith.constant 640 : i32
      %mul3A_50 = arith.muli %arg1, %mul3A_49 : i32
      %mul3A_51 = arith.constant 64 : i32
      %mul3A_52 = arith.muli %add3A_48, %mul3A_51 : i32
      %add3A_53 = arith.addi %mul3A_50, %mul3A_52 : i32
      %dma_start3A = arith.constant 0 : i32
      %dma_start3A_54 = arith.constant 0 : i32
      %dma_start3A_55 = tpu.memref_slice %arg8[%dma_start3A, %dma_start3A_54] : memref<128x128xf32, #tpu.memory_space<vmem>> -> memref<64x128xf32, #tpu.memory_space<vmem>>
      %dma_start3A_56 = arith.constant 0 : i32
      %dma_start3A_57 = tpu.memref_slice %arg10[%add3A_53, %dma_start3A_56] : memref<10240x128xf32, #tpu.memory_space<vmem_shared>> -> memref<64x128xf32, #tpu.memory_space<vmem_shared>>
      %dma_start3A_58 = arith.constant 0 : i32
      %dma_start3A_59 = tpu.memref_slice %arg10[%add3A_53, %dma_start3A_58] : memref<10240x128xf32, #tpu.memory_space<vmem_shared>> -> memref<64x128xf32, #tpu.memory_space<vmem_shared>>
      %dma_start3A_60 = arith.constant 0 : i32
      %dma_start3A_61 = arith.constant 0 : i32
      %dma_start3A_62 = tpu.memref_slice %arg8[%dma_start3A_60, %dma_start3A_61] : memref<128x128xf32, #tpu.memory_space<vmem>> -> memref<64x128xf32, #tpu.memory_space<vmem>>
      tpu.enqueue_dma source(%dma_start3A_62 : memref<64x128xf32, #tpu.memory_space<vmem>>) target(%dma_start3A_59 : memref<64x128xf32, #tpu.memory_space<vmem_shared>>) target_semaphore(%arg11 : memref<!tpu.dma_semaphore, #tpu.memory_space<semaphore_mem>>)
    }
    %scan3A_9 = arith.constant 10 : i32
    %mul3A = arith.constant 10240 : i32
    %mul3A_10 = arith.muli %arg0, %mul3A : i32
    %scan3A_11 = arith.constant 0 : i32
    %scan3A_12 = arith.constant 10 : i32
    %scan3A_13 = arith.addi %scan3A_11, %scan3A_12 : i32
    %scan3A_14 = arith.constant 1 : i32
    scf.for %scan3A_44 = %scan3A_11 to %scan3A_13 step %scan3A_14  : i32 {
      %mul3A_45 = arith.constant 1 : i32
      %mul3A_46 = arith.muli %scan3A_44, %mul3A_45 : i32
      %add3A_47 = arith.constant 0 : i32
      %add3A_48 = arith.addi %add3A_47, %mul3A_46 : i32
      %mul3A_49 = arith.constant 640 : i32
      %mul3A_50 = arith.muli %arg1, %mul3A_49 : i32
      %dma_wait3A = arith.constant 0 : i32
      %dma_wait3A_51 = arith.constant 0 : i32
      %dma_wait3A_52 = tpu.memref_slice %arg8[%dma_wait3A, %dma_wait3A_51] : memref<128x128xf32, #tpu.memory_space<vmem>> -> memref<64x128xf32, #tpu.memory_space<vmem>>
      %dma_wait3A_53 = arith.constant 0 : i32
      %dma_wait3A_54 = tpu.memref_slice %arg10[%mul3A_50, %dma_wait3A_53] : memref<10240x128xf32, #tpu.memory_space<vmem_shared>> -> memref<64x128xf32, #tpu.memory_space<vmem_shared>>
      %dma_wait3A_55 = arith.constant 0 : i32
      %dma_wait3A_56 = tpu.memref_slice %arg10[%mul3A_50, %dma_wait3A_55] : memref<10240x128xf32, #tpu.memory_space<vmem_shared>> -> memref<64x128xf32, #tpu.memory_space<vmem_shared>>
      %dma_wait3A_57 = arith.constant 0 : i32
      %dma_wait3A_58 = arith.constant 0 : i32
      %dma_wait3A_59 = tpu.memref_slice %arg8[%dma_wait3A_57, %dma_wait3A_58] : memref<128x128xf32, #tpu.memory_space<vmem>> -> memref<64x128xf32, #tpu.memory_space<vmem>>
      tpu.wait_dma2 semaphore(%arg11 : memref<!tpu.dma_semaphore, #tpu.memory_space<semaphore_mem>>) src(%dma_wait3A_59 : memref<64x128xf32, #tpu.memory_space<vmem>>) dst(%dma_wait3A_56 : memref<64x128xf32, #tpu.memory_space<vmem_shared>>)
    }
    %scan3A_15 = arith.constant 10 : i32
    %mul3A_16 = arith.constant 78 : i32
    %mul3A_17 = arith.muli %arg1, %mul3A_16 : i32
    %add3A = arith.constant 0 : i32
    %add3A_18 = arith.addi %mul3A_17, %add3A : i32
    %mul3A_19 = arith.constant 128 : i32
    %mul3A_20 = arith.muli %add3A_18, %mul3A_19 : i32
    "tpu.region"() ({
      %run_scoped3A = tpu.sem_alloc : memref<!tpu.dma_semaphore, #tpu.memory_space<semaphore_mem>>
      %dma_start3A = tpu.memref_slice %arg3[%mul3A_20] : memref<320000xi32, #tpu.memory_space<hbm>> -> memref<3328xi32, #tpu.memory_space<hbm>>
      %dma_start3A_44 = tpu.memref_slice %arg3[%mul3A_20] : memref<320000xi32, #tpu.memory_space<hbm>> -> memref<3328xi32, #tpu.memory_space<hbm>>
      tpu.enqueue_dma source(%dma_start3A_44 : memref<3328xi32, #tpu.memory_space<hbm>>) target(%arg6 : memref<3328xi32, #tpu.memory_space<vmem>>) target_semaphore(%run_scoped3A : memref<!tpu.dma_semaphore, #tpu.memory_space<semaphore_mem>>)
      %dma_wait3A = tpu.memref_slice %arg3[%mul3A_20] : memref<320000xi32, #tpu.memory_space<hbm>> -> memref<3328xi32, #tpu.memory_space<hbm>>
      %dma_wait3A_45 = tpu.memref_slice %arg3[%mul3A_20] : memref<320000xi32, #tpu.memory_space<hbm>> -> memref<3328xi32, #tpu.memory_space<hbm>>
      tpu.wait_dma2 semaphore(%run_scoped3A : memref<!tpu.dma_semaphore, #tpu.memory_space<semaphore_mem>>) src(%dma_wait3A_45 : memref<3328xi32, #tpu.memory_space<hbm>>) dst(%arg6 : memref<3328xi32, #tpu.memory_space<vmem>>)
      tpu.yield
    }) : () -> ()
    %mul3A_21 = arith.constant 78 : i32
    %mul3A_22 = arith.muli %arg1, %mul3A_21 : i32
    %add3A_23 = arith.constant 1250 : i32
    %add3A_24 = arith.addi %add3A_23, %mul3A_22 : i32
    %add3A_25 = arith.constant 0 : i32
    %add3A_26 = arith.addi %add3A_24, %add3A_25 : i32
    "tpu.region"() ({
      %run_scoped3A = tpu.sem_alloc : memref<!tpu.dma_semaphore, #tpu.memory_space<semaphore_mem>>
      %dma_start3A = arith.constant 0 : i32
      %dma_start3A_44 = arith.constant 0 : i32
      %dma_start3A_45 = tpu.memref_slice %arg4[%add3A_26, %dma_start3A, %dma_start3A_44] : memref<2500x1x128xi32, #tpu.memory_space<hbm>> -> memref<26x1x128xi32, #tpu.memory_space<hbm>>
      %dma_start3A_46 = arith.constant 0 : i32
      %dma_start3A_47 = arith.constant 0 : i32
      %dma_start3A_48 = tpu.memref_slice %arg4[%add3A_26, %dma_start3A_46, %dma_start3A_47] : memref<2500x1x128xi32, #tpu.memory_space<hbm>> -> memref<26x1x128xi32, #tpu.memory_space<hbm>>
      tpu.enqueue_dma source(%dma_start3A_48 : memref<26x1x128xi32, #tpu.memory_space<hbm>>) target(%arg7 : memref<26x1x128xi32, #tpu.memory_space<vmem>>) target_semaphore(%run_scoped3A : memref<!tpu.dma_semaphore, #tpu.memory_space<semaphore_mem>>)
      %dma_wait3A = arith.constant 0 : i32
      %dma_wait3A_49 = arith.constant 0 : i32
      %dma_wait3A_50 = tpu.memref_slice %arg4[%add3A_26, %dma_wait3A, %dma_wait3A_49] : memref<2500x1x128xi32, #tpu.memory_space<hbm>> -> memref<26x1x128xi32, #tpu.memory_space<hbm>>
      %dma_wait3A_51 = arith.constant 0 : i32
      %dma_wait3A_52 = arith.constant 0 : i32
      %dma_wait3A_53 = tpu.memref_slice %arg4[%add3A_26, %dma_wait3A_51, %dma_wait3A_52] : memref<2500x1x128xi32, #tpu.memory_space<hbm>> -> memref<26x1x128xi32, #tpu.memory_space<hbm>>
      tpu.wait_dma2 semaphore(%run_scoped3A : memref<!tpu.dma_semaphore, #tpu.memory_space<semaphore_mem>>) src(%dma_wait3A_53 : memref<26x1x128xi32, #tpu.memory_space<hbm>>) dst(%arg7 : memref<26x1x128xi32, #tpu.memory_space<vmem>>)
      tpu.yield
    }) : () -> ()
    %scan3A_27 = arith.constant 0 : i32
    %scan3A_28 = arith.constant 208 : i32
    %scan3A_29 = arith.addi %scan3A_27, %scan3A_28 : i32
    %scan3A_30 = arith.constant 1 : i32
    scf.for %scan3A_44 = %scan3A_27 to %scan3A_29 step %scan3A_30  : i32 {
      %mul3A_45 = arith.constant 1 : i32
      %mul3A_46 = arith.muli %scan3A_44, %mul3A_45 : i32
      %add3A_47 = arith.constant 0 : i32
      %add3A_48 = arith.addi %add3A_47, %mul3A_46 : i32
      %mul3A_49 = arith.constant 16 : i32
      %mul3A_50 = arith.muli %add3A_48, %mul3A_49 : i32
      %get3A = arith.index_cast %mul3A_50 : i32 to index
      %get3A_51 = tpu.vector_load %arg6[%get3A] {strides = array<i32>} : memref<3328xi32, #tpu.memory_space<vmem>>, vector<16xi32>,
      %get3A_52 = vector.shape_cast %get3A_51 : vector<16xi32> to vector<16xi32>
      %add3A_53 = vector.broadcast %mul3A_10 : i32 to vector<16xi32>
      %add3A_54 = arith.addi %get3A_52, %add3A_53 : vector<16xi32>
      %mul3A_55 = arith.constant 16 : i32
      %mul3A_56 = arith.muli %add3A_48, %mul3A_55 : i32
      %swap3A = arith.index_cast %mul3A_56 : i32 to index
      %swap3A_57 = tpu.vector_load %arg6[%swap3A] {strides = array<i32>} : memref<3328xi32, #tpu.memory_space<vmem>>, vector<16xi32>,
      %swap3A_58 = vector.shape_cast %swap3A_57 : vector<16xi32> to vector<16xi32>
      %swap3A_59 = vector.shape_cast %add3A_54 : vector<16xi32> to vector<16xi32>
      tpu.vector_store %arg6[%swap3A], %swap3A_59 {strides = array<i32>} : memref<3328xi32, #tpu.memory_space<vmem>>, vector<16xi32>,
    }
    %scan3A_31 = arith.constant 208 : i32
    %barrier3A = arith.constant 0 : index
    tpu.barrier barrier_id(%barrier3A)
    %scan3A_32 = arith.constant 0 : i32
    %scan3A_33 = arith.constant 3 : i32
    %scan3A_34 = arith.addi %scan3A_32, %scan3A_33 : i32
    %scan3A_35 = arith.constant 1 : i32
    scf.for %scan3A_44 = %scan3A_32 to %scan3A_34 step %scan3A_35  : i32 {
      %mul3A_45 = arith.constant 1 : i32
      %mul3A_46 = arith.muli %scan3A_44, %mul3A_45 : i32
      %add3A_47 = arith.constant 0 : i32
      %add3A_48 = arith.addi %add3A_47, %mul3A_46 : i32
      %gt3A = arith.constant 0 : i32
      %gt3A_49 = arith.cmpi sgt, %add3A_48, %gt3A : i32
      %convert_element_type3A_50 = arith.extui %gt3A_49 : i1 to i32
      %cond3A_51 = arith.constant 0 : i32
      %cond3A_52 = arith.cmpi ne, %convert_element_type3A_50, %cond3A_51 : i32
      scf.if %cond3A_52 {
        %mul3A_62 = arith.constant 78 : i32
        %mul3A_63 = arith.muli %arg1, %mul3A_62 : i32
        %mul3A_64 = arith.constant 26 : i32
        %mul3A_65 = arith.muli %add3A_48, %mul3A_64 : i32
        %add3A_66 = arith.addi %mul3A_63, %mul3A_65 : i32
        %mul3A_67 = arith.constant 128 : i32
        %mul3A_68 = arith.muli %add3A_66, %mul3A_67 : i32
        "tpu.region"() ({
          %run_scoped3A = tpu.sem_alloc : memref<!tpu.dma_semaphore, #tpu.memory_space<semaphore_mem>>
          %dma_start3A_81 = tpu.memref_slice %arg3[%mul3A_68] : memref<320000xi32, #tpu.memory_space<hbm>> -> memref<3328xi32, #tpu.memory_space<hbm>>
          %dma_start3A_82 = tpu.memref_slice %arg3[%mul3A_68] : memref<320000xi32, #tpu.memory_space<hbm>> -> memref<3328xi32, #tpu.memory_space<hbm>>
          tpu.enqueue_dma source(%dma_start3A_82 : memref<3328xi32, #tpu.memory_space<hbm>>) target(%arg6 : memref<3328xi32, #tpu.memory_space<vmem>>) target_semaphore(%run_scoped3A : memref<!tpu.dma_semaphore, #tpu.memory_space<semaphore_mem>>)
          %dma_wait3A = tpu.memref_slice %arg3[%mul3A_68] : memref<320000xi32, #tpu.memory_space<hbm>> -> memref<3328xi32, #tpu.memory_space<hbm>>
          %dma_wait3A_83 = tpu.memref_slice %arg3[%mul3A_68] : memref<320000xi32, #tpu.memory_space<hbm>> -> memref<3328xi32, #tpu.memory_space<hbm>>
          tpu.wait_dma2 semaphore(%run_scoped3A : memref<!tpu.dma_semaphore, #tpu.memory_space<semaphore_mem>>) src(%dma_wait3A_83 : memref<3328xi32, #tpu.memory_space<hbm>>) dst(%arg6 : memref<3328xi32, #tpu.memory_space<vmem>>)
          tpu.yield
        }) : () -> ()
        %mul3A_69 = arith.constant 78 : i32
        %mul3A_70 = arith.muli %arg1, %mul3A_69 : i32
        %add3A_71 = arith.constant 1250 : i32
        %add3A_72 = arith.addi %add3A_71, %mul3A_70 : i32
        %mul3A_73 = arith.constant 26 : i32
        %mul3A_74 = arith.muli %add3A_48, %mul3A_73 : i32
        %add3A_75 = arith.addi %add3A_72, %mul3A_74 : i32
        "tpu.region"() ({
          %run_scoped3A = tpu.sem_alloc : memref<!tpu.dma_semaphore, #tpu.memory_space<semaphore_mem>>
          %dma_start3A_81 = arith.constant 0 : i32
          %dma_start3A_82 = arith.constant 0 : i32
          %dma_start3A_83 = tpu.memref_slice %arg4[%add3A_75, %dma_start3A_81, %dma_start3A_82] : memref<2500x1x128xi32, #tpu.memory_space<hbm>> -> memref<26x1x128xi32, #tpu.memory_space<hbm>>
          %dma_start3A_84 = arith.constant 0 : i32
          %dma_start3A_85 = arith.constant 0 : i32
          %dma_start3A_86 = tpu.memref_slice %arg4[%add3A_75, %dma_start3A_84, %dma_start3A_85] : memref<2500x1x128xi32, #tpu.memory_space<hbm>> -> memref<26x1x128xi32, #tpu.memory_space<hbm>>
          tpu.enqueue_dma source(%dma_start3A_86 : memref<26x1x128xi32, #tpu.memory_space<hbm>>) target(%arg7 : memref<26x1x128xi32, #tpu.memory_space<vmem>>) target_semaphore(%run_scoped3A : memref<!tpu.dma_semaphore, #tpu.memory_space<semaphore_mem>>)
          %dma_wait3A = arith.constant 0 : i32
          %dma_wait3A_87 = arith.constant 0 : i32
          %dma_wait3A_88 = tpu.memref_slice %arg4[%add3A_75, %dma_wait3A, %dma_wait3A_87] : memref<2500x1x128xi32, #tpu.memory_space<hbm>> -> memref<26x1x128xi32, #tpu.memory_space<hbm>>
          %dma_wait3A_89 = arith.constant 0 : i32
          %dma_wait3A_90 = arith.constant 0 : i32
          %dma_wait3A_91 = tpu.memref_slice %arg4[%add3A_75, %dma_wait3A_89, %dma_wait3A_90] : memref<2500x1x128xi32, #tpu.memory_space<hbm>> -> memref<26x1x128xi32, #tpu.memory_space<hbm>>
          tpu.wait_dma2 semaphore(%run_scoped3A : memref<!tpu.dma_semaphore, #tpu.memory_space<semaphore_mem>>) src(%dma_wait3A_91 : memref<26x1x128xi32, #tpu.memory_space<hbm>>) dst(%arg7 : memref<26x1x128xi32, #tpu.memory_space<vmem>>)
          tpu.yield
        }) : () -> ()
        %scan3A_76 = arith.constant 0 : i32
        %scan3A_77 = arith.constant 208 : i32
        %scan3A_78 = arith.addi %scan3A_76, %scan3A_77 : i32
        %scan3A_79 = arith.constant 1 : i32
        scf.for %scan3A_81 = %scan3A_76 to %scan3A_78 step %scan3A_79  : i32 {
          %mul3A_82 = arith.constant 1 : i32
          %mul3A_83 = arith.muli %scan3A_81, %mul3A_82 : i32
          %add3A_84 = arith.constant 0 : i32
          %add3A_85 = arith.addi %add3A_84, %mul3A_83 : i32
          %mul3A_86 = arith.constant 16 : i32
          %mul3A_87 = arith.muli %add3A_85, %mul3A_86 : i32
          %get3A = arith.index_cast %mul3A_87 : i32 to index
          %get3A_88 = tpu.vector_load %arg6[%get3A] {strides = array<i32>} : memref<3328xi32, #tpu.memory_space<vmem>>, vector<16xi32>,
          %get3A_89 = vector.shape_cast %get3A_88 : vector<16xi32> to vector<16xi32>
          %add3A_90 = vector.broadcast %mul3A_10 : i32 to vector<16xi32>
          %add3A_91 = arith.addi %get3A_89, %add3A_90 : vector<16xi32>
          %mul3A_92 = arith.constant 16 : i32
          %mul3A_93 = arith.muli %add3A_85, %mul3A_92 : i32
          %swap3A = arith.index_cast %mul3A_93 : i32 to index
          %swap3A_94 = tpu.vector_load %arg6[%swap3A] {strides = array<i32>} : memref<3328xi32, #tpu.memory_space<vmem>>, vector<16xi32>,
          %swap3A_95 = vector.shape_cast %swap3A_94 : vector<16xi32> to vector<16xi32>
          %swap3A_96 = vector.shape_cast %add3A_91 : vector<16xi32> to vector<16xi32>
          tpu.vector_store %arg6[%swap3A], %swap3A_96 {strides = array<i32>} : memref<3328xi32, #tpu.memory_space<vmem>>, vector<16xi32>,
        }
        %scan3A_80 = arith.constant 208 : i32
      } else {
      }
      %dma_start3A = arith.constant 0 : i32
      %dma_start3A_53 = tpu.memref_slice %arg6[%dma_start3A] : memref<3328xi32, #tpu.memory_space<vmem>> -> memref<128xi32, #tpu.memory_space<vmem>>
      %dma_start3A_54 = arith.constant 0 : i32
      %dma_start3A_55 = arith.constant 0 : i32
      %dma_start3A_56 = tpu.memref_slice %arg2[%dma_start3A_54, %dma_start3A_55] : memref<20480x128xf32, #tpu.memory_space<hbm>> -> memref<20480x128xf32, #tpu.memory_space<hbm>>
      tpu.enqueue_indirect_dma source(%dma_start3A_56 : memref<20480x128xf32, #tpu.memory_space<hbm>>) target(%arg8 : memref<128x128xf32, #tpu.memory_space<vmem>>) offsets(%dma_start3A_53 : memref<128xi32, #tpu.memory_space<vmem>>) semaphore(%arg11 : memref<!tpu.dma_semaphore, #tpu.memory_space<semaphore_mem>>)
      %scan3A_57 = arith.constant 0 : i32
      %scan3A_58 = arith.constant 13 : i32
      %scan3A_59 = arith.addi %scan3A_57, %scan3A_58 : i32
      %scan3A_60 = arith.constant 1 : i32
      scf.for %scan3A_62 = %scan3A_57 to %scan3A_59 step %scan3A_60  : i32 {
        %mul3A_63 = arith.constant 2 : i32
        %mul3A_64 = arith.muli %scan3A_62, %mul3A_63 : i32
        %add3A_65 = arith.constant 0 : i32
        %add3A_66 = arith.addi %add3A_65, %mul3A_64 : i32
        %add3A_67 = arith.constant 1 : i32
        %add3A_68 = arith.addi %add3A_66, %add3A_67 : i32
        %mul3A_69 = arith.constant 128 : i32
        %mul3A_70 = arith.muli %add3A_68, %mul3A_69 : i32
        %dma_start3A_71 = tpu.memref_slice %arg6[%mul3A_70] : memref<3328xi32, #tpu.memory_space<vmem>> -> memref<128xi32, #tpu.memory_space<vmem>>
        %dma_start3A_72 = arith.constant 0 : i32
        %dma_start3A_73 = arith.constant 0 : i32
        %dma_start3A_74 = tpu.memref_slice %arg2[%dma_start3A_72, %dma_start3A_73] : memref<20480x128xf32, #tpu.memory_space<hbm>> -> memref<20480x128xf32, #tpu.memory_space<hbm>>
        tpu.enqueue_indirect_dma source(%dma_start3A_74 : memref<20480x128xf32, #tpu.memory_space<hbm>>) target(%arg9 : memref<128x128xf32, #tpu.memory_space<vmem>>) offsets(%dma_start3A_71 : memref<128xi32, #tpu.memory_space<vmem>>) semaphore(%arg12 : memref<!tpu.dma_semaphore, #tpu.memory_space<semaphore_mem>>)
        %dma_wait3A = arith.constant 0 : i32
        %dma_wait3A_75 = tpu.memref_slice %arg6[%dma_wait3A] : memref<3328xi32, #tpu.memory_space<vmem>> -> memref<128xi32, #tpu.memory_space<vmem>>
        %dma_wait3A_76 = arith.constant 0 : i32
        %dma_wait3A_77 = arith.constant 0 : i32
        %dma_wait3A_78 = tpu.memref_slice %arg2[%dma_wait3A_76, %dma_wait3A_77] : memref<20480x128xf32, #tpu.memory_space<hbm>> -> memref<20480x128xf32, #tpu.memory_space<hbm>>
        tpu.wait_indirect_dma semaphore(%arg11 : memref<!tpu.dma_semaphore, #tpu.memory_space<semaphore_mem>>) src(%dma_wait3A_78 : memref<20480x128xf32, #tpu.memory_space<hbm>>) dst(%arg8 : memref<128x128xf32, #tpu.memory_space<vmem>>)
        %run_scoped3A = arith.constant 0 : i32
        "tpu.region"() ({
          %run_scoped3A_94 = tpu.sem_alloc : memref<!tpu.dma_semaphore, #tpu.memory_space<semaphore_mem>>
          %dma_start3A_95 = arith.constant 0 : i32
          %dma_start3A_96 = tpu.memref_slice %arg7[%add3A_66, %run_scoped3A, %dma_start3A_95] : memref<26x1x128xi32, #tpu.memory_space<vmem>> -> memref<1x1x128xi32, #tpu.memory_space<vmem>>
          %dma_start3A_97 = tpu.memref_squeeze %dma_start3A_96 : memref<1x1x128xi32, #tpu.memory_space<vmem>> -> memref<128xi32, #tpu.memory_space<vmem>>
          %dma_start3A_98 = arith.constant 0 : i32
          %dma_start3A_99 = arith.constant 0 : i32
          %dma_start3A_100 = tpu.memref_slice %arg10[%dma_start3A_98, %dma_start3A_99] : memref<10240x128xf32, #tpu.memory_space<vmem_shared>> -> memref<10240x128xf32, #tpu.memory_space<vmem_shared>>
          tpu.enqueue_indirect_dma source(%arg8 : memref<128x128xf32, #tpu.memory_space<vmem>>) target(%dma_start3A_100 : memref<10240x128xf32, #tpu.memory_space<vmem_shared>>) offsets(%dma_start3A_97 : memref<128xi32, #tpu.memory_space<vmem>>) semaphore(%run_scoped3A_94 : memref<!tpu.dma_semaphore, #tpu.memory_space<semaphore_mem>>) {add = true}
          %dma_wait3A_101 = arith.constant 0 : i32
          %dma_wait3A_102 = tpu.memref_slice %arg7[%add3A_66, %run_scoped3A, %dma_wait3A_101] : memref<26x1x128xi32, #tpu.memory_space<vmem>> -> memref<1x1x128xi32, #tpu.memory_space<vmem>>
          %dma_wait3A_103 = tpu.memref_squeeze %dma_wait3A_102 : memref<1x1x128xi32, #tpu.memory_space<vmem>> -> memref<128xi32, #tpu.memory_space<vmem>>
          %dma_wait3A_104 = arith.constant 0 : i32
          %dma_wait3A_105 = arith.constant 0 : i32
          %dma_wait3A_106 = tpu.memref_slice %arg10[%dma_wait3A_104, %dma_wait3A_105] : memref<10240x128xf32, #tpu.memory_space<vmem_shared>> -> memref<10240x128xf32, #tpu.memory_space<vmem_shared>>
          tpu.wait_indirect_dma semaphore(%run_scoped3A_94 : memref<!tpu.dma_semaphore, #tpu.memory_space<semaphore_mem>>) src(%arg8 : memref<128x128xf32, #tpu.memory_space<vmem>>) dst(%dma_wait3A_106 : memref<10240x128xf32, #tpu.memory_space<vmem_shared>>)
          tpu.yield
        }) : () -> ()
        %add3A_79 = arith.constant 2 : i32
        %add3A_80 = arith.addi %add3A_66, %add3A_79 : i32
        %lt3A_81 = arith.constant 26 : i32
        %lt3A_82 = arith.cmpi slt, %add3A_80, %lt3A_81 : i32
        %convert_element_type3A_83 = arith.extui %lt3A_82 : i1 to i32
        %cond3A_84 = arith.constant 0 : i32
        %cond3A_85 = arith.cmpi ne, %convert_element_type3A_83, %cond3A_84 : i32
        scf.if %cond3A_85 {
          %add3A_94 = arith.constant 2 : i32
          %add3A_95 = arith.addi %add3A_66, %add3A_94 : i32
          %mul3A_96 = arith.constant 128 : i32
          %mul3A_97 = arith.muli %add3A_95, %mul3A_96 : i32
          %dma_start3A_98 = tpu.memref_slice %arg6[%mul3A_97] : memref<3328xi32, #tpu.memory_space<vmem>> -> memref<128xi32, #tpu.memory_space<vmem>>
          %dma_start3A_99 = arith.constant 0 : i32
          %dma_start3A_100 = arith.constant 0 : i32
          %dma_start3A_101 = tpu.memref_slice %arg2[%dma_start3A_99, %dma_start3A_100] : memref<20480x128xf32, #tpu.memory_space<hbm>> -> memref<20480x128xf32, #tpu.memory_space<hbm>>
          tpu.enqueue_indirect_dma source(%dma_start3A_101 : memref<20480x128xf32, #tpu.memory_space<hbm>>) target(%arg8 : memref<128x128xf32, #tpu.memory_space<vmem>>) offsets(%dma_start3A_98 : memref<128xi32, #tpu.memory_space<vmem>>) semaphore(%arg11 : memref<!tpu.dma_semaphore, #tpu.memory_space<semaphore_mem>>)
        } else {
        }
        %dma_wait3A_86 = arith.constant 0 : i32
        %dma_wait3A_87 = tpu.memref_slice %arg6[%dma_wait3A_86] : memref<3328xi32, #tpu.memory_space<vmem>> -> memref<128xi32, #tpu.memory_space<vmem>>
        %dma_wait3A_88 = arith.constant 0 : i32
        %dma_wait3A_89 = arith.constant 0 : i32
        %dma_wait3A_90 = tpu.memref_slice %arg2[%dma_wait3A_88, %dma_wait3A_89] : memref<20480x128xf32, #tpu.memory_space<hbm>> -> memref<20480x128xf32, #tpu.memory_space<hbm>>
        tpu.wait_indirect_dma semaphore(%arg12 : memref<!tpu.dma_semaphore, #tpu.memory_space<semaphore_mem>>) src(%dma_wait3A_90 : memref<20480x128xf32, #tpu.memory_space<hbm>>) dst(%arg9 : memref<128x128xf32, #tpu.memory_space<vmem>>)
        %add3A_91 = arith.constant 1 : i32
        %add3A_92 = arith.addi %add3A_66, %add3A_91 : i32
        %run_scoped3A_93 = arith.constant 0 : i32
        "tpu.region"() ({
          %run_scoped3A_94 = tpu.sem_alloc : memref<!tpu.dma_semaphore, #tpu.memory_space<semaphore_mem>>
          %dma_start3A_95 = arith.constant 0 : i32
          %dma_start3A_96 = tpu.memref_slice %arg7[%add3A_92, %run_scoped3A_93, %dma_start3A_95] : memref<26x1x128xi32, #tpu.memory_space<vmem>> -> memref<1x1x128xi32, #tpu.memory_space<vmem>>
          %dma_start3A_97 = tpu.memref_squeeze %dma_start3A_96 : memref<1x1x128xi32, #tpu.memory_space<vmem>> -> memref<128xi32, #tpu.memory_space<vmem>>
          %dma_start3A_98 = arith.constant 0 : i32
          %dma_start3A_99 = arith.constant 0 : i32
          %dma_start3A_100 = tpu.memref_slice %arg10[%dma_start3A_98, %dma_start3A_99] : memref<10240x128xf32, #tpu.memory_space<vmem_shared>> -> memref<10240x128xf32, #tpu.memory_space<vmem_shared>>
          tpu.enqueue_indirect_dma source(%arg9 : memref<128x128xf32, #tpu.memory_space<vmem>>) target(%dma_start3A_100 : memref<10240x128xf32, #tpu.memory_space<vmem_shared>>) offsets(%dma_start3A_97 : memref<128xi32, #tpu.memory_space<vmem>>) semaphore(%run_scoped3A_94 : memref<!tpu.dma_semaphore, #tpu.memory_space<semaphore_mem>>) {add = true}
          %dma_wait3A_101 = arith.constant 0 : i32
          %dma_wait3A_102 = tpu.memref_slice %arg7[%add3A_92, %run_scoped3A_93, %dma_wait3A_101] : memref<26x1x128xi32, #tpu.memory_space<vmem>> -> memref<1x1x128xi32, #tpu.memory_space<vmem>>
          %dma_wait3A_103 = tpu.memref_squeeze %dma_wait3A_102 : memref<1x1x128xi32, #tpu.memory_space<vmem>> -> memref<128xi32, #tpu.memory_space<vmem>>
          %dma_wait3A_104 = arith.constant 0 : i32
          %dma_wait3A_105 = arith.constant 0 : i32
          %dma_wait3A_106 = tpu.memref_slice %arg10[%dma_wait3A_104, %dma_wait3A_105] : memref<10240x128xf32, #tpu.memory_space<vmem_shared>> -> memref<10240x128xf32, #tpu.memory_space<vmem_shared>>
          tpu.wait_indirect_dma semaphore(%run_scoped3A_94 : memref<!tpu.dma_semaphore, #tpu.memory_space<semaphore_mem>>) src(%arg9 : memref<128x128xf32, #tpu.memory_space<vmem>>) dst(%dma_wait3A_106 : memref<10240x128xf32, #tpu.memory_space<vmem_shared>>)
          tpu.yield
        }) : () -> ()
      }
      %scan3A_61 = arith.constant 13 : i32
    }
    %scan3A_36 = arith.constant 3 : i32
    %lt3A = arith.constant 2 : i32
    %lt3A_37 = arith.cmpi slt, %arg1, %lt3A : i32
    %convert_element_type3A = arith.extui %lt3A_37 : i1 to i32
    %cond3A = arith.constant 0 : i32
    %cond3A_38 = arith.cmpi ne, %convert_element_type3A, %cond3A : i32
    scf.if %cond3A_38 {
      %add3A_44 = arith.constant 1248 : i32
      %add3A_45 = arith.addi %add3A_44, %arg1 : i32
      %mul3A_46 = arith.constant 128 : i32
      %mul3A_47 = arith.muli %add3A_45, %mul3A_46 : i32
      "tpu.region"() ({
        %run_scoped3A_64 = tpu.sem_alloc : memref<!tpu.dma_semaphore, #tpu.memory_space<semaphore_mem>>
        %dma_start3A_65 = arith.constant 0 : i32
        %dma_start3A_66 = tpu.memref_slice %arg6[%dma_start3A_65] : memref<3328xi32, #tpu.memory_space<vmem>> -> memref<128xi32, #tpu.memory_space<vmem>>
        %dma_start3A_67 = tpu.memref_slice %arg3[%mul3A_47] : memref<320000xi32, #tpu.memory_space<hbm>> -> memref<128xi32, #tpu.memory_space<hbm>>
        %dma_start3A_68 = arith.constant 0 : i32
        %dma_start3A_69 = tpu.memref_slice %arg6[%dma_start3A_68] : memref<3328xi32, #tpu.memory_space<vmem>> -> memref<128xi32, #tpu.memory_space<vmem>>
        %dma_start3A_70 = tpu.memref_slice %arg3[%mul3A_47] : memref<320000xi32, #tpu.memory_space<hbm>> -> memref<128xi32, #tpu.memory_space<hbm>>
        tpu.enqueue_dma source(%dma_start3A_70 : memref<128xi32, #tpu.memory_space<hbm>>) target(%dma_start3A_69 : memref<128xi32, #tpu.memory_space<vmem>>) target_semaphore(%run_scoped3A_64 : memref<!tpu.dma_semaphore, #tpu.memory_space<semaphore_mem>>)
        %dma_wait3A_71 = arith.constant 0 : i32
        %dma_wait3A_72 = tpu.memref_slice %arg6[%dma_wait3A_71] : memref<3328xi32, #tpu.memory_space<vmem>> -> memref<128xi32, #tpu.memory_space<vmem>>
        %dma_wait3A_73 = tpu.memref_slice %arg3[%mul3A_47] : memref<320000xi32, #tpu.memory_space<hbm>> -> memref<128xi32, #tpu.memory_space<hbm>>
        %dma_wait3A_74 = arith.constant 0 : i32
        %dma_wait3A_75 = tpu.memref_slice %arg6[%dma_wait3A_74] : memref<3328xi32, #tpu.memory_space<vmem>> -> memref<128xi32, #tpu.memory_space<vmem>>
        %dma_wait3A_76 = tpu.memref_slice %arg3[%mul3A_47] : memref<320000xi32, #tpu.memory_space<hbm>> -> memref<128xi32, #tpu.memory_space<hbm>>
        tpu.wait_dma2 semaphore(%run_scoped3A_64 : memref<!tpu.dma_semaphore, #tpu.memory_space<semaphore_mem>>) src(%dma_wait3A_76 : memref<128xi32, #tpu.memory_space<hbm>>) dst(%dma_wait3A_75 : memref<128xi32, #tpu.memory_space<vmem>>)
        tpu.yield
      }) : () -> ()
      %add3A_48 = arith.constant 1250 : i32
      %add3A_49 = arith.addi %add3A_48, %add3A_45 : i32
      "tpu.region"() ({
        %run_scoped3A_64 = tpu.sem_alloc : memref<!tpu.dma_semaphore, #tpu.memory_space<semaphore_mem>>
        %dma_start3A_65 = arith.constant 0 : i32
        %dma_start3A_66 = arith.constant 0 : i32
        %dma_start3A_67 = arith.constant 0 : i32
        %dma_start3A_68 = tpu.memref_slice %arg7[%dma_start3A_65, %dma_start3A_66, %dma_start3A_67] : memref<26x1x128xi32, #tpu.memory_space<vmem>> -> memref<1x1x128xi32, #tpu.memory_space<vmem>>
        %dma_start3A_69 = arith.constant 0 : i32
        %dma_start3A_70 = arith.constant 0 : i32
        %dma_start3A_71 = tpu.memref_slice %arg4[%add3A_49, %dma_start3A_69, %dma_start3A_70] : memref<2500x1x128xi32, #tpu.memory_space<hbm>> -> memref<1x1x128xi32, #tpu.memory_space<hbm>>
        %dma_start3A_72 = arith.constant 0 : i32
        %dma_start3A_73 = arith.constant 0 : i32
        %dma_start3A_74 = arith.constant 0 : i32
        %dma_start3A_75 = tpu.memref_slice %arg7[%dma_start3A_72, %dma_start3A_73, %dma_start3A_74] : memref<26x1x128xi32, #tpu.memory_space<vmem>> -> memref<1x1x128xi32, #tpu.memory_space<vmem>>
        %dma_start3A_76 = arith.constant 0 : i32
        %dma_start3A_77 = arith.constant 0 : i32
        %dma_start3A_78 = tpu.memref_slice %arg4[%add3A_49, %dma_start3A_76, %dma_start3A_77] : memref<2500x1x128xi32, #tpu.memory_space<hbm>> -> memref<1x1x128xi32, #tpu.memory_space<hbm>>
        tpu.enqueue_dma source(%dma_start3A_78 : memref<1x1x128xi32, #tpu.memory_space<hbm>>) target(%dma_start3A_75 : memref<1x1x128xi32, #tpu.memory_space<vmem>>) target_semaphore(%run_scoped3A_64 : memref<!tpu.dma_semaphore, #tpu.memory_space<semaphore_mem>>)
        %dma_wait3A_79 = arith.constant 0 : i32
        %dma_wait3A_80 = arith.constant 0 : i32
        %dma_wait3A_81 = arith.constant 0 : i32
        %dma_wait3A_82 = tpu.memref_slice %arg7[%dma_wait3A_79, %dma_wait3A_80, %dma_wait3A_81] : memref<26x1x128xi32, #tpu.memory_space<vmem>> -> memref<1x1x128xi32, #tpu.memory_space<vmem>>
        %dma_wait3A_83 = arith.constant 0 : i32
        %dma_wait3A_84 = arith.constant 0 : i32
        %dma_wait3A_85 = tpu.memref_slice %arg4[%add3A_49, %dma_wait3A_83, %dma_wait3A_84] : memref<2500x1x128xi32, #tpu.memory_space<hbm>> -> memref<1x1x128xi32, #tpu.memory_space<hbm>>
        %dma_wait3A_86 = arith.constant 0 : i32
        %dma_wait3A_87 = arith.constant 0 : i32
        %dma_wait3A_88 = arith.constant 0 : i32
        %dma_wait3A_89 = tpu.memref_slice %arg7[%dma_wait3A_86, %dma_wait3A_87, %dma_wait3A_88] : memref<26x1x128xi32, #tpu.memory_space<vmem>> -> memref<1x1x128xi32, #tpu.memory_space<vmem>>
        %dma_wait3A_90 = arith.constant 0 : i32
        %dma_wait3A_91 = arith.constant 0 : i32
        %dma_wait3A_92 = tpu.memref_slice %arg4[%add3A_49, %dma_wait3A_90, %dma_wait3A_91] : memref<2500x1x128xi32, #tpu.memory_space<hbm>> -> memref<1x1x128xi32, #tpu.memory_space<hbm>>
        tpu.wait_dma2 semaphore(%run_scoped3A_64 : memref<!tpu.dma_semaphore, #tpu.memory_space<semaphore_mem>>) src(%dma_wait3A_92 : memref<1x1x128xi32, #tpu.memory_space<hbm>>) dst(%dma_wait3A_89 : memref<1x1x128xi32, #tpu.memory_space<vmem>>)
        tpu.yield
      }) : () -> ()
      %scan3A_50 = arith.constant 0 : i32
      %scan3A_51 = arith.constant 8 : i32
      %scan3A_52 = arith.addi %scan3A_50, %scan3A_51 : i32
      %scan3A_53 = arith.constant 1 : i32
      scf.for %scan3A_64 = %scan3A_50 to %scan3A_52 step %scan3A_53  : i32 {
        %mul3A_65 = arith.constant 1 : i32
        %mul3A_66 = arith.muli %scan3A_64, %mul3A_65 : i32
        %add3A_67 = arith.constant 0 : i32
        %add3A_68 = arith.addi %add3A_67, %mul3A_66 : i32
        %mul3A_69 = arith.constant 16 : i32
        %mul3A_70 = arith.muli %add3A_68, %mul3A_69 : i32
        %get3A = arith.index_cast %mul3A_70 : i32 to index
        %get3A_71 = tpu.vector_load %arg6[%get3A] {strides = array<i32>} : memref<3328xi32, #tpu.memory_space<vmem>>, vector<16xi32>,
        %get3A_72 = vector.shape_cast %get3A_71 : vector<16xi32> to vector<16xi32>
        %add3A_73 = vector.broadcast %mul3A_10 : i32 to vector<16xi32>
        %add3A_74 = arith.addi %get3A_72, %add3A_73 : vector<16xi32>
        %mul3A_75 = arith.constant 16 : i32
        %mul3A_76 = arith.muli %add3A_68, %mul3A_75 : i32
        %swap3A = arith.index_cast %mul3A_76 : i32 to index
        %swap3A_77 = tpu.vector_load %arg6[%swap3A] {strides = array<i32>} : memref<3328xi32, #tpu.memory_space<vmem>>, vector<16xi32>,
        %swap3A_78 = vector.shape_cast %swap3A_77 : vector<16xi32> to vector<16xi32>
        %swap3A_79 = vector.shape_cast %add3A_74 : vector<16xi32> to vector<16xi32>
        tpu.vector_store %arg6[%swap3A], %swap3A_79 {strides = array<i32>} : memref<3328xi32, #tpu.memory_space<vmem>>, vector<16xi32>,
      }
      %scan3A_54 = arith.constant 8 : i32
      %dma_start3A = arith.constant 0 : i32
      %dma_start3A_55 = tpu.memref_slice %arg6[%dma_start3A] : memref<3328xi32, #tpu.memory_space<vmem>> -> memref<128xi32, #tpu.memory_space<vmem>>
      %dma_start3A_56 = arith.constant 0 : i32
      %dma_start3A_57 = arith.constant 0 : i32
      %dma_start3A_58 = tpu.memref_slice %arg2[%dma_start3A_56, %dma_start3A_57] : memref<20480x128xf32, #tpu.memory_space<hbm>> -> memref<20480x128xf32, #tpu.memory_space<hbm>>
      tpu.enqueue_indirect_dma source(%dma_start3A_58 : memref<20480x128xf32, #tpu.memory_space<hbm>>) target(%arg8 : memref<128x128xf32, #tpu.memory_space<vmem>>) offsets(%dma_start3A_55 : memref<128xi32, #tpu.memory_space<vmem>>) semaphore(%arg11 : memref<!tpu.dma_semaphore, #tpu.memory_space<semaphore_mem>>)
      %dma_wait3A = arith.constant 0 : i32
      %dma_wait3A_59 = tpu.memref_slice %arg6[%dma_wait3A] : memref<3328xi32, #tpu.memory_space<vmem>> -> memref<128xi32, #tpu.memory_space<vmem>>
      %dma_wait3A_60 = arith.constant 0 : i32
      %dma_wait3A_61 = arith.constant 0 : i32
      %dma_wait3A_62 = tpu.memref_slice %arg2[%dma_wait3A_60, %dma_wait3A_61] : memref<20480x128xf32, #tpu.memory_space<hbm>> -> memref<20480x128xf32, #tpu.memory_space<hbm>>
      tpu.wait_indirect_dma semaphore(%arg11 : memref<!tpu.dma_semaphore, #tpu.memory_space<semaphore_mem>>) src(%dma_wait3A_62 : memref<20480x128xf32, #tpu.memory_space<hbm>>) dst(%arg8 : memref<128x128xf32, #tpu.memory_space<vmem>>)
      %run_scoped3A = arith.constant 0 : i32
      %run_scoped3A_63 = arith.constant 0 : i32
      "tpu.region"() ({
        %run_scoped3A_64 = tpu.sem_alloc : memref<!tpu.dma_semaphore, #tpu.memory_space<semaphore_mem>>
        %dma_start3A_65 = arith.constant 0 : i32
        %dma_start3A_66 = tpu.memref_slice %arg7[%run_scoped3A, %run_scoped3A_63, %dma_start3A_65] : memref<26x1x128xi32, #tpu.memory_space<vmem>> -> memref<1x1x128xi32, #tpu.memory_space<vmem>>
        %dma_start3A_67 = tpu.memref_squeeze %dma_start3A_66 : memref<1x1x128xi32, #tpu.memory_space<vmem>> -> memref<128xi32, #tpu.memory_space<vmem>>
        %dma_start3A_68 = arith.constant 0 : i32
        %dma_start3A_69 = arith.constant 0 : i32
        %dma_start3A_70 = tpu.memref_slice %arg10[%dma_start3A_68, %dma_start3A_69] : memref<10240x128xf32, #tpu.memory_space<vmem_shared>> -> memref<10240x128xf32, #tpu.memory_space<vmem_shared>>
        tpu.enqueue_indirect_dma source(%arg8 : memref<128x128xf32, #tpu.memory_space<vmem>>) target(%dma_start3A_70 : memref<10240x128xf32, #tpu.memory_space<vmem_shared>>) offsets(%dma_start3A_67 : memref<128xi32, #tpu.memory_space<vmem>>) semaphore(%run_scoped3A_64 : memref<!tpu.dma_semaphore, #tpu.memory_space<semaphore_mem>>) {add = true}
        %dma_wait3A_71 = arith.constant 0 : i32
        %dma_wait3A_72 = tpu.memref_slice %arg7[%run_scoped3A, %run_scoped3A_63, %dma_wait3A_71] : memref<26x1x128xi32, #tpu.memory_space<vmem>> -> memref<1x1x128xi32, #tpu.memory_space<vmem>>
        %dma_wait3A_73 = tpu.memref_squeeze %dma_wait3A_72 : memref<1x1x128xi32, #tpu.memory_space<vmem>> -> memref<128xi32, #tpu.memory_space<vmem>>
        %dma_wait3A_74 = arith.constant 0 : i32
        %dma_wait3A_75 = arith.constant 0 : i32
        %dma_wait3A_76 = tpu.memref_slice %arg10[%dma_wait3A_74, %dma_wait3A_75] : memref<10240x128xf32, #tpu.memory_space<vmem_shared>> -> memref<10240x128xf32, #tpu.memory_space<vmem_shared>>
        tpu.wait_indirect_dma semaphore(%run_scoped3A_64 : memref<!tpu.dma_semaphore, #tpu.memory_space<semaphore_mem>>) src(%arg8 : memref<128x128xf32, #tpu.memory_space<vmem>>) dst(%dma_wait3A_76 : memref<10240x128xf32, #tpu.memory_space<vmem_shared>>)
        tpu.yield
      }) : () -> ()
    } else {
    }
    %barrier3A_39 = arith.constant 0 : index
    tpu.barrier barrier_id(%barrier3A_39)
    %mul3A_40 = arith.constant 640 : i32
    %mul3A_41 = arith.muli %arg1, %mul3A_40 : i32
    %mul3A_42 = arith.constant 640 : i32
    %mul3A_43 = arith.muli %arg1, %mul3A_42 : i32
    "tpu.region"() ({
      %run_scoped3A = tpu.sem_alloc : memref<!tpu.dma_semaphore, #tpu.memory_space<semaphore_mem>>
      %dma_start3A = arith.constant 0 : i32
      %dma_start3A_44 = tpu.memref_slice %arg5[%arg0, %mul3A_43, %dma_start3A] : memref<2x10240x128xf32, #tpu.memory_space<hbm>> -> memref<1x640x128xf32, #tpu.memory_space<hbm>>
      %dma_start3A_45 = tpu.memref_squeeze %dma_start3A_44 : memref<1x640x128xf32, #tpu.memory_space<hbm>> -> memref<640x128xf32, #tpu.memory_space<hbm>>
      %dma_start3A_46 = arith.constant 0 : i32
      %dma_start3A_47 = tpu.memref_slice %arg10[%mul3A_41, %dma_start3A_46] : memref<10240x128xf32, #tpu.memory_space<vmem_shared>> -> memref<640x128xf32, #tpu.memory_space<vmem_shared>>
      tpu.enqueue_dma source(%dma_start3A_47 : memref<640x128xf32, #tpu.memory_space<vmem_shared>>) target(%dma_start3A_45 : memref<640x128xf32, #tpu.memory_space<hbm>>) target_semaphore(%run_scoped3A : memref<!tpu.dma_semaphore, #tpu.memory_space<semaphore_mem>>)
      %dma_wait3A = arith.constant 0 : i32
      %dma_wait3A_48 = tpu.memref_slice %arg5[%arg0, %mul3A_43, %dma_wait3A] : memref<2x10240x128xf32, #tpu.memory_space<hbm>> -> memref<1x640x128xf32, #tpu.memory_space<hbm>>
      %dma_wait3A_49 = tpu.memref_squeeze %dma_wait3A_48 : memref<1x640x128xf32, #tpu.memory_space<hbm>> -> memref<640x128xf32, #tpu.memory_space<hbm>>
      %dma_wait3A_50 = arith.constant 0 : i32
      %dma_wait3A_51 = tpu.memref_slice %arg10[%mul3A_41, %dma_wait3A_50] : memref<10240x128xf32, #tpu.memory_space<vmem_shared>> -> memref<640x128xf32, #tpu.memory_space<vmem_shared>>
      tpu.wait_dma2 semaphore(%run_scoped3A : memref<!tpu.dma_semaphore, #tpu.memory_space<semaphore_mem>>) src(%dma_wait3A_51 : memref<640x128xf32, #tpu.memory_space<vmem_shared>>) dst(%dma_wait3A_49 : memref<640x128xf32, #tpu.memory_space<hbm>>)
      tpu.yield
    }) : () -> ()
    return
  }
}

#map = affine_map<(d0, d1) -> (0, 0)>
#map1 = affine_map<(d0, d1) -> (0)>
#map2 = affine_map<(d0, d1) -> (0, 0, 0)>
module attributes {stable_mosaic.version = 14 : i64} {
  func.func @_agg_kernel(%arg0: i32, %arg1: i32, %arg2: memref<20480x128xf32, #tpu.memory_space<hbm>>, %arg3: memref<320000xi32, #tpu.memory_space<hbm>>, %arg4: memref<2500x1x128xi32, #tpu.memory_space<hbm>>, %arg5: memref<2x10240x128xf32, #tpu.memory_space<hbm>>, %arg6: memref<3328xi32, #tpu.memory_space<vmem>>, %arg7: memref<26x1x128xi32, #tpu.memory_space<vmem>>, %arg8: memref<128x128xf32, #tpu.memory_space<vmem>>, %arg9: memref<128x128xf32, #tpu.memory_space<vmem>>, %arg10: memref<10240x128xf32, #tpu.memory_space<vmem_shared>>, %arg11: memref<!tpu.dma_semaphore, #tpu.memory_space<semaphore_mem>>, %arg12: memref<!tpu.dma_semaphore, #tpu.memory_space<semaphore_mem>>) attributes {dimension_semantics = [#tpu.dimension_semantics<core_parallel>, #tpu.dimension_semantics<subcore_parallel>], iteration_bounds = array<i64: 2, 16>, scalar_prefetch = 0 : i64, scratch_operands = 7 : i64, tpu.core_type = #tpu.core_type<sc_vector_subcore>, window_params = [{transform_indices = #map}, {transform_indices = #map1}, {transform_indices = #map2}, {transform_indices = #map2}]} {
    %broadcast_in_dim3A = arith.constant 0.000000e+00 : f32
    %broadcast_in_dim3A_0 = vector.broadcast %broadcast_in_dim3A : f32 to vector<16xf32>
    %scan3A = arith.constant 0 : i32
    %scan3A_1 = arith.constant 64 : i32
    %scan3A_2 = arith.addi %scan3A, %scan3A_1 : i32
    %scan3A_3 = arith.constant 1 : i32
    scf.for %scan3A_44 = %scan3A to %scan3A_2 step %scan3A_3  : i32 {
      %mul3A_45 = arith.constant 1 : i32
      %mul3A_46 = arith.muli %scan3A_44, %mul3A_45 : i32
      %add3A_47 = arith.constant 0 : i32
      %add3A_48 = arith.addi %add3A_47, %mul3A_46 : i32
      %scan3A_49 = arith.constant 0 : i32
      %scan3A_50 = arith.constant 8 : i32
      %scan3A_51 = arith.addi %scan3A_49, %scan3A_50 : i32
      %scan3A_52 = arith.constant 1 : i32
      scf.for %scan3A_54 = %scan3A_49 to %scan3A_51 step %scan3A_52  : i32 {
        %mul3A_55 = arith.constant 1 : i32
        %mul3A_56 = arith.muli %scan3A_54, %mul3A_55 : i32
        %add3A_57 = arith.constant 0 : i32
        %add3A_58 = arith.addi %add3A_57, %mul3A_56 : i32
        %mul3A_59 = arith.constant 16 : i32
        %mul3A_60 = arith.muli %add3A_58, %mul3A_59 : i32
        %swap3A = arith.index_cast %add3A_48 : i32 to index
        %swap3A_61 = arith.index_cast %mul3A_60 : i32 to index
        %swap3A_62 = tpu.vector_load %arg8[%swap3A, %swap3A_61] {strides = array<i32>} : memref<128x128xf32, #tpu.memory_space<vmem>>, vector<1x16xf32>,
        %swap3A_63 = vector.shape_cast %swap3A_62 : vector<1x16xf32> to vector<16xf32>
        %swap3A_64 = vector.shape_cast %broadcast_in_dim3A_0 : vector<16xf32> to vector<1x16xf32>
        tpu.vector_store %arg8[%swap3A, %swap3A_61], %swap3A_64 {strides = array<i32>} : memref<128x128xf32, #tpu.memory_space<vmem>>, vector<1x16xf32>,
      }
      %scan3A_53 = arith.constant 8 : i32
    }
    %scan3A_4 = arith.constant 64 : i32
    %scan3A_5 = arith.constant 0 : i32
    %scan3A_6 = arith.constant 10 : i32
    %scan3A_7 = arith.addi %scan3A_5, %scan3A_6 : i32
    %scan3A_8 = arith.constant 1 : i32
    scf.for %scan3A_44 = %scan3A_5 to %scan3A_7 step %scan3A_8  : i32 {
      %mul3A_45 = arith.constant 1 : i32
      %mul3A_46 = arith.muli %scan3A_44, %mul3A_45 : i32
      %add3A_47 = arith.constant 0 : i32
      %add3A_48 = arith.addi %add3A_47, %mul3A_46 : i32
      %mul3A_49 = arith.constant 640 : i32
      %mul3A_50 = arith.muli %arg1, %mul3A_49 : i32
      %mul3A_51 = arith.constant 64 : i32
      %mul3A_52 = arith.muli %add3A_48, %mul3A_51 : i32
      %add3A_53 = arith.addi %mul3A_50, %mul3A_52 : i32
      %dma_start3A = arith.constant 0 : i32
      %dma_start3A_54 = arith.constant 0 : i32
      %dma_start3A_55 = tpu.memref_slice %arg8[%dma_start3A, %dma_start3A_54] : memref<128x128xf32, #tpu.memory_space<vmem>> -> memref<64x128xf32, #tpu.memory_space<vmem>>
      %dma_start3A_56 = arith.constant 0 : i32
      %dma_start3A_57 = tpu.memref_slice %arg10[%add3A_53, %dma_start3A_56] : memref<10240x128xf32, #tpu.memory_space<vmem_shared>> -> memref<64x128xf32, #tpu.memory_space<vmem_shared>>
      %dma_start3A_58 = arith.constant 0 : i32
      %dma_start3A_59 = tpu.memref_slice %arg10[%add3A_53, %dma_start3A_58] : memref<10240x128xf32, #tpu.memory_space<vmem_shared>> -> memref<64x128xf32, #tpu.memory_space<vmem_shared>>
      %dma_start3A_60 = arith.constant 0 : i32
      %dma_start3A_61 = arith.constant 0 : i32
      %dma_start3A_62 = tpu.memref_slice %arg8[%dma_start3A_60, %dma_start3A_61] : memref<128x128xf32, #tpu.memory_space<vmem>> -> memref<64x128xf32, #tpu.memory_space<vmem>>
      tpu.enqueue_dma source(%dma_start3A_62 : memref<64x128xf32, #tpu.memory_space<vmem>>) target(%dma_start3A_59 : memref<64x128xf32, #tpu.memory_space<vmem_shared>>) target_semaphore(%arg11 : memref<!tpu.dma_semaphore, #tpu.memory_space<semaphore_mem>>)
    }
    %scan3A_9 = arith.constant 10 : i32
    %mul3A = arith.constant 10240 : i32
    %mul3A_10 = arith.muli %arg0, %mul3A : i32
    %scan3A_11 = arith.constant 0 : i32
    %scan3A_12 = arith.constant 10 : i32
    %scan3A_13 = arith.addi %scan3A_11, %scan3A_12 : i32
    %scan3A_14 = arith.constant 1 : i32
    scf.for %scan3A_44 = %scan3A_11 to %scan3A_13 step %scan3A_14  : i32 {
      %mul3A_45 = arith.constant 1 : i32
      %mul3A_46 = arith.muli %scan3A_44, %mul3A_45 : i32
      %add3A_47 = arith.constant 0 : i32
      %add3A_48 = arith.addi %add3A_47, %mul3A_46 : i32
      %mul3A_49 = arith.constant 640 : i32
      %mul3A_50 = arith.muli %arg1, %mul3A_49 : i32
      %dma_wait3A = arith.constant 0 : i32
      %dma_wait3A_51 = arith.constant 0 : i32
      %dma_wait3A_52 = tpu.memref_slice %arg8[%dma_wait3A, %dma_wait3A_51] : memref<128x128xf32, #tpu.memory_space<vmem>> -> memref<64x128xf32, #tpu.memory_space<vmem>>
      %dma_wait3A_53 = arith.constant 0 : i32
      %dma_wait3A_54 = tpu.memref_slice %arg10[%mul3A_50, %dma_wait3A_53] : memref<10240x128xf32, #tpu.memory_space<vmem_shared>> -> memref<64x128xf32, #tpu.memory_space<vmem_shared>>
      %dma_wait3A_55 = arith.constant 0 : i32
      %dma_wait3A_56 = tpu.memref_slice %arg10[%mul3A_50, %dma_wait3A_55] : memref<10240x128xf32, #tpu.memory_space<vmem_shared>> -> memref<64x128xf32, #tpu.memory_space<vmem_shared>>
      %dma_wait3A_57 = arith.constant 0 : i32
      %dma_wait3A_58 = arith.constant 0 : i32
      %dma_wait3A_59 = tpu.memref_slice %arg8[%dma_wait3A_57, %dma_wait3A_58] : memref<128x128xf32, #tpu.memory_space<vmem>> -> memref<64x128xf32, #tpu.memory_space<vmem>>
      tpu.wait_dma2 semaphore(%arg11 : memref<!tpu.dma_semaphore, #tpu.memory_space<semaphore_mem>>) src(%dma_wait3A_59 : memref<64x128xf32, #tpu.memory_space<vmem>>) dst(%dma_wait3A_56 : memref<64x128xf32, #tpu.memory_space<vmem_shared>>)
    }
    %scan3A_15 = arith.constant 10 : i32
    %mul3A_16 = arith.constant 78 : i32
    %mul3A_17 = arith.muli %arg1, %mul3A_16 : i32
    %add3A = arith.constant 0 : i32
    %add3A_18 = arith.addi %mul3A_17, %add3A : i32
    %mul3A_19 = arith.constant 128 : i32
    %mul3A_20 = arith.muli %add3A_18, %mul3A_19 : i32
    "tpu.region"() ({
      %run_scoped3A = tpu.sem_alloc : memref<!tpu.dma_semaphore, #tpu.memory_space<semaphore_mem>>
      %dma_start3A = tpu.memref_slice %arg3[%mul3A_20] : memref<320000xi32, #tpu.memory_space<hbm>> -> memref<3328xi32, #tpu.memory_space<hbm>>
      %dma_start3A_44 = tpu.memref_slice %arg3[%mul3A_20] : memref<320000xi32, #tpu.memory_space<hbm>> -> memref<3328xi32, #tpu.memory_space<hbm>>
      tpu.enqueue_dma source(%dma_start3A_44 : memref<3328xi32, #tpu.memory_space<hbm>>) target(%arg6 : memref<3328xi32, #tpu.memory_space<vmem>>) target_semaphore(%run_scoped3A : memref<!tpu.dma_semaphore, #tpu.memory_space<semaphore_mem>>)
      %dma_wait3A = tpu.memref_slice %arg3[%mul3A_20] : memref<320000xi32, #tpu.memory_space<hbm>> -> memref<3328xi32, #tpu.memory_space<hbm>>
      %dma_wait3A_45 = tpu.memref_slice %arg3[%mul3A_20] : memref<320000xi32, #tpu.memory_space<hbm>> -> memref<3328xi32, #tpu.memory_space<hbm>>
      tpu.wait_dma2 semaphore(%run_scoped3A : memref<!tpu.dma_semaphore, #tpu.memory_space<semaphore_mem>>) src(%dma_wait3A_45 : memref<3328xi32, #tpu.memory_space<hbm>>) dst(%arg6 : memref<3328xi32, #tpu.memory_space<vmem>>)
      tpu.yield
    }) : () -> ()
    %mul3A_21 = arith.constant 78 : i32
    %mul3A_22 = arith.muli %arg1, %mul3A_21 : i32
    %add3A_23 = arith.constant 1250 : i32
    %add3A_24 = arith.addi %add3A_23, %mul3A_22 : i32
    %add3A_25 = arith.constant 0 : i32
    %add3A_26 = arith.addi %add3A_24, %add3A_25 : i32
    "tpu.region"() ({
      %run_scoped3A = tpu.sem_alloc : memref<!tpu.dma_semaphore, #tpu.memory_space<semaphore_mem>>
      %dma_start3A = arith.constant 0 : i32
      %dma_start3A_44 = arith.constant 0 : i32
      %dma_start3A_45 = tpu.memref_slice %arg4[%add3A_26, %dma_start3A, %dma_start3A_44] : memref<2500x1x128xi32, #tpu.memory_space<hbm>> -> memref<26x1x128xi32, #tpu.memory_space<hbm>>
      %dma_start3A_46 = arith.constant 0 : i32
      %dma_start3A_47 = arith.constant 0 : i32
      %dma_start3A_48 = tpu.memref_slice %arg4[%add3A_26, %dma_start3A_46, %dma_start3A_47] : memref<2500x1x128xi32, #tpu.memory_space<hbm>> -> memref<26x1x128xi32, #tpu.memory_space<hbm>>
      tpu.enqueue_dma source(%dma_start3A_48 : memref<26x1x128xi32, #tpu.memory_space<hbm>>) target(%arg7 : memref<26x1x128xi32, #tpu.memory_space<vmem>>) target_semaphore(%run_scoped3A : memref<!tpu.dma_semaphore, #tpu.memory_space<semaphore_mem>>)
      %dma_wait3A = arith.constant 0 : i32
      %dma_wait3A_49 = arith.constant 0 : i32
      %dma_wait3A_50 = tpu.memref_slice %arg4[%add3A_26, %dma_wait3A, %dma_wait3A_49] : memref<2500x1x128xi32, #tpu.memory_space<hbm>> -> memref<26x1x128xi32, #tpu.memory_space<hbm>>
      %dma_wait3A_51 = arith.constant 0 : i32
      %dma_wait3A_52 = arith.constant 0 : i32
      %dma_wait3A_53 = tpu.memref_slice %arg4[%add3A_26, %dma_wait3A_51, %dma_wait3A_52] : memref<2500x1x128xi32, #tpu.memory_space<hbm>> -> memref<26x1x128xi32, #tpu.memory_space<hbm>>
      tpu.wait_dma2 semaphore(%run_scoped3A : memref<!tpu.dma_semaphore, #tpu.memory_space<semaphore_mem>>) src(%dma_wait3A_53 : memref<26x1x128xi32, #tpu.memory_space<hbm>>) dst(%arg7 : memref<26x1x128xi32, #tpu.memory_space<vmem>>)
      tpu.yield
    }) : () -> ()
    %scan3A_27 = arith.constant 0 : i32
    %scan3A_28 = arith.constant 208 : i32
    %scan3A_29 = arith.addi %scan3A_27, %scan3A_28 : i32
    %scan3A_30 = arith.constant 1 : i32
    scf.for %scan3A_44 = %scan3A_27 to %scan3A_29 step %scan3A_30  : i32 {
      %mul3A_45 = arith.constant 1 : i32
      %mul3A_46 = arith.muli %scan3A_44, %mul3A_45 : i32
      %add3A_47 = arith.constant 0 : i32
      %add3A_48 = arith.addi %add3A_47, %mul3A_46 : i32
      %mul3A_49 = arith.constant 16 : i32
      %mul3A_50 = arith.muli %add3A_48, %mul3A_49 : i32
      %get3A = arith.index_cast %mul3A_50 : i32 to index
      %get3A_51 = tpu.vector_load %arg6[%get3A] {strides = array<i32>} : memref<3328xi32, #tpu.memory_space<vmem>>, vector<16xi32>,
      %get3A_52 = vector.shape_cast %get3A_51 : vector<16xi32> to vector<16xi32>
      %add3A_53 = vector.broadcast %mul3A_10 : i32 to vector<16xi32>
      %add3A_54 = arith.addi %get3A_52, %add3A_53 : vector<16xi32>
      %mul3A_55 = arith.constant 16 : i32
      %mul3A_56 = arith.muli %add3A_48, %mul3A_55 : i32
      %swap3A = arith.index_cast %mul3A_56 : i32 to index
      %swap3A_57 = tpu.vector_load %arg6[%swap3A] {strides = array<i32>} : memref<3328xi32, #tpu.memory_space<vmem>>, vector<16xi32>,
      %swap3A_58 = vector.shape_cast %swap3A_57 : vector<16xi32> to vector<16xi32>
      %swap3A_59 = vector.shape_cast %add3A_54 : vector<16xi32> to vector<16xi32>
      tpu.vector_store %arg6[%swap3A], %swap3A_59 {strides = array<i32>} : memref<3328xi32, #tpu.memory_space<vmem>>, vector<16xi32>,
    }
    %scan3A_31 = arith.constant 208 : i32
    %barrier3A = arith.constant 0 : index
    tpu.barrier barrier_id(%barrier3A)
    %scan3A_32 = arith.constant 0 : i32
    %scan3A_33 = arith.constant 3 : i32
    %scan3A_34 = arith.addi %scan3A_32, %scan3A_33 : i32
    %scan3A_35 = arith.constant 1 : i32
    scf.for %scan3A_44 = %scan3A_32 to %scan3A_34 step %scan3A_35  : i32 {
      %mul3A_45 = arith.constant 1 : i32
      %mul3A_46 = arith.muli %scan3A_44, %mul3A_45 : i32
      %add3A_47 = arith.constant 0 : i32
      %add3A_48 = arith.addi %add3A_47, %mul3A_46 : i32
      %gt3A = arith.constant 0 : i32
      %gt3A_49 = arith.cmpi sgt, %add3A_48, %gt3A : i32
      %convert_element_type3A_50 = arith.extui %gt3A_49 : i1 to i32
      %cond3A_51 = arith.constant 0 : i32
      %cond3A_52 = arith.cmpi ne, %convert_element_type3A_50, %cond3A_51 : i32
      scf.if %cond3A_52 {
        %mul3A_62 = arith.constant 78 : i32
        %mul3A_63 = arith.muli %arg1, %mul3A_62 : i32
        %mul3A_64 = arith.constant 26 : i32
        %mul3A_65 = arith.muli %add3A_48, %mul3A_64 : i32
        %add3A_66 = arith.addi %mul3A_63, %mul3A_65 : i32
        %mul3A_67 = arith.constant 128 : i32
        %mul3A_68 = arith.muli %add3A_66, %mul3A_67 : i32
        "tpu.region"() ({
          %run_scoped3A = tpu.sem_alloc : memref<!tpu.dma_semaphore, #tpu.memory_space<semaphore_mem>>
          %dma_start3A_81 = tpu.memref_slice %arg3[%mul3A_68] : memref<320000xi32, #tpu.memory_space<hbm>> -> memref<3328xi32, #tpu.memory_space<hbm>>
          %dma_start3A_82 = tpu.memref_slice %arg3[%mul3A_68] : memref<320000xi32, #tpu.memory_space<hbm>> -> memref<3328xi32, #tpu.memory_space<hbm>>
          tpu.enqueue_dma source(%dma_start3A_82 : memref<3328xi32, #tpu.memory_space<hbm>>) target(%arg6 : memref<3328xi32, #tpu.memory_space<vmem>>) target_semaphore(%run_scoped3A : memref<!tpu.dma_semaphore, #tpu.memory_space<semaphore_mem>>)
          %dma_wait3A = tpu.memref_slice %arg3[%mul3A_68] : memref<320000xi32, #tpu.memory_space<hbm>> -> memref<3328xi32, #tpu.memory_space<hbm>>
          %dma_wait3A_83 = tpu.memref_slice %arg3[%mul3A_68] : memref<320000xi32, #tpu.memory_space<hbm>> -> memref<3328xi32, #tpu.memory_space<hbm>>
          tpu.wait_dma2 semaphore(%run_scoped3A : memref<!tpu.dma_semaphore, #tpu.memory_space<semaphore_mem>>) src(%dma_wait3A_83 : memref<3328xi32, #tpu.memory_space<hbm>>) dst(%arg6 : memref<3328xi32, #tpu.memory_space<vmem>>)
          tpu.yield
        }) : () -> ()
        %mul3A_69 = arith.constant 78 : i32
        %mul3A_70 = arith.muli %arg1, %mul3A_69 : i32
        %add3A_71 = arith.constant 1250 : i32
        %add3A_72 = arith.addi %add3A_71, %mul3A_70 : i32
        %mul3A_73 = arith.constant 26 : i32
        %mul3A_74 = arith.muli %add3A_48, %mul3A_73 : i32
        %add3A_75 = arith.addi %add3A_72, %mul3A_74 : i32
        "tpu.region"() ({
          %run_scoped3A = tpu.sem_alloc : memref<!tpu.dma_semaphore, #tpu.memory_space<semaphore_mem>>
          %dma_start3A_81 = arith.constant 0 : i32
          %dma_start3A_82 = arith.constant 0 : i32
          %dma_start3A_83 = tpu.memref_slice %arg4[%add3A_75, %dma_start3A_81, %dma_start3A_82] : memref<2500x1x128xi32, #tpu.memory_space<hbm>> -> memref<26x1x128xi32, #tpu.memory_space<hbm>>
          %dma_start3A_84 = arith.constant 0 : i32
          %dma_start3A_85 = arith.constant 0 : i32
          %dma_start3A_86 = tpu.memref_slice %arg4[%add3A_75, %dma_start3A_84, %dma_start3A_85] : memref<2500x1x128xi32, #tpu.memory_space<hbm>> -> memref<26x1x128xi32, #tpu.memory_space<hbm>>
          tpu.enqueue_dma source(%dma_start3A_86 : memref<26x1x128xi32, #tpu.memory_space<hbm>>) target(%arg7 : memref<26x1x128xi32, #tpu.memory_space<vmem>>) target_semaphore(%run_scoped3A : memref<!tpu.dma_semaphore, #tpu.memory_space<semaphore_mem>>)
          %dma_wait3A = arith.constant 0 : i32
          %dma_wait3A_87 = arith.constant 0 : i32
          %dma_wait3A_88 = tpu.memref_slice %arg4[%add3A_75, %dma_wait3A, %dma_wait3A_87] : memref<2500x1x128xi32, #tpu.memory_space<hbm>> -> memref<26x1x128xi32, #tpu.memory_space<hbm>>
          %dma_wait3A_89 = arith.constant 0 : i32
          %dma_wait3A_90 = arith.constant 0 : i32
          %dma_wait3A_91 = tpu.memref_slice %arg4[%add3A_75, %dma_wait3A_89, %dma_wait3A_90] : memref<2500x1x128xi32, #tpu.memory_space<hbm>> -> memref<26x1x128xi32, #tpu.memory_space<hbm>>
          tpu.wait_dma2 semaphore(%run_scoped3A : memref<!tpu.dma_semaphore, #tpu.memory_space<semaphore_mem>>) src(%dma_wait3A_91 : memref<26x1x128xi32, #tpu.memory_space<hbm>>) dst(%arg7 : memref<26x1x128xi32, #tpu.memory_space<vmem>>)
          tpu.yield
        }) : () -> ()
        %scan3A_76 = arith.constant 0 : i32
        %scan3A_77 = arith.constant 208 : i32
        %scan3A_78 = arith.addi %scan3A_76, %scan3A_77 : i32
        %scan3A_79 = arith.constant 1 : i32
        scf.for %scan3A_81 = %scan3A_76 to %scan3A_78 step %scan3A_79  : i32 {
          %mul3A_82 = arith.constant 1 : i32
          %mul3A_83 = arith.muli %scan3A_81, %mul3A_82 : i32
          %add3A_84 = arith.constant 0 : i32
          %add3A_85 = arith.addi %add3A_84, %mul3A_83 : i32
          %mul3A_86 = arith.constant 16 : i32
          %mul3A_87 = arith.muli %add3A_85, %mul3A_86 : i32
          %get3A = arith.index_cast %mul3A_87 : i32 to index
          %get3A_88 = tpu.vector_load %arg6[%get3A] {strides = array<i32>} : memref<3328xi32, #tpu.memory_space<vmem>>, vector<16xi32>,
          %get3A_89 = vector.shape_cast %get3A_88 : vector<16xi32> to vector<16xi32>
          %add3A_90 = vector.broadcast %mul3A_10 : i32 to vector<16xi32>
          %add3A_91 = arith.addi %get3A_89, %add3A_90 : vector<16xi32>
          %mul3A_92 = arith.constant 16 : i32
          %mul3A_93 = arith.muli %add3A_85, %mul3A_92 : i32
          %swap3A = arith.index_cast %mul3A_93 : i32 to index
          %swap3A_94 = tpu.vector_load %arg6[%swap3A] {strides = array<i32>} : memref<3328xi32, #tpu.memory_space<vmem>>, vector<16xi32>,
          %swap3A_95 = vector.shape_cast %swap3A_94 : vector<16xi32> to vector<16xi32>
          %swap3A_96 = vector.shape_cast %add3A_91 : vector<16xi32> to vector<16xi32>
          tpu.vector_store %arg6[%swap3A], %swap3A_96 {strides = array<i32>} : memref<3328xi32, #tpu.memory_space<vmem>>, vector<16xi32>,
        }
        %scan3A_80 = arith.constant 208 : i32
      } else {
      }
      %dma_start3A = arith.constant 0 : i32
      %dma_start3A_53 = tpu.memref_slice %arg6[%dma_start3A] : memref<3328xi32, #tpu.memory_space<vmem>> -> memref<128xi32, #tpu.memory_space<vmem>>
      %dma_start3A_54 = arith.constant 0 : i32
      %dma_start3A_55 = arith.constant 0 : i32
      %dma_start3A_56 = tpu.memref_slice %arg2[%dma_start3A_54, %dma_start3A_55] : memref<20480x128xf32, #tpu.memory_space<hbm>> -> memref<20480x128xf32, #tpu.memory_space<hbm>>
      tpu.enqueue_indirect_dma source(%dma_start3A_56 : memref<20480x128xf32, #tpu.memory_space<hbm>>) target(%arg8 : memref<128x128xf32, #tpu.memory_space<vmem>>) offsets(%dma_start3A_53 : memref<128xi32, #tpu.memory_space<vmem>>) semaphore(%arg11 : memref<!tpu.dma_semaphore, #tpu.memory_space<semaphore_mem>>)
      %scan3A_57 = arith.constant 0 : i32
      %scan3A_58 = arith.constant 13 : i32
      %scan3A_59 = arith.addi %scan3A_57, %scan3A_58 : i32
      %scan3A_60 = arith.constant 1 : i32
      scf.for %scan3A_62 = %scan3A_57 to %scan3A_59 step %scan3A_60  : i32 {
        %mul3A_63 = arith.constant 2 : i32
        %mul3A_64 = arith.muli %scan3A_62, %mul3A_63 : i32
        %add3A_65 = arith.constant 0 : i32
        %add3A_66 = arith.addi %add3A_65, %mul3A_64 : i32
        %add3A_67 = arith.constant 1 : i32
        %add3A_68 = arith.addi %add3A_66, %add3A_67 : i32
        %mul3A_69 = arith.constant 128 : i32
        %mul3A_70 = arith.muli %add3A_68, %mul3A_69 : i32
        %dma_start3A_71 = tpu.memref_slice %arg6[%mul3A_70] : memref<3328xi32, #tpu.memory_space<vmem>> -> memref<128xi32, #tpu.memory_space<vmem>>
        %dma_start3A_72 = arith.constant 0 : i32
        %dma_start3A_73 = arith.constant 0 : i32
        %dma_start3A_74 = tpu.memref_slice %arg2[%dma_start3A_72, %dma_start3A_73] : memref<20480x128xf32, #tpu.memory_space<hbm>> -> memref<20480x128xf32, #tpu.memory_space<hbm>>
        tpu.enqueue_indirect_dma source(%dma_start3A_74 : memref<20480x128xf32, #tpu.memory_space<hbm>>) target(%arg9 : memref<128x128xf32, #tpu.memory_space<vmem>>) offsets(%dma_start3A_71 : memref<128xi32, #tpu.memory_space<vmem>>) semaphore(%arg12 : memref<!tpu.dma_semaphore, #tpu.memory_space<semaphore_mem>>)
        %dma_wait3A = arith.constant 0 : i32
        %dma_wait3A_75 = tpu.memref_slice %arg6[%dma_wait3A] : memref<3328xi32, #tpu.memory_space<vmem>> -> memref<128xi32, #tpu.memory_space<vmem>>
        %dma_wait3A_76 = arith.constant 0 : i32
        %dma_wait3A_77 = arith.constant 0 : i32
        %dma_wait3A_78 = tpu.memref_slice %arg2[%dma_wait3A_76, %dma_wait3A_77] : memref<20480x128xf32, #tpu.memory_space<hbm>> -> memref<20480x128xf32, #tpu.memory_space<hbm>>
        tpu.wait_indirect_dma semaphore(%arg11 : memref<!tpu.dma_semaphore, #tpu.memory_space<semaphore_mem>>) src(%dma_wait3A_78 : memref<20480x128xf32, #tpu.memory_space<hbm>>) dst(%arg8 : memref<128x128xf32, #tpu.memory_space<vmem>>)
        %run_scoped3A = arith.constant 0 : i32
        "tpu.region"() ({
          %run_scoped3A_94 = tpu.sem_alloc : memref<!tpu.dma_semaphore, #tpu.memory_space<semaphore_mem>>
          %dma_start3A_95 = arith.constant 0 : i32
          %dma_start3A_96 = tpu.memref_slice %arg7[%add3A_66, %run_scoped3A, %dma_start3A_95] : memref<26x1x128xi32, #tpu.memory_space<vmem>> -> memref<1x1x128xi32, #tpu.memory_space<vmem>>
          %dma_start3A_97 = tpu.memref_squeeze %dma_start3A_96 : memref<1x1x128xi32, #tpu.memory_space<vmem>> -> memref<128xi32, #tpu.memory_space<vmem>>
          %dma_start3A_98 = arith.constant 0 : i32
          %dma_start3A_99 = arith.constant 0 : i32
          %dma_start3A_100 = tpu.memref_slice %arg10[%dma_start3A_98, %dma_start3A_99] : memref<10240x128xf32, #tpu.memory_space<vmem_shared>> -> memref<10240x128xf32, #tpu.memory_space<vmem_shared>>
          tpu.enqueue_indirect_dma source(%arg8 : memref<128x128xf32, #tpu.memory_space<vmem>>) target(%dma_start3A_100 : memref<10240x128xf32, #tpu.memory_space<vmem_shared>>) offsets(%dma_start3A_97 : memref<128xi32, #tpu.memory_space<vmem>>) semaphore(%run_scoped3A_94 : memref<!tpu.dma_semaphore, #tpu.memory_space<semaphore_mem>>) {add = true}
          %dma_wait3A_101 = arith.constant 0 : i32
          %dma_wait3A_102 = tpu.memref_slice %arg7[%add3A_66, %run_scoped3A, %dma_wait3A_101] : memref<26x1x128xi32, #tpu.memory_space<vmem>> -> memref<1x1x128xi32, #tpu.memory_space<vmem>>
          %dma_wait3A_103 = tpu.memref_squeeze %dma_wait3A_102 : memref<1x1x128xi32, #tpu.memory_space<vmem>> -> memref<128xi32, #tpu.memory_space<vmem>>
          %dma_wait3A_104 = arith.constant 0 : i32
          %dma_wait3A_105 = arith.constant 0 : i32
          %dma_wait3A_106 = tpu.memref_slice %arg10[%dma_wait3A_104, %dma_wait3A_105] : memref<10240x128xf32, #tpu.memory_space<vmem_shared>> -> memref<10240x128xf32, #tpu.memory_space<vmem_shared>>
          tpu.wait_indirect_dma semaphore(%run_scoped3A_94 : memref<!tpu.dma_semaphore, #tpu.memory_space<semaphore_mem>>) src(%arg8 : memref<128x128xf32, #tpu.memory_space<vmem>>) dst(%dma_wait3A_106 : memref<10240x128xf32, #tpu.memory_space<vmem_shared>>)
          tpu.yield
        }) : () -> ()
        %add3A_79 = arith.constant 2 : i32
        %add3A_80 = arith.addi %add3A_66, %add3A_79 : i32
        %lt3A_81 = arith.constant 26 : i32
        %lt3A_82 = arith.cmpi slt, %add3A_80, %lt3A_81 : i32
        %convert_element_type3A_83 = arith.extui %lt3A_82 : i1 to i32
        %cond3A_84 = arith.constant 0 : i32
        %cond3A_85 = arith.cmpi ne, %convert_element_type3A_83, %cond3A_84 : i32
        scf.if %cond3A_85 {
          %add3A_94 = arith.constant 2 : i32
          %add3A_95 = arith.addi %add3A_66, %add3A_94 : i32
          %mul3A_96 = arith.constant 128 : i32
          %mul3A_97 = arith.muli %add3A_95, %mul3A_96 : i32
          %dma_start3A_98 = tpu.memref_slice %arg6[%mul3A_97] : memref<3328xi32, #tpu.memory_space<vmem>> -> memref<128xi32, #tpu.memory_space<vmem>>
          %dma_start3A_99 = arith.constant 0 : i32
          %dma_start3A_100 = arith.constant 0 : i32
          %dma_start3A_101 = tpu.memref_slice %arg2[%dma_start3A_99, %dma_start3A_100] : memref<20480x128xf32, #tpu.memory_space<hbm>> -> memref<20480x128xf32, #tpu.memory_space<hbm>>
          tpu.enqueue_indirect_dma source(%dma_start3A_101 : memref<20480x128xf32, #tpu.memory_space<hbm>>) target(%arg8 : memref<128x128xf32, #tpu.memory_space<vmem>>) offsets(%dma_start3A_98 : memref<128xi32, #tpu.memory_space<vmem>>) semaphore(%arg11 : memref<!tpu.dma_semaphore, #tpu.memory_space<semaphore_mem>>)
        } else {
        }
        %dma_wait3A_86 = arith.constant 0 : i32
        %dma_wait3A_87 = tpu.memref_slice %arg6[%dma_wait3A_86] : memref<3328xi32, #tpu.memory_space<vmem>> -> memref<128xi32, #tpu.memory_space<vmem>>
        %dma_wait3A_88 = arith.constant 0 : i32
        %dma_wait3A_89 = arith.constant 0 : i32
        %dma_wait3A_90 = tpu.memref_slice %arg2[%dma_wait3A_88, %dma_wait3A_89] : memref<20480x128xf32, #tpu.memory_space<hbm>> -> memref<20480x128xf32, #tpu.memory_space<hbm>>
        tpu.wait_indirect_dma semaphore(%arg12 : memref<!tpu.dma_semaphore, #tpu.memory_space<semaphore_mem>>) src(%dma_wait3A_90 : memref<20480x128xf32, #tpu.memory_space<hbm>>) dst(%arg9 : memref<128x128xf32, #tpu.memory_space<vmem>>)
        %add3A_91 = arith.constant 1 : i32
        %add3A_92 = arith.addi %add3A_66, %add3A_91 : i32
        %run_scoped3A_93 = arith.constant 0 : i32
        "tpu.region"() ({
          %run_scoped3A_94 = tpu.sem_alloc : memref<!tpu.dma_semaphore, #tpu.memory_space<semaphore_mem>>
          %dma_start3A_95 = arith.constant 0 : i32
          %dma_start3A_96 = tpu.memref_slice %arg7[%add3A_92, %run_scoped3A_93, %dma_start3A_95] : memref<26x1x128xi32, #tpu.memory_space<vmem>> -> memref<1x1x128xi32, #tpu.memory_space<vmem>>
          %dma_start3A_97 = tpu.memref_squeeze %dma_start3A_96 : memref<1x1x128xi32, #tpu.memory_space<vmem>> -> memref<128xi32, #tpu.memory_space<vmem>>
          %dma_start3A_98 = arith.constant 0 : i32
          %dma_start3A_99 = arith.constant 0 : i32
          %dma_start3A_100 = tpu.memref_slice %arg10[%dma_start3A_98, %dma_start3A_99] : memref<10240x128xf32, #tpu.memory_space<vmem_shared>> -> memref<10240x128xf32, #tpu.memory_space<vmem_shared>>
          tpu.enqueue_indirect_dma source(%arg9 : memref<128x128xf32, #tpu.memory_space<vmem>>) target(%dma_start3A_100 : memref<10240x128xf32, #tpu.memory_space<vmem_shared>>) offsets(%dma_start3A_97 : memref<128xi32, #tpu.memory_space<vmem>>) semaphore(%run_scoped3A_94 : memref<!tpu.dma_semaphore, #tpu.memory_space<semaphore_mem>>) {add = true}
          %dma_wait3A_101 = arith.constant 0 : i32
          %dma_wait3A_102 = tpu.memref_slice %arg7[%add3A_92, %run_scoped3A_93, %dma_wait3A_101] : memref<26x1x128xi32, #tpu.memory_space<vmem>> -> memref<1x1x128xi32, #tpu.memory_space<vmem>>
          %dma_wait3A_103 = tpu.memref_squeeze %dma_wait3A_102 : memref<1x1x128xi32, #tpu.memory_space<vmem>> -> memref<128xi32, #tpu.memory_space<vmem>>
          %dma_wait3A_104 = arith.constant 0 : i32
          %dma_wait3A_105 = arith.constant 0 : i32
          %dma_wait3A_106 = tpu.memref_slice %arg10[%dma_wait3A_104, %dma_wait3A_105] : memref<10240x128xf32, #tpu.memory_space<vmem_shared>> -> memref<10240x128xf32, #tpu.memory_space<vmem_shared>>
          tpu.wait_indirect_dma semaphore(%run_scoped3A_94 : memref<!tpu.dma_semaphore, #tpu.memory_space<semaphore_mem>>) src(%arg9 : memref<128x128xf32, #tpu.memory_space<vmem>>) dst(%dma_wait3A_106 : memref<10240x128xf32, #tpu.memory_space<vmem_shared>>)
          tpu.yield
        }) : () -> ()
      }
      %scan3A_61 = arith.constant 13 : i32
    }
    %scan3A_36 = arith.constant 3 : i32
    %lt3A = arith.constant 2 : i32
    %lt3A_37 = arith.cmpi slt, %arg1, %lt3A : i32
    %convert_element_type3A = arith.extui %lt3A_37 : i1 to i32
    %cond3A = arith.constant 0 : i32
    %cond3A_38 = arith.cmpi ne, %convert_element_type3A, %cond3A : i32
    scf.if %cond3A_38 {
      %add3A_44 = arith.constant 1248 : i32
      %add3A_45 = arith.addi %add3A_44, %arg1 : i32
      %mul3A_46 = arith.constant 128 : i32
      %mul3A_47 = arith.muli %add3A_45, %mul3A_46 : i32
      "tpu.region"() ({
        %run_scoped3A_64 = tpu.sem_alloc : memref<!tpu.dma_semaphore, #tpu.memory_space<semaphore_mem>>
        %dma_start3A_65 = arith.constant 0 : i32
        %dma_start3A_66 = tpu.memref_slice %arg6[%dma_start3A_65] : memref<3328xi32, #tpu.memory_space<vmem>> -> memref<128xi32, #tpu.memory_space<vmem>>
        %dma_start3A_67 = tpu.memref_slice %arg3[%mul3A_47] : memref<320000xi32, #tpu.memory_space<hbm>> -> memref<128xi32, #tpu.memory_space<hbm>>
        %dma_start3A_68 = arith.constant 0 : i32
        %dma_start3A_69 = tpu.memref_slice %arg6[%dma_start3A_68] : memref<3328xi32, #tpu.memory_space<vmem>> -> memref<128xi32, #tpu.memory_space<vmem>>
        %dma_start3A_70 = tpu.memref_slice %arg3[%mul3A_47] : memref<320000xi32, #tpu.memory_space<hbm>> -> memref<128xi32, #tpu.memory_space<hbm>>
        tpu.enqueue_dma source(%dma_start3A_70 : memref<128xi32, #tpu.memory_space<hbm>>) target(%dma_start3A_69 : memref<128xi32, #tpu.memory_space<vmem>>) target_semaphore(%run_scoped3A_64 : memref<!tpu.dma_semaphore, #tpu.memory_space<semaphore_mem>>)
        %dma_wait3A_71 = arith.constant 0 : i32
        %dma_wait3A_72 = tpu.memref_slice %arg6[%dma_wait3A_71] : memref<3328xi32, #tpu.memory_space<vmem>> -> memref<128xi32, #tpu.memory_space<vmem>>
        %dma_wait3A_73 = tpu.memref_slice %arg3[%mul3A_47] : memref<320000xi32, #tpu.memory_space<hbm>> -> memref<128xi32, #tpu.memory_space<hbm>>
        %dma_wait3A_74 = arith.constant 0 : i32
        %dma_wait3A_75 = tpu.memref_slice %arg6[%dma_wait3A_74] : memref<3328xi32, #tpu.memory_space<vmem>> -> memref<128xi32, #tpu.memory_space<vmem>>
        %dma_wait3A_76 = tpu.memref_slice %arg3[%mul3A_47] : memref<320000xi32, #tpu.memory_space<hbm>> -> memref<128xi32, #tpu.memory_space<hbm>>
        tpu.wait_dma2 semaphore(%run_scoped3A_64 : memref<!tpu.dma_semaphore, #tpu.memory_space<semaphore_mem>>) src(%dma_wait3A_76 : memref<128xi32, #tpu.memory_space<hbm>>) dst(%dma_wait3A_75 : memref<128xi32, #tpu.memory_space<vmem>>)
        tpu.yield
      }) : () -> ()
      %add3A_48 = arith.constant 1250 : i32
      %add3A_49 = arith.addi %add3A_48, %add3A_45 : i32
      "tpu.region"() ({
        %run_scoped3A_64 = tpu.sem_alloc : memref<!tpu.dma_semaphore, #tpu.memory_space<semaphore_mem>>
        %dma_start3A_65 = arith.constant 0 : i32
        %dma_start3A_66 = arith.constant 0 : i32
        %dma_start3A_67 = arith.constant 0 : i32
        %dma_start3A_68 = tpu.memref_slice %arg7[%dma_start3A_65, %dma_start3A_66, %dma_start3A_67] : memref<26x1x128xi32, #tpu.memory_space<vmem>> -> memref<1x1x128xi32, #tpu.memory_space<vmem>>
        %dma_start3A_69 = arith.constant 0 : i32
        %dma_start3A_70 = arith.constant 0 : i32
        %dma_start3A_71 = tpu.memref_slice %arg4[%add3A_49, %dma_start3A_69, %dma_start3A_70] : memref<2500x1x128xi32, #tpu.memory_space<hbm>> -> memref<1x1x128xi32, #tpu.memory_space<hbm>>
        %dma_start3A_72 = arith.constant 0 : i32
        %dma_start3A_73 = arith.constant 0 : i32
        %dma_start3A_74 = arith.constant 0 : i32
        %dma_start3A_75 = tpu.memref_slice %arg7[%dma_start3A_72, %dma_start3A_73, %dma_start3A_74] : memref<26x1x128xi32, #tpu.memory_space<vmem>> -> memref<1x1x128xi32, #tpu.memory_space<vmem>>
        %dma_start3A_76 = arith.constant 0 : i32
        %dma_start3A_77 = arith.constant 0 : i32
        %dma_start3A_78 = tpu.memref_slice %arg4[%add3A_49, %dma_start3A_76, %dma_start3A_77] : memref<2500x1x128xi32, #tpu.memory_space<hbm>> -> memref<1x1x128xi32, #tpu.memory_space<hbm>>
        tpu.enqueue_dma source(%dma_start3A_78 : memref<1x1x128xi32, #tpu.memory_space<hbm>>) target(%dma_start3A_75 : memref<1x1x128xi32, #tpu.memory_space<vmem>>) target_semaphore(%run_scoped3A_64 : memref<!tpu.dma_semaphore, #tpu.memory_space<semaphore_mem>>)
        %dma_wait3A_79 = arith.constant 0 : i32
        %dma_wait3A_80 = arith.constant 0 : i32
        %dma_wait3A_81 = arith.constant 0 : i32
        %dma_wait3A_82 = tpu.memref_slice %arg7[%dma_wait3A_79, %dma_wait3A_80, %dma_wait3A_81] : memref<26x1x128xi32, #tpu.memory_space<vmem>> -> memref<1x1x128xi32, #tpu.memory_space<vmem>>
        %dma_wait3A_83 = arith.constant 0 : i32
        %dma_wait3A_84 = arith.constant 0 : i32
        %dma_wait3A_85 = tpu.memref_slice %arg4[%add3A_49, %dma_wait3A_83, %dma_wait3A_84] : memref<2500x1x128xi32, #tpu.memory_space<hbm>> -> memref<1x1x128xi32, #tpu.memory_space<hbm>>
        %dma_wait3A_86 = arith.constant 0 : i32
        %dma_wait3A_87 = arith.constant 0 : i32
        %dma_wait3A_88 = arith.constant 0 : i32
        %dma_wait3A_89 = tpu.memref_slice %arg7[%dma_wait3A_86, %dma_wait3A_87, %dma_wait3A_88] : memref<26x1x128xi32, #tpu.memory_space<vmem>> -> memref<1x1x128xi32, #tpu.memory_space<vmem>>
        %dma_wait3A_90 = arith.constant 0 : i32
        %dma_wait3A_91 = arith.constant 0 : i32
        %dma_wait3A_92 = tpu.memref_slice %arg4[%add3A_49, %dma_wait3A_90, %dma_wait3A_91] : memref<2500x1x128xi32, #tpu.memory_space<hbm>> -> memref<1x1x128xi32, #tpu.memory_space<hbm>>
        tpu.wait_dma2 semaphore(%run_scoped3A_64 : memref<!tpu.dma_semaphore, #tpu.memory_space<semaphore_mem>>) src(%dma_wait3A_92 : memref<1x1x128xi32, #tpu.memory_space<hbm>>) dst(%dma_wait3A_89 : memref<1x1x128xi32, #tpu.memory_space<vmem>>)
        tpu.yield
      }) : () -> ()
      %scan3A_50 = arith.constant 0 : i32
      %scan3A_51 = arith.constant 8 : i32
      %scan3A_52 = arith.addi %scan3A_50, %scan3A_51 : i32
      %scan3A_53 = arith.constant 1 : i32
      scf.for %scan3A_64 = %scan3A_50 to %scan3A_52 step %scan3A_53  : i32 {
        %mul3A_65 = arith.constant 1 : i32
        %mul3A_66 = arith.muli %scan3A_64, %mul3A_65 : i32
        %add3A_67 = arith.constant 0 : i32
        %add3A_68 = arith.addi %add3A_67, %mul3A_66 : i32
        %mul3A_69 = arith.constant 16 : i32
        %mul3A_70 = arith.muli %add3A_68, %mul3A_69 : i32
        %get3A = arith.index_cast %mul3A_70 : i32 to index
        %get3A_71 = tpu.vector_load %arg6[%get3A] {strides = array<i32>} : memref<3328xi32, #tpu.memory_space<vmem>>, vector<16xi32>,
        %get3A_72 = vector.shape_cast %get3A_71 : vector<16xi32> to vector<16xi32>
        %add3A_73 = vector.broadcast %mul3A_10 : i32 to vector<16xi32>
        %add3A_74 = arith.addi %get3A_72, %add3A_73 : vector<16xi32>
        %mul3A_75 = arith.constant 16 : i32
        %mul3A_76 = arith.muli %add3A_68, %mul3A_75 : i32
        %swap3A = arith.index_cast %mul3A_76 : i32 to index
        %swap3A_77 = tpu.vector_load %arg6[%swap3A] {strides = array<i32>} : memref<3328xi32, #tpu.memory_space<vmem>>, vector<16xi32>,
        %swap3A_78 = vector.shape_cast %swap3A_77 : vector<16xi32> to vector<16xi32>
        %swap3A_79 = vector.shape_cast %add3A_74 : vector<16xi32> to vector<16xi32>
        tpu.vector_store %arg6[%swap3A], %swap3A_79 {strides = array<i32>} : memref<3328xi32, #tpu.memory_space<vmem>>, vector<16xi32>,
      }
      %scan3A_54 = arith.constant 8 : i32
      %dma_start3A = arith.constant 0 : i32
      %dma_start3A_55 = tpu.memref_slice %arg6[%dma_start3A] : memref<3328xi32, #tpu.memory_space<vmem>> -> memref<128xi32, #tpu.memory_space<vmem>>
      %dma_start3A_56 = arith.constant 0 : i32
      %dma_start3A_57 = arith.constant 0 : i32
      %dma_start3A_58 = tpu.memref_slice %arg2[%dma_start3A_56, %dma_start3A_57] : memref<20480x128xf32, #tpu.memory_space<hbm>> -> memref<20480x128xf32, #tpu.memory_space<hbm>>
      tpu.enqueue_indirect_dma source(%dma_start3A_58 : memref<20480x128xf32, #tpu.memory_space<hbm>>) target(%arg8 : memref<128x128xf32, #tpu.memory_space<vmem>>) offsets(%dma_start3A_55 : memref<128xi32, #tpu.memory_space<vmem>>) semaphore(%arg11 : memref<!tpu.dma_semaphore, #tpu.memory_space<semaphore_mem>>)
      %dma_wait3A = arith.constant 0 : i32
      %dma_wait3A_59 = tpu.memref_slice %arg6[%dma_wait3A] : memref<3328xi32, #tpu.memory_space<vmem>> -> memref<128xi32, #tpu.memory_space<vmem>>
      %dma_wait3A_60 = arith.constant 0 : i32
      %dma_wait3A_61 = arith.constant 0 : i32
      %dma_wait3A_62 = tpu.memref_slice %arg2[%dma_wait3A_60, %dma_wait3A_61] : memref<20480x128xf32, #tpu.memory_space<hbm>> -> memref<20480x128xf32, #tpu.memory_space<hbm>>
      tpu.wait_indirect_dma semaphore(%arg11 : memref<!tpu.dma_semaphore, #tpu.memory_space<semaphore_mem>>) src(%dma_wait3A_62 : memref<20480x128xf32, #tpu.memory_space<hbm>>) dst(%arg8 : memref<128x128xf32, #tpu.memory_space<vmem>>)
      %run_scoped3A = arith.constant 0 : i32
      %run_scoped3A_63 = arith.constant 0 : i32
      "tpu.region"() ({
        %run_scoped3A_64 = tpu.sem_alloc : memref<!tpu.dma_semaphore, #tpu.memory_space<semaphore_mem>>
        %dma_start3A_65 = arith.constant 0 : i32
        %dma_start3A_66 = tpu.memref_slice %arg7[%run_scoped3A, %run_scoped3A_63, %dma_start3A_65] : memref<26x1x128xi32, #tpu.memory_space<vmem>> -> memref<1x1x128xi32, #tpu.memory_space<vmem>>
        %dma_start3A_67 = tpu.memref_squeeze %dma_start3A_66 : memref<1x1x128xi32, #tpu.memory_space<vmem>> -> memref<128xi32, #tpu.memory_space<vmem>>
        %dma_start3A_68 = arith.constant 0 : i32
        %dma_start3A_69 = arith.constant 0 : i32
        %dma_start3A_70 = tpu.memref_slice %arg10[%dma_start3A_68, %dma_start3A_69] : memref<10240x128xf32, #tpu.memory_space<vmem_shared>> -> memref<10240x128xf32, #tpu.memory_space<vmem_shared>>
        tpu.enqueue_indirect_dma source(%arg8 : memref<128x128xf32, #tpu.memory_space<vmem>>) target(%dma_start3A_70 : memref<10240x128xf32, #tpu.memory_space<vmem_shared>>) offsets(%dma_start3A_67 : memref<128xi32, #tpu.memory_space<vmem>>) semaphore(%run_scoped3A_64 : memref<!tpu.dma_semaphore, #tpu.memory_space<semaphore_mem>>) {add = true}
        %dma_wait3A_71 = arith.constant 0 : i32
        %dma_wait3A_72 = tpu.memref_slice %arg7[%run_scoped3A, %run_scoped3A_63, %dma_wait3A_71] : memref<26x1x128xi32, #tpu.memory_space<vmem>> -> memref<1x1x128xi32, #tpu.memory_space<vmem>>
        %dma_wait3A_73 = tpu.memref_squeeze %dma_wait3A_72 : memref<1x1x128xi32, #tpu.memory_space<vmem>> -> memref<128xi32, #tpu.memory_space<vmem>>
        %dma_wait3A_74 = arith.constant 0 : i32
        %dma_wait3A_75 = arith.constant 0 : i32
        %dma_wait3A_76 = tpu.memref_slice %arg10[%dma_wait3A_74, %dma_wait3A_75] : memref<10240x128xf32, #tpu.memory_space<vmem_shared>> -> memref<10240x128xf32, #tpu.memory_space<vmem_shared>>
        tpu.wait_indirect_dma semaphore(%run_scoped3A_64 : memref<!tpu.dma_semaphore, #tpu.memory_space<semaphore_mem>>) src(%arg8 : memref<128x128xf32, #tpu.memory_space<vmem>>) dst(%dma_wait3A_76 : memref<10240x128xf32, #tpu.memory_space<vmem_shared>>)
        tpu.yield
      }) : () -> ()
    } else {
    }
    %barrier3A_39 = arith.constant 0 : index
    tpu.barrier barrier_id(%barrier3A_39)
    %mul3A_40 = arith.constant 640 : i32
    %mul3A_41 = arith.muli %arg1, %mul3A_40 : i32
    %mul3A_42 = arith.constant 640 : i32
    %mul3A_43 = arith.muli %arg1, %mul3A_42 : i32
    "tpu.region"() ({
      %run_scoped3A = tpu.sem_alloc : memref<!tpu.dma_semaphore, #tpu.memory_space<semaphore_mem>>
      %dma_start3A = arith.constant 0 : i32
      %dma_start3A_44 = tpu.memref_slice %arg5[%arg0, %mul3A_43, %dma_start3A] : memref<2x10240x128xf32, #tpu.memory_space<hbm>> -> memref<1x640x128xf32, #tpu.memory_space<hbm>>
      %dma_start3A_45 = tpu.memref_squeeze %dma_start3A_44 : memref<1x640x128xf32, #tpu.memory_space<hbm>> -> memref<640x128xf32, #tpu.memory_space<hbm>>
      %dma_start3A_46 = arith.constant 0 : i32
      %dma_start3A_47 = tpu.memref_slice %arg10[%mul3A_41, %dma_start3A_46] : memref<10240x128xf32, #tpu.memory_space<vmem_shared>> -> memref<640x128xf32, #tpu.memory_space<vmem_shared>>
      tpu.enqueue_dma source(%dma_start3A_47 : memref<640x128xf32, #tpu.memory_space<vmem_shared>>) target(%dma_start3A_45 : memref<640x128xf32, #tpu.memory_space<hbm>>) target_semaphore(%run_scoped3A : memref<!tpu.dma_semaphore, #tpu.memory_space<semaphore_mem>>)
      %dma_wait3A = arith.constant 0 : i32
      %dma_wait3A_48 = tpu.memref_slice %arg5[%arg0, %mul3A_43, %dma_wait3A] : memref<2x10240x128xf32, #tpu.memory_space<hbm>> -> memref<1x640x128xf32, #tpu.memory_space<hbm>>
      %dma_wait3A_49 = tpu.memref_squeeze %dma_wait3A_48 : memref<1x640x128xf32, #tpu.memory_space<hbm>> -> memref<640x128xf32, #tpu.memory_space<hbm>>
      %dma_wait3A_50 = arith.constant 0 : i32
      %dma_wait3A_51 = tpu.memref_slice %arg10[%mul3A_41, %dma_wait3A_50] : memref<10240x128xf32, #tpu.memory_space<vmem_shared>> -> memref<640x128xf32, #tpu.memory_space<vmem_shared>>
      tpu.wait_dma2 semaphore(%run_scoped3A : memref<!tpu.dma_semaphore, #tpu.memory_space<semaphore_mem>>) src(%dma_wait3A_51 : memref<640x128xf32, #tpu.memory_space<vmem_shared>>) dst(%dma_wait3A_49 : memref<640x128xf32, #tpu.memory_space<hbm>>)
      tpu.yield
    }) : () -> ()
    return
  }
}

module attributes {stable_mosaic.version = 14 : i64} {
  func.func @_mm_body(%arg0: i32, %arg1: memref<2000x256xf32, #tpu.memory_space<vmem>>, %arg2: memref<256x256xf32, #tpu.memory_space<vmem>>, %arg3: memref<2x2000x128xf32, #tpu.memory_space<vmem>>) attributes {dimension_semantics = [#tpu.dimension_semantics<arbitrary>], iteration_bounds = array<i64: 5>, scalar_prefetch = 0 : i64, scratch_operands = 0 : i64, tpu.core_type = #tpu.core_type<tc>, window_params = [{transform_indices = @transform_0, window_bounds = array<i64: 2000, 256>}, {pipeline_mode = #tpu.pipeline_mode<synchronous>, transform_indices = @transform_1, window_bounds = array<i64: 256, 256>}, {transform_indices = @transform_2, window_bounds = array<i64: 2, 2000, 128>}]} {
    %get3A = arith.constant 0 : index
    %get3A_0 = arith.constant 0 : index
    %get3A_1 = vector.load %arg1[%get3A, %get3A_0] : memref<2000x256xf32, #tpu.memory_space<vmem>>, vector<2000x256xf32>
    %convert_element_type3A = arith.truncf %get3A_1 : vector<2000x256xf32> to vector<2000x256xbf16>
    %get3A_2 = arith.constant 0 : index
    %get3A_3 = arith.constant 0 : index
    %get3A_4 = vector.load %arg2[%get3A_2, %get3A_3] : memref<256x256xf32, #tpu.memory_space<vmem>>, vector<256x256xf32>
    %convert_element_type3A_5 = arith.truncf %get3A_4 : vector<256x256xf32> to vector<256x256xbf16>
    %dot_general3A = arith.constant dense<0.000000e+00> : vector<2000x256xf32>
    %dot_general3A_6 = tpu.matmul %convert_element_type3A, %convert_element_type3A_5, %dot_general3A {dimension_numbers = #tpu.dot_dimension_numbers<[1], [0], [0], [1], [0, 0, 1, 1], [], []>, transpose_lhs_hint = false} : vector<2000x256xbf16>, vector<256x256xbf16>, vector<2000x256xf32> -> vector<2000x256xf32>
    %slice3A = vector.extract_strided_slice %dot_general3A_6 {offsets = [0, 0], sizes = [2000, 128], strides = [1, 1]} : vector<2000x256xf32> to vector<2000x128xf32>
    %swap3A = arith.constant 0 : index
    %swap3A_7 = arith.constant 0 : index
    %swap3A_8 = arith.constant 0 : index
    %swap3A_9 = vector.load %arg3[%swap3A, %swap3A_7, %swap3A_8] : memref<2x2000x128xf32, #tpu.memory_space<vmem>>, vector<1x2000x128xf32>
    %swap3A_10 = vector.shape_cast %swap3A_9 : vector<1x2000x128xf32> to vector<2000x128xf32>
    %swap3A_11 = vector.shape_cast %slice3A : vector<2000x128xf32> to vector<1x2000x128xf32>
    tpu.vector_store %arg3[%swap3A, %swap3A_7, %swap3A_8], %swap3A_11 {strides = array<i32>} : memref<2x2000x128xf32, #tpu.memory_space<vmem>>, vector<1x2000x128xf32>,
    %slice3A_12 = vector.extract_strided_slice %dot_general3A_6 {offsets = [0, 128], sizes = [2000, 128], strides = [1, 1]} : vector<2000x256xf32> to vector<2000x128xf32>
    %swap3A_13 = arith.constant 1 : index
    %swap3A_14 = arith.constant 0 : index
    %swap3A_15 = arith.constant 0 : index
    %swap3A_16 = vector.load %arg3[%swap3A_13, %swap3A_14, %swap3A_15] : memref<2x2000x128xf32, #tpu.memory_space<vmem>>, vector<1x2000x128xf32>
    %swap3A_17 = vector.shape_cast %swap3A_16 : vector<1x2000x128xf32> to vector<2000x128xf32>
    %swap3A_18 = vector.shape_cast %slice3A_12 : vector<2000x128xf32> to vector<1x2000x128xf32>
    tpu.vector_store %arg3[%swap3A_13, %swap3A_14, %swap3A_15], %swap3A_18 {strides = array<i32>} : memref<2x2000x128xf32, #tpu.memory_space<vmem>>, vector<1x2000x128xf32>,
    return
  }
  func.func @transform_0(%arg0: i32) -> (i32, i32) {
    %c0_i32 = arith.constant 0 : i32
    %c0_i32_0 = arith.constant 0 : i32
    return %arg0, %c0_i32 : i32, i32
  }
  func.func @transform_1(%arg0: i32) -> (i32, i32) {
    %c0_i32 = arith.constant 0 : i32
    %c0_i32_0 = arith.constant 0 : i32
    %c0_i32_1 = arith.constant 0 : i32
    return %c0_i32, %c0_i32_0 : i32, i32
  }
  func.func @transform_2(%arg0: i32) -> (i32, i32, i32) {
    %c0_i32 = arith.constant 0 : i32
    %c0_i32_0 = arith.constant 0 : i32
    %c0_i32_1 = arith.constant 0 : i32
    return %c0_i32, %arg0, %c0_i32_0 : i32, i32, i32
  }
}

module attributes {stable_mosaic.version = 14 : i64} {
  func.func @_scale_body(%arg0: i32, %arg1: memref<2x2000x128xf32, #tpu.memory_space<vmem>>, %arg2: memref<1x2000x16xf32, #tpu.memory_space<vmem>>, %arg3: memref<1x2000x16xf32, #tpu.memory_space<vmem>>, %arg4: memref<2x2000x128xf32, #tpu.memory_space<vmem>>) attributes {dimension_semantics = [#tpu.dimension_semantics<arbitrary>], iteration_bounds = array<i64: 5>, scalar_prefetch = 0 : i64, scratch_operands = 0 : i64, tpu.core_type = #tpu.core_type<tc>, window_params = [{transform_indices = @transform_0, window_bounds = array<i64: 2, 2000, 128>}, {transform_indices = @transform_1, window_bounds = array<i64: 1, 2000, 16>}, {transform_indices = @transform_2, window_bounds = array<i64: 1, 2000, 16>}, {transform_indices = @transform_3, window_bounds = array<i64: 2, 2000, 128>}]} {
    %get3A = arith.constant 0 : index
    %get3A_0 = arith.constant 0 : index
    %get3A_1 = arith.constant 0 : index
    %get3A_2 = vector.load %arg2[%get3A, %get3A_0, %get3A_1] : memref<1x2000x16xf32, #tpu.memory_space<vmem>>, vector<1x2000x1xf32>
    %get3A_3 = vector.shape_cast %get3A_2 : vector<1x2000x1xf32> to vector<2000x1xf32>
    %get3A_4 = arith.constant 0 : index
    %get3A_5 = arith.constant 0 : index
    %get3A_6 = arith.constant 0 : index
    %get3A_7 = vector.load %arg3[%get3A_4, %get3A_5, %get3A_6] : memref<1x2000x16xf32, #tpu.memory_space<vmem>>, vector<1x2000x1xf32>
    %get3A_8 = vector.shape_cast %get3A_7 : vector<1x2000x1xf32> to vector<2000x1xf32>
    %add3A = arith.addf %get3A_3, %get3A_8 : vector<2000x1xf32>
    %add3A_9 = arith.constant 1.000000e+00 : f32
    %add3A_10 = vector.broadcast %add3A_9 : f32 to vector<2000x1xf32>
    %add3A_11 = arith.addf %add3A, %add3A_10 : vector<2000x1xf32>
    %rsqrt3A = math.rsqrt %add3A_11 : vector<2000x1xf32>
    %get3A_12 = arith.constant 0 : index
    %get3A_13 = arith.constant 0 : index
    %get3A_14 = arith.constant 0 : index
    %get3A_15 = vector.load %arg1[%get3A_12, %get3A_13, %get3A_14] : memref<2x2000x128xf32, #tpu.memory_space<vmem>>, vector<1x2000x128xf32>
    %get3A_16 = vector.shape_cast %get3A_15 : vector<1x2000x128xf32> to vector<2000x128xf32>
    %mul3A = vector.broadcast %rsqrt3A : vector<2000x1xf32> to vector<2000x128xf32>
    %mul3A_17 = arith.mulf %get3A_16, %mul3A : vector<2000x128xf32>
    %swap3A = arith.constant 0 : index
    %swap3A_18 = arith.constant 0 : index
    %swap3A_19 = arith.constant 0 : index
    %swap3A_20 = vector.load %arg4[%swap3A, %swap3A_18, %swap3A_19] : memref<2x2000x128xf32, #tpu.memory_space<vmem>>, vector<1x2000x128xf32>
    %swap3A_21 = vector.shape_cast %swap3A_20 : vector<1x2000x128xf32> to vector<2000x128xf32>
    %swap3A_22 = vector.shape_cast %mul3A_17 : vector<2000x128xf32> to vector<1x2000x128xf32>
    tpu.vector_store %arg4[%swap3A, %swap3A_18, %swap3A_19], %swap3A_22 {strides = array<i32>} : memref<2x2000x128xf32, #tpu.memory_space<vmem>>, vector<1x2000x128xf32>,
    %get3A_23 = arith.constant 1 : index
    %get3A_24 = arith.constant 0 : index
    %get3A_25 = arith.constant 0 : index
    %get3A_26 = vector.load %arg1[%get3A_23, %get3A_24, %get3A_25] : memref<2x2000x128xf32, #tpu.memory_space<vmem>>, vector<1x2000x128xf32>
    %get3A_27 = vector.shape_cast %get3A_26 : vector<1x2000x128xf32> to vector<2000x128xf32>
    %mul3A_28 = vector.broadcast %rsqrt3A : vector<2000x1xf32> to vector<2000x128xf32>
    %mul3A_29 = arith.mulf %get3A_27, %mul3A_28 : vector<2000x128xf32>
    %swap3A_30 = arith.constant 1 : index
    %swap3A_31 = arith.constant 0 : index
    %swap3A_32 = arith.constant 0 : index
    %swap3A_33 = vector.load %arg4[%swap3A_30, %swap3A_31, %swap3A_32] : memref<2x2000x128xf32, #tpu.memory_space<vmem>>, vector<1x2000x128xf32>
    %swap3A_34 = vector.shape_cast %swap3A_33 : vector<1x2000x128xf32> to vector<2000x128xf32>
    %swap3A_35 = vector.shape_cast %mul3A_29 : vector<2000x128xf32> to vector<1x2000x128xf32>
    tpu.vector_store %arg4[%swap3A_30, %swap3A_31, %swap3A_32], %swap3A_35 {strides = array<i32>} : memref<2x2000x128xf32, #tpu.memory_space<vmem>>, vector<1x2000x128xf32>,
    return
  }
  func.func @transform_0(%arg0: i32) -> (i32, i32, i32) {
    %c0_i32 = arith.constant 0 : i32
    %c0_i32_0 = arith.constant 0 : i32
    %c0_i32_1 = arith.constant 0 : i32
    return %c0_i32, %arg0, %c0_i32_0 : i32, i32, i32
  }
  func.func @transform_1(%arg0: i32) -> (i32, i32, i32) {
    %c0_i32 = arith.constant 0 : i32
    %c0_i32_0 = arith.constant 0 : i32
    %c0_i32_1 = arith.constant 0 : i32
    return %c0_i32, %arg0, %c0_i32_0 : i32, i32, i32
  }
  func.func @transform_2(%arg0: i32) -> (i32, i32, i32) {
    %c1_i32 = arith.constant 1 : i32
    %c0_i32 = arith.constant 0 : i32
    %c0_i32_0 = arith.constant 0 : i32
    return %c1_i32, %arg0, %c0_i32 : i32, i32, i32
  }
  func.func @transform_3(%arg0: i32) -> (i32, i32, i32) {
    %c0_i32 = arith.constant 0 : i32
    %c0_i32_0 = arith.constant 0 : i32
    %c0_i32_1 = arith.constant 0 : i32
    return %c0_i32, %arg0, %c0_i32_0 : i32, i32, i32
  }
}

module attributes {stable_mosaic.version = 14 : i64} {
  func.func @_layer2_body(%arg0: i32, %arg1: memref<2x2000x128xf32, #tpu.memory_space<vmem>>, %arg2: memref<2x2000x128xf32, #tpu.memory_space<vmem>>, %arg3: memref<1x2000x16xf32, #tpu.memory_space<vmem>>, %arg4: memref<1x2000x16xf32, #tpu.memory_space<vmem>>, %arg5: memref<1x256xf32, #tpu.memory_space<vmem>>, %arg6: memref<256x256xf32, #tpu.memory_space<vmem>>, %arg7: memref<2x2000x128xf32, #tpu.memory_space<vmem>>) attributes {dimension_semantics = [#tpu.dimension_semantics<arbitrary>], iteration_bounds = array<i64: 5>, scalar_prefetch = 0 : i64, scratch_operands = 0 : i64, tpu.core_type = #tpu.core_type<tc>, window_params = [{transform_indices = @transform_0, window_bounds = array<i64: 2, 2000, 128>}, {transform_indices = @transform_1, window_bounds = array<i64: 2, 2000, 128>}, {transform_indices = @transform_2, window_bounds = array<i64: 1, 2000, 16>}, {transform_indices = @transform_3, window_bounds = array<i64: 1, 2000, 16>}, {pipeline_mode = #tpu.pipeline_mode<synchronous>, transform_indices = @transform_4, window_bounds = array<i64: 1, 256>}, {pipeline_mode = #tpu.pipeline_mode<synchronous>, transform_indices = @transform_5, window_bounds = array<i64: 256, 256>}, {transform_indices = @transform_6, window_bounds = array<i64: 2, 2000, 128>}]} {
    %get3A = arith.constant 0 : index
    %get3A_0 = arith.constant 0 : index
    %get3A_1 = arith.constant 0 : index
    %get3A_2 = vector.load %arg3[%get3A, %get3A_0, %get3A_1] : memref<1x2000x16xf32, #tpu.memory_space<vmem>>, vector<1x2000x1xf32>
    %get3A_3 = vector.shape_cast %get3A_2 : vector<1x2000x1xf32> to vector<2000x1xf32>
    %get3A_4 = arith.constant 0 : index
    %get3A_5 = arith.constant 0 : index
    %get3A_6 = arith.constant 0 : index
    %get3A_7 = vector.load %arg4[%get3A_4, %get3A_5, %get3A_6] : memref<1x2000x16xf32, #tpu.memory_space<vmem>>, vector<1x2000x1xf32>
    %get3A_8 = vector.shape_cast %get3A_7 : vector<1x2000x1xf32> to vector<2000x1xf32>
    %add3A = arith.addf %get3A_3, %get3A_8 : vector<2000x1xf32>
    %add3A_9 = arith.constant 1.000000e+00 : f32
    %add3A_10 = vector.broadcast %add3A_9 : f32 to vector<2000x1xf32>
    %add3A_11 = arith.addf %add3A, %add3A_10 : vector<2000x1xf32>
    %rsqrt3A = math.rsqrt %add3A_11 : vector<2000x1xf32>
    %get3A_12 = arith.constant 0 : index
    %get3A_13 = arith.constant 0 : index
    %get3A_14 = arith.constant 0 : index
    %get3A_15 = vector.load %arg1[%get3A_12, %get3A_13, %get3A_14] : memref<2x2000x128xf32, #tpu.memory_space<vmem>>, vector<1x2000x128xf32>
    %get3A_16 = vector.shape_cast %get3A_15 : vector<1x2000x128xf32> to vector<2000x128xf32>
    %get3A_17 = arith.constant 0 : index
    %get3A_18 = arith.constant 0 : index
    %get3A_19 = arith.constant 0 : index
    %get3A_20 = vector.load %arg2[%get3A_17, %get3A_18, %get3A_19] : memref<2x2000x128xf32, #tpu.memory_space<vmem>>, vector<1x2000x128xf32>
    %get3A_21 = vector.shape_cast %get3A_20 : vector<1x2000x128xf32> to vector<2000x128xf32>
    %add3A_22 = arith.addf %get3A_16, %get3A_21 : vector<2000x128xf32>
    %mul3A = vector.broadcast %rsqrt3A : vector<2000x1xf32> to vector<2000x128xf32>
    %mul3A_23 = arith.mulf %mul3A, %add3A_22 : vector<2000x128xf32>
    %get3A_24 = arith.constant 0 : index
    %get3A_25 = arith.constant 0 : index
    %get3A_26 = vector.load %arg5[%get3A_24, %get3A_25] : memref<1x256xf32, #tpu.memory_space<vmem>>, vector<1x128xf32>
    %add3A_27 = vector.broadcast %get3A_26 : vector<1x128xf32> to vector<2000x128xf32>
    %add3A_28 = arith.addf %mul3A_23, %add3A_27 : vector<2000x128xf32>
    %max3A = arith.constant 0.000000e+00 : f32
    %max3A_29 = vector.broadcast %max3A : f32 to vector<2000x128xf32>
    %max3A_30 = arith.maximumf %add3A_28, %max3A_29 : vector<2000x128xf32>
    %get3A_31 = arith.constant 1 : index
    %get3A_32 = arith.constant 0 : index
    %get3A_33 = arith.constant 0 : index
    %get3A_34 = vector.load %arg1[%get3A_31, %get3A_32, %get3A_33] : memref<2x2000x128xf32, #tpu.memory_space<vmem>>, vector<1x2000x128xf32>
    %get3A_35 = vector.shape_cast %get3A_34 : vector<1x2000x128xf32> to vector<2000x128xf32>
    %get3A_36 = arith.constant 1 : index
    %get3A_37 = arith.constant 0 : index
    %get3A_38 = arith.constant 0 : index
    %get3A_39 = vector.load %arg2[%get3A_36, %get3A_37, %get3A_38] : memref<2x2000x128xf32, #tpu.memory_space<vmem>>, vector<1x2000x128xf32>
    %get3A_40 = vector.shape_cast %get3A_39 : vector<1x2000x128xf32> to vector<2000x128xf32>
    %add3A_41 = arith.addf %get3A_35, %get3A_40 : vector<2000x128xf32>
    %mul3A_42 = vector.broadcast %rsqrt3A : vector<2000x1xf32> to vector<2000x128xf32>
    %mul3A_43 = arith.mulf %mul3A_42, %add3A_41 : vector<2000x128xf32>
    %get3A_44 = arith.constant 0 : index
    %get3A_45 = arith.constant 128 : index
    %get3A_46 = vector.load %arg5[%get3A_44, %get3A_45] : memref<1x256xf32, #tpu.memory_space<vmem>>, vector<1x128xf32>
    %add3A_47 = vector.broadcast %get3A_46 : vector<1x128xf32> to vector<2000x128xf32>
    %add3A_48 = arith.addf %mul3A_43, %add3A_47 : vector<2000x128xf32>
    %max3A_49 = arith.constant 0.000000e+00 : f32
    %max3A_50 = vector.broadcast %max3A_49 : f32 to vector<2000x128xf32>
    %max3A_51 = arith.maximumf %add3A_48, %max3A_50 : vector<2000x128xf32>
    %concatenate3A = tpu.concatenate %max3A_30, %max3A_51 in 1 : vector<2000x128xf32>, vector<2000x128xf32> -> vector<2000x256xf32>
    %convert_element_type3A = arith.truncf %concatenate3A : vector<2000x256xf32> to vector<2000x256xbf16>
    %get3A_52 = arith.constant 0 : index
    %get3A_53 = arith.constant 0 : index
    %get3A_54 = vector.load %arg6[%get3A_52, %get3A_53] : memref<256x256xf32, #tpu.memory_space<vmem>>, vector<256x256xf32>
    %convert_element_type3A_55 = arith.truncf %get3A_54 : vector<256x256xf32> to vector<256x256xbf16>
    %dot_general3A = arith.constant dense<0.000000e+00> : vector<2000x256xf32>
    %dot_general3A_56 = tpu.matmul %convert_element_type3A, %convert_element_type3A_55, %dot_general3A {dimension_numbers = #tpu.dot_dimension_numbers<[1], [0], [0], [1], [0, 0, 1, 1], [], []>, transpose_lhs_hint = false} : vector<2000x256xbf16>, vector<256x256xbf16>, vector<2000x256xf32> -> vector<2000x256xf32>
    %slice3A = vector.extract_strided_slice %dot_general3A_56 {offsets = [0, 0], sizes = [2000, 128], strides = [1, 1]} : vector<2000x256xf32> to vector<2000x128xf32>
    %mul3A_57 = vector.broadcast %rsqrt3A : vector<2000x1xf32> to vector<2000x128xf32>
    %mul3A_58 = arith.mulf %mul3A_57, %slice3A : vector<2000x128xf32>
    %swap3A = arith.constant 0 : index
    %swap3A_59 = arith.constant 0 : index
    %swap3A_60 = arith.constant 0 : index
    %swap3A_61 = vector.load %arg7[%swap3A, %swap3A_59, %swap3A_60] : memref<2x2000x128xf32, #tpu.memory_space<vmem>>, vector<1x2000x128xf32>
    %swap3A_62 = vector.shape_cast %swap3A_61 : vector<1x2000x128xf32> to vector<2000x128xf32>
    %swap3A_63 = vector.shape_cast %mul3A_58 : vector<2000x128xf32> to vector<1x2000x128xf32>
    tpu.vector_store %arg7[%swap3A, %swap3A_59, %swap3A_60], %swap3A_63 {strides = array<i32>} : memref<2x2000x128xf32, #tpu.memory_space<vmem>>, vector<1x2000x128xf32>,
    %slice3A_64 = vector.extract_strided_slice %dot_general3A_56 {offsets = [0, 128], sizes = [2000, 128], strides = [1, 1]} : vector<2000x256xf32> to vector<2000x128xf32>
    %mul3A_65 = vector.broadcast %rsqrt3A : vector<2000x1xf32> to vector<2000x128xf32>
    %mul3A_66 = arith.mulf %mul3A_65, %slice3A_64 : vector<2000x128xf32>
    %swap3A_67 = arith.constant 1 : index
    %swap3A_68 = arith.constant 0 : index
    %swap3A_69 = arith.constant 0 : index
    %swap3A_70 = vector.load %arg7[%swap3A_67, %swap3A_68, %swap3A_69] : memref<2x2000x128xf32, #tpu.memory_space<vmem>>, vector<1x2000x128xf32>
    %swap3A_71 = vector.shape_cast %swap3A_70 : vector<1x2000x128xf32> to vector<2000x128xf32>
    %swap3A_72 = vector.shape_cast %mul3A_66 : vector<2000x128xf32> to vector<1x2000x128xf32>
    tpu.vector_store %arg7[%swap3A_67, %swap3A_68, %swap3A_69], %swap3A_72 {strides = array<i32>} : memref<2x2000x128xf32, #tpu.memory_space<vmem>>, vector<1x2000x128xf32>,
    return
  }
  func.func @transform_0(%arg0: i32) -> (i32, i32, i32) {
    %c0_i32 = arith.constant 0 : i32
    %c0_i32_0 = arith.constant 0 : i32
    %c0_i32_1 = arith.constant 0 : i32
    return %c0_i32, %arg0, %c0_i32_0 : i32, i32, i32
  }
  func.func @transform_1(%arg0: i32) -> (i32, i32, i32) {
    %c0_i32 = arith.constant 0 : i32
    %c0_i32_0 = arith.constant 0 : i32
    %c0_i32_1 = arith.constant 0 : i32
    return %c0_i32, %arg0, %c0_i32_0 : i32, i32, i32
  }
  func.func @transform_2(%arg0: i32) -> (i32, i32, i32) {
    %c0_i32 = arith.constant 0 : i32
    %c0_i32_0 = arith.constant 0 : i32
    %c0_i32_1 = arith.constant 0 : i32
    return %c0_i32, %arg0, %c0_i32_0 : i32, i32, i32
  }
  func.func @transform_3(%arg0: i32) -> (i32, i32, i32) {
    %c1_i32 = arith.constant 1 : i32
    %c0_i32 = arith.constant 0 : i32
    %c0_i32_0 = arith.constant 0 : i32
    return %c1_i32, %arg0, %c0_i32 : i32, i32, i32
  }
  func.func @transform_4(%arg0: i32) -> (i32, i32) {
    %c0_i32 = arith.constant 0 : i32
    %c0_i32_0 = arith.constant 0 : i32
    %c0_i32_1 = arith.constant 0 : i32
    return %c0_i32, %c0_i32_0 : i32, i32
  }
  func.func @transform_5(%arg0: i32) -> (i32, i32) {
    %c0_i32 = arith.constant 0 : i32
    %c0_i32_0 = arith.constant 0 : i32
    %c0_i32_1 = arith.constant 0 : i32
    return %c0_i32, %c0_i32_0 : i32, i32
  }
  func.func @transform_6(%arg0: i32) -> (i32, i32, i32) {
    %c0_i32 = arith.constant 0 : i32
    %c0_i32_0 = arith.constant 0 : i32
    %c0_i32_1 = arith.constant 0 : i32
    return %c0_i32, %arg0, %c0_i32_0 : i32, i32, i32
  }
}

module attributes {stable_mosaic.version = 14 : i64} {
  func.func @_final_body(%arg0: i32, %arg1: memref<2x2000x128xf32, #tpu.memory_space<vmem>>, %arg2: memref<2x2000x128xf32, #tpu.memory_space<vmem>>, %arg3: memref<1x2000x16xf32, #tpu.memory_space<vmem>>, %arg4: memref<1x2000x16xf32, #tpu.memory_space<vmem>>, %arg5: memref<1x256xf32, #tpu.memory_space<vmem>>, %arg6: memref<2000x256xf32, #tpu.memory_space<vmem>>) attributes {dimension_semantics = [#tpu.dimension_semantics<arbitrary>], iteration_bounds = array<i64: 5>, scalar_prefetch = 0 : i64, scratch_operands = 0 : i64, tpu.core_type = #tpu.core_type<tc>, window_params = [{transform_indices = @transform_0, window_bounds = array<i64: 2, 2000, 128>}, {transform_indices = @transform_1, window_bounds = array<i64: 2, 2000, 128>}, {transform_indices = @transform_2, window_bounds = array<i64: 1, 2000, 16>}, {transform_indices = @transform_3, window_bounds = array<i64: 1, 2000, 16>}, {pipeline_mode = #tpu.pipeline_mode<synchronous>, transform_indices = @transform_4, window_bounds = array<i64: 1, 256>}, {transform_indices = @transform_5, window_bounds = array<i64: 2000, 256>}]} {
    %get3A = arith.constant 0 : index
    %get3A_0 = arith.constant 0 : index
    %get3A_1 = arith.constant 0 : index
    %get3A_2 = vector.load %arg3[%get3A, %get3A_0, %get3A_1] : memref<1x2000x16xf32, #tpu.memory_space<vmem>>, vector<1x2000x1xf32>
    %get3A_3 = vector.shape_cast %get3A_2 : vector<1x2000x1xf32> to vector<2000x1xf32>
    %get3A_4 = arith.constant 0 : index
    %get3A_5 = arith.constant 0 : index
    %get3A_6 = arith.constant 0 : index
    %get3A_7 = vector.load %arg4[%get3A_4, %get3A_5, %get3A_6] : memref<1x2000x16xf32, #tpu.memory_space<vmem>>, vector<1x2000x1xf32>
    %get3A_8 = vector.shape_cast %get3A_7 : vector<1x2000x1xf32> to vector<2000x1xf32>
    %add3A = arith.addf %get3A_3, %get3A_8 : vector<2000x1xf32>
    %add3A_9 = arith.constant 1.000000e+00 : f32
    %add3A_10 = vector.broadcast %add3A_9 : f32 to vector<2000x1xf32>
    %add3A_11 = arith.addf %add3A, %add3A_10 : vector<2000x1xf32>
    %rsqrt3A = math.rsqrt %add3A_11 : vector<2000x1xf32>
    %get3A_12 = arith.constant 0 : index
    %get3A_13 = arith.constant 0 : index
    %get3A_14 = arith.constant 0 : index
    %get3A_15 = vector.load %arg1[%get3A_12, %get3A_13, %get3A_14] : memref<2x2000x128xf32, #tpu.memory_space<vmem>>, vector<1x2000x128xf32>
    %get3A_16 = vector.shape_cast %get3A_15 : vector<1x2000x128xf32> to vector<2000x128xf32>
    %get3A_17 = arith.constant 0 : index
    %get3A_18 = arith.constant 0 : index
    %get3A_19 = arith.constant 0 : index
    %get3A_20 = vector.load %arg2[%get3A_17, %get3A_18, %get3A_19] : memref<2x2000x128xf32, #tpu.memory_space<vmem>>, vector<1x2000x128xf32>
    %get3A_21 = vector.shape_cast %get3A_20 : vector<1x2000x128xf32> to vector<2000x128xf32>
    %add3A_22 = arith.addf %get3A_16, %get3A_21 : vector<2000x128xf32>
    %mul3A = vector.broadcast %rsqrt3A : vector<2000x1xf32> to vector<2000x128xf32>
    %mul3A_23 = arith.mulf %mul3A, %add3A_22 : vector<2000x128xf32>
    %get3A_24 = arith.constant 0 : index
    %get3A_25 = arith.constant 0 : index
    %get3A_26 = vector.load %arg5[%get3A_24, %get3A_25] : memref<1x256xf32, #tpu.memory_space<vmem>>, vector<1x128xf32>
    %add3A_27 = vector.broadcast %get3A_26 : vector<1x128xf32> to vector<2000x128xf32>
    %add3A_28 = arith.addf %mul3A_23, %add3A_27 : vector<2000x128xf32>
    %get3A_29 = arith.constant 1 : index
    %get3A_30 = arith.constant 0 : index
    %get3A_31 = arith.constant 0 : index
    %get3A_32 = vector.load %arg1[%get3A_29, %get3A_30, %get3A_31] : memref<2x2000x128xf32, #tpu.memory_space<vmem>>, vector<1x2000x128xf32>
    %get3A_33 = vector.shape_cast %get3A_32 : vector<1x2000x128xf32> to vector<2000x128xf32>
    %get3A_34 = arith.constant 1 : index
    %get3A_35 = arith.constant 0 : index
    %get3A_36 = arith.constant 0 : index
    %get3A_37 = vector.load %arg2[%get3A_34, %get3A_35, %get3A_36] : memref<2x2000x128xf32, #tpu.memory_space<vmem>>, vector<1x2000x128xf32>
    %get3A_38 = vector.shape_cast %get3A_37 : vector<1x2000x128xf32> to vector<2000x128xf32>
    %add3A_39 = arith.addf %get3A_33, %get3A_38 : vector<2000x128xf32>
    %mul3A_40 = vector.broadcast %rsqrt3A : vector<2000x1xf32> to vector<2000x128xf32>
    %mul3A_41 = arith.mulf %mul3A_40, %add3A_39 : vector<2000x128xf32>
    %get3A_42 = arith.constant 0 : index
    %get3A_43 = arith.constant 128 : index
    %get3A_44 = vector.load %arg5[%get3A_42, %get3A_43] : memref<1x256xf32, #tpu.memory_space<vmem>>, vector<1x128xf32>
    %add3A_45 = vector.broadcast %get3A_44 : vector<1x128xf32> to vector<2000x128xf32>
    %add3A_46 = arith.addf %mul3A_41, %add3A_45 : vector<2000x128xf32>
    %concatenate3A = tpu.concatenate %add3A_28, %add3A_46 in 1 : vector<2000x128xf32>, vector<2000x128xf32> -> vector<2000x256xf32>
    %swap3A = arith.constant 0 : index
    %swap3A_47 = arith.constant 0 : index
    %swap3A_48 = vector.load %arg6[%swap3A, %swap3A_47] : memref<2000x256xf32, #tpu.memory_space<vmem>>, vector<2000x256xf32>
    tpu.vector_store %arg6[%swap3A, %swap3A_47], %concatenate3A {strides = array<i32>} : memref<2000x256xf32, #tpu.memory_space<vmem>>, vector<2000x256xf32>,
    return
  }
  func.func @transform_0(%arg0: i32) -> (i32, i32, i32) {
    %c0_i32 = arith.constant 0 : i32
    %c0_i32_0 = arith.constant 0 : i32
    %c0_i32_1 = arith.constant 0 : i32
    return %c0_i32, %arg0, %c0_i32_0 : i32, i32, i32
  }
  func.func @transform_1(%arg0: i32) -> (i32, i32, i32) {
    %c0_i32 = arith.constant 0 : i32
    %c0_i32_0 = arith.constant 0 : i32
    %c0_i32_1 = arith.constant 0 : i32
    return %c0_i32, %arg0, %c0_i32_0 : i32, i32, i32
  }
  func.func @transform_2(%arg0: i32) -> (i32, i32, i32) {
    %c0_i32 = arith.constant 0 : i32
    %c0_i32_0 = arith.constant 0 : i32
    %c0_i32_1 = arith.constant 0 : i32
    return %c0_i32, %arg0, %c0_i32_0 : i32, i32, i32
  }
  func.func @transform_3(%arg0: i32) -> (i32, i32, i32) {
    %c1_i32 = arith.constant 1 : i32
    %c0_i32 = arith.constant 0 : i32
    %c0_i32_0 = arith.constant 0 : i32
    return %c1_i32, %arg0, %c0_i32 : i32, i32, i32
  }
  func.func @transform_4(%arg0: i32) -> (i32, i32) {
    %c0_i32 = arith.constant 0 : i32
    %c0_i32_0 = arith.constant 0 : i32
    %c0_i32_1 = arith.constant 0 : i32
    return %c0_i32, %c0_i32_0 : i32, i32
  }
  func.func @transform_5(%arg0: i32) -> (i32, i32) {
    %c0_i32 = arith.constant 0 : i32
    %c0_i32_0 = arith.constant 0 : i32
    return %arg0, %c0_i32 : i32, i32
  }
}

</mosaic_0001>

<sc_bundles>
// kernel: kernel.12.cloned.1.call-start
scs
__scs_entry_jumppad:
0x0: {  	(pc) =	sbr.rel $0x88, $3  }
0x1: {  	(tag) =	ssettag $0x0;
	lr =	simm.s32 $0x1  }
0x2: {  	[smem:$0x3F9B] =	sst lr;
	_ =	strace $0xD0000000  }
0x3: {  	_ = 	snop  }
0x4: {  	_ = 	snop  }
0x5: {  	_ = 	snop  }
0x6: {  	_ = 	snop  }
0x7: {  	_ = 	snop  }
__scs_overlays_trampoline_lowered:
0x8: {  	[smem:$0x3FAA] =	sst s0  }
0x9: {  	[smem:$0x3FAB] =	sst s1  }
0xa: {  	[smem:$0x3FAC] =	sst s2  }
0xb: {  	[smem:$0x3FAD] =	sst s3  }
0xc: {  	[smem:$0x3FAE] =	sst s4  }
0xd: {  	[smem:$0x3FAF] =	sst s5  }
0xe: {  	[smem:$0x3FB0] =	sst s6  }
0xf: {  	[smem:$0x3FB1] =	sst s7  }
0x10: {  	[smem:$0x3FB2] =	sst s8  }
0x11: {  	[smem:$0x3FB3] =	sst s9;
	s0 =	simm.s32 @!p0 $0x0  }
0x12: {  	s1 =	sld [smem:$0x3F99];
	s0 =	simm.s32 @p0 $0x1  }
0x13: {  	[smem:$0x3FB4] =	sst s0;
	s0 =	simm.s32 @!p1 $0x0  }
0x14: {  	s2 =	sld [smem:$0x3F98];
	s0 =	simm.s32 @p1 $0x1  }
0x15: {  	[smem:$0x3FB5] =	sst s0;
	s0 =	simm.s32 @!p2 $0x0  }
0x16: {  	s3 =	sld [smem:$0x3FDB];
	s0 =	simm.s32 @p2 $0x1  }
0x17: {  	s4 =	simm.s32 $0x1BF5;
	[smem:$0x3FB7] =	sst s0  }
0x18: {  	s0 =	sld [smem:$0x3F9A];
	_ =	swait.ge [sflag:s4], $0x0  }
0x19: {  	s7 =	sld [smem:$0x3F9B]  }
0x1a: {  	s8 =	sadd.s32 $0xFFFFE003, lr  }
0x1b: {  	s9 =	sadd.s32 $0xFFFFFEF7, lr;
	s5 =	simm.s32 $0xFFFFFFFF;
	p2 =	slt.u32 s8, $0xFFFFF086  }
0x1c: {  	p1 =	slt.u32 s9, $0xF7A;
	s5 =	simm.s32 @!p2 $0x0  }
0x1d: {  	s5 =	simm.s32 @p1 $0x1;
	p0 =	seq.s32 s7, s2  }
0x1e: {  	s7 =	smul.u32 @!p0 $0xF7A, s2;
	p2 =	seq.s32 @!p0 s5, $0x0  }
0x1f: {  	s9 =	smul.u32 $0xF7A, s1;
	s8 =	simm.s32 @!p0 $0x1BF5;
	p2 =	por !p2, p0  }
0x20: {  	[sflag:s8] =	ssyncset.s32 @!p0 $0xFFFFF086;
	s6 =	sadd.s32 @!p0 s3, s7;
	s7 =	simm.s32 @!p0 $0x108  }
0x21: {  	s3 =	sadd.s32 s3, s9;
	s6 =	sadd.s32 @!p0 $0x88, s6;
	s7 =	simm.s32 @p2 $0x1082  }
0x22: {  	[simem:s7], [sflag:s8] =	dma.local @!p0 [hbm:s6], $0xF7A  }
0x23: {  	s9 =	sor.u32 $0xD0000000, s2;
	s6 =	simm.s32 $0x108;
	_ =	swait.ge @!p0 [sflag:s8], $0x0  }
0x24: {  	s3 =	sadd.s32 $0x88, s3;
	s6 =	simm.s32 @!p1 $0x1082;
	[sflag:s4] =	ssyncset.s32 $0xFFFFF086  }
0x25: {  	[simem:s6], [sflag:s4] =	dma.local [hbm:s3], $0xF7A  }
0x26: {  	[smem:$0x3F9B] =	sst s1;
	(tag) =	ssettag s2;
	_ =	strace s9  }
0x27: {  	s1 =	sld [smem:$0x3FAB]  }
0x28: {  	s2 =	sld [smem:$0x3FAC]  }
0x29: {  	s4 =	sld [smem:$0x3FAE]  }
0x2a: {  	p0 =	seq.s32 s5, $0x0;
	s5 =	sld [smem:$0x3FAF]  }
0x2b: {  	s6 =	sld [smem:$0x3FB0]  }
0x2c: {  	s7 =	sld [smem:$0x3FB1]  }
0x2d: {  	s3 =	simm.s32 $0x108;
	s8 =	sld [smem:$0x3FB2]  }
0x2e: {  	s3 =	simm.s32 @!p0 $0x1082;
	s9 =	sld [smem:$0x3FB3]  }
0x2f: {  	lr =	sadd.s32 s0, s3;
	s0 =	sld [smem:$0x3FAA]  }
0x30: {  	s3 =	sld [smem:$0x3FAD]  }
0x31: {  	[smem:$0x3FB6] =	sst s10  }
0x32: {  	s10 =	sld [smem:$0x3FB4];
	_ =	sdelay $0x3  }
0x33: {  	p0 =	seq.s32 s10, $0x1;
	s10 =	sld [smem:$0x3FB6];
	_ =	sdelay $0x3  }
0x34: {  	[smem:$0x3FB6] =	sst s10  }
0x35: {  	s10 =	sld [smem:$0x3FB5];
	_ =	sdelay $0x3  }
0x36: {  	p1 =	seq.s32 s10, $0x1;
	s10 =	sld [smem:$0x3FB6];
	_ =	sdelay $0x3  }
0x37: {  	[smem:$0x3FB6] =	sst s10  }
0x38: {  	s10 =	sld [smem:$0x3FB7]  }
0x39: {  	_ = 	snop;
	(pc) =	sbr.ind lr, $3  }
0x3a: {  	_ = 	snop  }
0x3b: {  	_ = 	snop  }
0x3c: {  	p2 =	seq.s32 s10, $0x1;
	s10 =	sld [smem:$0x3FB6]  }
0x3d: {  	_ =	shalt  }
0x3e: {  	_ =	shalt  }
0x3f: {  	_ =	shalt  }
0x40: {  	_ =	shalt  }
0x41: {  	_ =	shalt  }
0x42: {  	_ =	shalt  }
0x43: {  	_ =	shalt  }
0x44: {  	_ =	shalt  }
0x45: {  	_ =	shalt  }
0x46: {  	_ =	shalt  }
0x47: {  	_ =	shalt  }
0x48: {  	_ =	shalt  }
0x49: {  	_ =	shalt  }
0x4a: {  	_ =	shalt  }
0x4b: {  	_ =	shalt  }
0x4c: {  	_ =	shalt  }
0x4d: {  	_ =	shalt  }
0x4e: {  	_ =	shalt  }
0x4f: {  	_ =	shalt  }
0x50: {  	_ =	shalt  }
0x51: {  	_ =	shalt  }
0x52: {  	_ =	shalt  }
0x53: {  	_ =	shalt  }
0x54: {  	_ =	shalt  }
0x55: {  	_ =	shalt  }
0x56: {  	_ =	shalt  }
0x57: {  	_ =	shalt  }
0x58: {  	_ =	shalt  }
0x59: {  	_ =	shalt  }
0x5a: {  	_ =	shalt  }
0x5b: {  	_ =	shalt  }
0x5c: {  	_ =	shalt  }
0x5d: {  	_ =	shalt  }
0x5e: {  	_ =	shalt  }
0x5f: {  	_ =	shalt  }
0x60: {  	_ =	shalt  }
0x61: {  	_ =	shalt  }
0x62: {  	_ =	shalt  }
0x63: {  	_ =	shalt  }
0x64: {  	_ =	shalt  }
0x65: {  	_ =	shalt  }
0x66: {  	_ =	shalt  }
0x67: {  	_ =	shalt  }
0x68: {  	_ =	shalt  }
0x69: {  	_ =	shalt  }
0x6a: {  	_ =	shalt  }
0x6b: {  	_ =	shalt  }
0x6c: {  	_ =	shalt  }
0x6d: {  	_ =	shalt  }
0x6e: {  	_ =	shalt  }
0x6f: {  	_ =	shalt  }
0x70: {  	_ =	shalt  }
0x71: {  	_ =	shalt  }
0x72: {  	_ =	shalt  }
0x73: {  	_ =	shalt  }
0x74: {  	_ =	shalt  }
0x75: {  	_ =	shalt  }
0x76: {  	_ =	shalt  }
0x77: {  	_ =	shalt  }
0x78: {  	_ =	shalt  }
0x79: {  	_ =	shalt  }
0x7a: {  	_ =	shalt  }
0x7b: {  	_ =	shalt  }
0x7c: {  	_ =	shalt  }
0x7d: {  	_ =	shalt  }
0x7e: {  	_ =	shalt  }
0x7f: {  	_ =	shalt  }
0x80: {  	_ =	shalt  }
0x81: {  	_ =	shalt  }
0x82: {  	_ =	shalt  }
0x83: {  	_ =	shalt  }
0x84: {  	_ =	shalt  }
0x85: {  	_ =	shalt  }
0x86: {  	_ =	shalt  }
0x87: {  	_ =	shalt  }
.Lfunc_end0:
.L_simem_size_0:
called_computation.1_lowered:
.L_overlay_start_0:
0x88: {  	s2 =	sld [smem:$0x3FD9]  }
0x89: {  	s3 =	sld [smem:$0x3FFE];
	_ =	sdelay $0x1  }
0x8a: {  	s1 =	srdreg.scid  }
0x8b: {  	s0 =	sand.u32 $0x1, s1  }
0x8c: {  	s17 =	sshll.u32 s0, $0xA;
	s2 =	sadd.s32 s3, s2  }
0x8d: {  	s2 =	sadd.s32 s2, s17  }
0x8e: {  	[smem:$0x3FC2] =	sst s2  }
0x8f: {  	_ = 	snop  }
0x90: {  	s2 =	sld [smem:$0x3FD0];
	(tm) =	ssettm $0x1  }
0x91: {  	s18 =	sld [smem:$0x3FFB];
	_ =	sdelay $0x3  }
0x92: {  	_ =	strace s18  }
0x93: {  	s3 =	sld [smem:$0x3FFC];
	_ =	sdelay $0x3  }
0x94: {  	_ =	strace s3  }
0x95: {  	s3 =	sld [smem:$0x3FFD];
	_ =	sdelay $0x3  }
0x96: {  	_ =	strace s3  }
0x97: {  	_ =	strace $0x8FFFFFFF  }
0x98: {  	s19 =	sld [smem:$0x3FDB];
	_ =	sdelay $0x1  }
0x99: {  	s4 =	simm.s32 $_scs_section_size  }
0x9a: {  	s5 =	simm.s32 $_size__tile_overlayer_lowered;
	s6 =	simm.s32 $_tile_overlayer_lowered  }
0x9b: {  	s22 =	simm.s32 $0x1BFF;
	s21 =	sshll.u32 s6, $0x1;
	s3 =	sadd.s32 s4, s19  }
0x9c: {  	s7 =	simm.s32 $0x0;
	s20 =	sshll.u32 s5, $0x1;
	s5 =	sadd.s32 s21, s3  }
0x9d: {  	[timem:s7], [sflag:s22] =	dma.local [hbm:s5], s20  }
0x9e: {  	_ =	swait.ge [sflag:s22], s20  }
0x9f: {  	s4 =	ssub.s32 $0x0, s20;
	[sflag:s22] =	ssyncset.done $0x0  }
0xa0: {  	[sflag:s22] =	ssyncadd.s32 s4;
	_ =	sdelay $0x1  }
0xa1: {  	s23 =	simm.s32 $0x1B8B  }
0xa2: {  	_ =	swait.ge [sflag:s23], $0x1  }
0xa3: {  	[sflag:s23] =	ssyncset.done $0x0  }
0xa4: {  	s25 =	simm.s32 $0x1B8E;
	s24 =	sld [smem:$0x3FFE];
	[sflag:s23] =	ssyncadd.s32 $0xFFFFFFFF  }
0xa5: {  	s26 =	simm.s32 $execute0_lowered;
	[smem:$0x3FD2] =	sst s25  }
0xa6: {  	s5 =	sshll.u32 s26, $0x1;
	_ =	strace $0x80000049;
	[dreg:$0x1] =	wrdreg $0xFFFFFFFF  }
0xa7: {  	s28 =	simm.s32 $_size_execute0_lowered;
	s3 =	sadd.s32 s3, s5;
	[dreg:$0x0] =	wrdreg $0x0  }
0xa8: {  	s5 =	sshll.u32 s28, $0x1;
	[dreg:$0x2] =	wrdreg s3  }
0xa9: {  	[dreg:$0x3] =	wrdreg s5  }
0xaa: {  	[dreg:$0x4] =	wrdreg $0xC0  }
0xab: {  	_ =	task [dreg:s7], $0x5FFFF  }
0xac: {  	[dreg:$0x1] =	wrdreg $0xFFFFFFFF  }
0xad: {  	[dreg:$0x0] =	wrdreg $0x60  }
0xae: {  	[dreg:$0x2] =	wrdreg s24  }
0xaf: {  	[dreg:$0x3] =	wrdreg s2  }
0xb0: {  	[dreg:$0x4] =	wrdreg $0x9A000  }
0xb1: {  	[dreg:$0x5] =	wrdreg $0x9  }
0xb2: {  	_ =	task.clear_ibuf [dreg:s7], $0x6FFFF;
	_ =	strace $0x90000049  }
0xb3: {  	s29 =	simm.s32 $0x9;
	_ =	strace $0x8000004B  }
0xb4: {  	_ =	swait.ge [sflag:s29], $0x1  }
0xb5: {  	[sflag:s29] =	ssyncadd.s32 $0xFFFFFFFF  }
0xb6: {  	_ =	strace $0x9000004B  }
0xb7: {  	_ =	sfence  }
0xb8: {  	s30 =	sld [smem:$0x0];
	_ =	sdelay $0x2  }
0xb9: {  	s31 =	sshll.u32 s1, $0xD;
	s1 =	sshrl.u32 s1, $0x2  }
0xba: {  	s3 =	sand.u32 $0x4000, s31;
	s1 =	sadd.s32 s1, s30  }
0xbb: {  	s0 =	sor.u32 s3, s0;
	s1 =	sshll.u32 s1, $0x11  }
0xbc: {  	s0 =	sor.u32 s1, s0  }
0xbd: {  	s0 =	sadd.s32 $0x8F2B, s0  }
0xbe: {  	[sflag:s0] =	ssyncadd.remote.s32 $0x1  }
0xbf: {  	_ =	sfence.sel $0xFFFF  }
0xc0: {  	[dreg:$0x0] =	wrdreg $0xFFFFFFFF;
	(pc) =	sbr.abs _section_cstart, $3  }
0xc1: {  	[dreg:$0x1] =	wrdreg $0xFFFFFFFF  }
0xc2: {  	_ =	task.clear_ibuf [dreg:s7], $0x2FFFF;
	_ =	strace $0x9FFFFFFF  }
0xc3: {  	(tm) =	ssettm $0x7FFFFFFF  }
tec
execute0_lowered:
.L_overlay_start_1:
0x0: {  	(tag) =	ssettag $0x1  }
0x1: {  	s0 =	rddreg [dreg:$0x0]  }
0x2: {  	s1 =	rddreg [dreg:$0x1]  }
0x3: {  	s2 =	rddreg [dreg:$0x2];
	s3 =	srdreg.scid  }
0x4: {  	s4 =	simm.s32 $0x0;
	s13 =	stileid.u32;
	s28 =	simm.s32 $0x3  }
0x5: {  	s29 =	simm.s32 $0xD00;
	s30 =	simm.s32 $0x80;
	s31 =	simm.s32 $0x5A00  }
0x6: {  	s3 =	sand.u32 $0x1, s3;
	[smem:$0x7FF] =	sst s4;
	s8 =	smul.u32 $0x14000, s13  }
0x7: {  	s5 =	sadd.s32 $0x5CA00, s0;
	s6 =	sadd.s32 $0x2C00, s0;
	s9 =	smul.u32 $0x50000, s13  }
0x8: {  	s11 =	smul.u32 $0x4E0, s13;
	s12 =	sshll.u32 s13, $0x4;
	p0 =	sgt.u32 s13, $0x1  }
0x9: {  	s7 =	smul.u32 $0x140000, s3;
	_ =	strace $0x8000004A;
	s19 =	ssub.s32 $0x2, s3  }
0xa: {  	s3 =	smul.u32 $0x2800, s3;
	s22 =	sadd.s32 s12, s1;
	s12 =	sadd.s32 s12, s6  }
0xb: {  	s10 =	sshrl.u32 s19, $0x1;
	s20 =	sshrl.u32 s9, $0x2;
	s11 =	sadd.s32 s1, s11  }
0xc: {  	s23 =	sadd.s32 $0x9C20, s12;
	s7 =	sadd.s32 s8, s7;
	[dreg:$0x4] =	wrdreg s11  }
0xd: {  	s10 =	ssub.s32 s19, s10;
	s8 =	sadd.s32 s20, s2;
	[dreg:$0x7] =	wrdreg s23  }
0xe: {  	v0 =	vmov s3;
	s3 =	simm.s32 $0xC80;
	s7 =	sshrl.u32 s7, $0x3;
	s24 =	smax.u32 s10, $0x1  }
0xf: {  	s25 =	sadd.s32 $0x2000, s8;
	s26 =	sadd.s32 $0x4000, s8;
	s18 =	sadd.s32 $0x6000, s8  }
0x10: {  	s19 =	sadd.s32 $0x8000, s8;
	s20 =	sadd.s32 $0xA000, s8;
	[dreg:$0x9] =	wrdreg s24  }
0x11: {  	s0 =	sadd.s32 s7, s0;
	s7 =	smul.u32 $0x4E, s13;
	[dreg:$0xa] =	wrdreg s25  }
0x12: {  	s23 =	sadd.s32 $0x10000, s8;
	s10 =	simm.s32 $0x1900;
	[dreg:$0xb] =	wrdreg s26  }
0x13: {  	s24 =	sadd.s32 $0x12000, s8;
	s25 =	simm.s32 $0x1A00;
	s9 =	sadd.s32 $0x4E2, s7  }
0x14: {  	s26 =	simm.s32 $0x1;
	s0 =	sadd.s32 $0xACA00, s0;
	s21 =	sshll.u32 s9, $0x4  }
0x15: {  	[dreg:$0x8] =	wrdreg s0;
	s0 =	simm.s32 $0x2;
	s11 =	sadd.s32 s6, s21  }
0x16: {  	s21 =	sadd.s32 $0xC000, s8;
	[dreg:$0x5] =	wrdreg s11;
	s11 =	sadd.s32 $0x4E00, s22  }
0x17: {  	v1 =	vimm.f32 $0.0e+00;
	s22 =	sadd.s32 $0xE000, s8;
	[dreg:$0x6] =	wrdreg s11;
	s11 =	simm.s32 $0x1980  }
.LBB2_1:
0x18: {  	s12 =	simm.s32 $0x0;
	s13 =	simm.s32 $0x200  }
.LBB2_2:
0x19: {  	p1 =	sne.s32 s13, $0x7E00;
	[tilespmem:s12+$0x1A70] =	vst v1  }
0x1a: {  	[tilespmem:s12+$0x1A00] =	vst v1  }
0x1b: {  	[tilespmem:s12+$0x1A10] =	vst v1  }
.Ltmp0:
0x1c: {  	[tilespmem:s12+$0x1A20] =	vst v1;
	(pc) =	sbr.rel @p1 .LBB2_2-.Ltmp0, $4  }
0x1d: {  	[tilespmem:s12+$0x1A30] =	vst v1  }
0x1e: {  	[tilespmem:s12+$0x1A40] =	vst v1  }
0x1f: {  	[tilespmem:s12+$0x1A50] =	vst v1  }
0x20: {  	[tilespmem:s12+$0x1A60] =	vst v1;
	s12 =	sshra.s32 s13, $0x2;
	s13 =	sadd.s32 $0x200, s13  }
0x21: {  	[tilespmem:s12+$0x1A70] =	vst v1  }
0x22: {  	[tilespmem:s12+$0x1A00] =	vst v1  }
0x23: {  	[tilespmem:s12+$0x1A10] =	vst v1  }
0x24: {  	[tilespmem:s12+$0x1A20] =	vst v1  }
0x25: {  	[tilespmem:s12+$0x1A30] =	vst v1  }
0x26: {  	[tilespmem:s12+$0x1A40] =	vst v1  }
0x27: {  	[tilespmem:s12+$0x1A50] =	vst v1  }
0x28: {  	[tilespmem:s12+$0x1A60] =	vst v1  }
0x29: {  	[spmem:s8] =	stream.linear.scatter [tilespmem:s25], [sflag:$0x1], $0x2000, $0x38;
	[tilespmem:$0x1DA00] =	vst v63  }
0x2a: {  	s14 =	rddreg [dreg:$0xa]  }
0x2b: {  	[spmem:s14] =	stream.linear.scatter [tilespmem:s25], [sflag:$0x1], $0x2000, $0x38;
	[tilespmem:$0x1DA00] =	vst v63  }
0x2c: {  	s15 =	rddreg [dreg:$0xb]  }
0x2d: {  	[spmem:s15] =	stream.linear.scatter [tilespmem:s25], [sflag:$0x1], $0x2000, $0x38;
	[tilespmem:$0x1DA00] =	vst v63  }
0x2e: {  	_ = 	snop  }
0x2f: {  	[spmem:s18] =	stream.linear.scatter [tilespmem:s25], [sflag:$0x1], $0x2000, $0x38;
	[tilespmem:$0x1DA00] =	vst v63  }
0x30: {  	_ = 	snop  }
0x31: {  	[spmem:s19] =	stream.linear.scatter [tilespmem:s25], [sflag:$0x1], $0x2000, $0x38;
	[tilespmem:$0x1DA00] =	vst v63  }
0x32: {  	_ = 	snop  }
0x33: {  	[spmem:s20] =	stream.linear.scatter [tilespmem:s25], [sflag:$0x1], $0x2000, $0x38;
	[tilespmem:$0x1DA00] =	vst v63  }
0x34: {  	_ = 	snop  }
0x35: {  	[spmem:s21] =	stream.linear.scatter [tilespmem:s25], [sflag:$0x1], $0x2000, $0x38;
	[tilespmem:$0x1DA00] =	vst v63  }
0x36: {  	_ = 	snop  }
0x37: {  	[spmem:s22] =	stream.linear.scatter [tilespmem:s25], [sflag:$0x1], $0x2000, $0x38;
	[tilespmem:$0x1DA00] =	vst v63  }
0x38: {  	_ = 	snop  }
0x39: {  	[spmem:s23] =	stream.linear.scatter [tilespmem:s25], [sflag:$0x1], $0x2000, $0x38;
	[tilespmem:$0x1DA00] =	vst v63  }
0x3a: {  	_ = 	snop  }
0x3b: {  	[spmem:s24] =	stream.linear.scatter [tilespmem:s25], [sflag:$0x1], $0x2000, $0x38;
	[tilespmem:$0x1DA00] =	vst v63  }
0x3c: {  	_ =	swait.ge [sflag:s26], $0x2000  }
0x3d: {  	[sflag:s26] =	ssyncset.done $0x0  }
0x3e: {  	[sflag:s26] =	ssyncadd.s32 $0xFFFFE000  }
0x3f: {  	_ =	swait.ge [sflag:s26], $0x2000  }
0x40: {  	[sflag:s26] =	ssyncset.done $0x0  }
0x41: {  	[sflag:s26] =	ssyncadd.s32 $0xFFFFE000  }
0x42: {  	_ =	swait.ge [sflag:s26], $0x2000  }
0x43: {  	[sflag:s26] =	ssyncset.done $0x0  }
0x44: {  	[sflag:s26] =	ssyncadd.s32 $0xFFFFE000  }
0x45: {  	_ =	swait.ge [sflag:s26], $0x2000  }
0x46: {  	[sflag:s26] =	ssyncset.done $0x0  }
0x47: {  	[sflag:s26] =	ssyncadd.s32 $0xFFFFE000  }
0x48: {  	_ =	swait.ge [sflag:s26], $0x2000  }
0x49: {  	[sflag:s26] =	ssyncset.done $0x0  }
0x4a: {  	[sflag:s26] =	ssyncadd.s32 $0xFFFFE000  }
0x4b: {  	_ =	swait.ge [sflag:s26], $0x2000  }
0x4c: {  	[sflag:s26] =	ssyncset.done $0x0  }
0x4d: {  	[sflag:s26] =	ssyncadd.s32 $0xFFFFE000  }
0x4e: {  	_ =	swait.ge [sflag:s26], $0x2000  }
0x4f: {  	[sflag:s26] =	ssyncset.done $0x0  }
0x50: {  	[sflag:s26] =	ssyncadd.s32 $0xFFFFE000  }
0x51: {  	_ =	swait.ge [sflag:s26], $0x2000  }
0x52: {  	[sflag:s26] =	ssyncset.done $0x0  }
0x53: {  	[sflag:s26] =	ssyncadd.s32 $0xFFFFE000  }
0x54: {  	_ =	swait.ge [sflag:s26], $0x2000  }
0x55: {  	[sflag:s26] =	ssyncset.done $0x0  }
0x56: {  	[sflag:s26] =	ssyncadd.s32 $0xFFFFE000  }
0x57: {  	_ =	swait.ge [sflag:s26], $0x2000  }
0x58: {  	[sflag:s26] =	ssyncset.done $0x0  }
0x59: {  	s16 =	simm.s32 $0x0;
	s13 =	rddreg [dreg:$0x4];
	[sflag:s26] =	ssyncadd.s32 $0xFFFFE000  }
0x5a: {  	[tilespmem:s16], [sflag:$0x3] =	stream.linear.gather [hbm4b:s13+s16], $0xD00, $0x38;
	[tilespmem:$0x1DA00] =	vst v63  }
0x5b: {  	_ =	swait.ge [sflag:s28], $0xD00  }
0x5c: {  	[sflag:s28] =	ssyncset.done $0x0  }
0x5d: {  	s17 =	rddreg [dreg:$0x5];
	[sflag:s28] =	ssyncadd.s32 $0xFFFFF300  }
0x5e: {  	[tilespmem:s29], [sflag:$0x3] =	stream.linear.gather [hbm4b:s17+s16], $0xD00, $0x38;
	[tilespmem:$0x1DA00] =	vst v63  }
0x5f: {  	_ =	swait.ge [sflag:s28], $0xD00  }
0x60: {  	[sflag:s28] =	ssyncset.done $0x0  }
0x61: {  	s12 =	simm.s32 $0x0;
	s13 =	simm.s32 $0x40;
	[sflag:s28] =	ssyncadd.s32 $0xFFFFF300  }
.LBB2_4:
0x62: {  	p1 =	sne.s32 s13, $0x33C0;
	v2 =	vld [tilespmem:s12+$0x0];
	_ =	sdelay $0x1  }
.Ltmp1:
0x63: {  	(pc) =	sbr.rel @p1 .LBB2_4-.Ltmp1, $3  }
0x64: {  	_ =	sdelay $0x1  }
0x65: {  	v2 =	vadd.s32 v0, v2  }
0x66: {  	[tilespmem:s12+$0x0] =	vst v2;
	s12 =	sshra.s32 s13, $0x2;
	s13 =	sadd.s32 $0x40, s13  }
0x67: {  	v2 =	vld [tilespmem:s12+$0x0];
	_ =	sdelay $0x4  }
0x68: {  	v2 =	vadd.s32 v0, v2  }
0x69: {  	[tilespmem:s12+$0x0] =	vst v2  }
0x6a: {  	s12 =	simm.s32 $0x0;
	[bflag:$0x0] =	sbarrier.arrive $0xFFFF  }
.LBB2_6:
0x6b: {  	p1 =	seq.s32 s12, $0x0  }
.Ltmp2:
0x6c: {  	_ = 	snop;
	(pc) =	sbr.rel @p1 .LBB2_10-.Ltmp2, $1  }
0x6d: {  	_ =	sdelay $0x3  }
0x6e: {  	s13 =	smul.u32 $0x1A, s12;
	_ =	sdelay $0x1  }
0x6f: {  	s14 =	sadd.s32 s7, s13  }
0x70: {  	s14 =	sshll.u32 s14, $0x4  }
0x71: {  	s15 =	simm.s32 $0x0;
	s14 =	sadd.s32 s1, s14  }
0x72: {  	[tilespmem:s15], [sflag:$0x3] =	stream.linear.gather [hbm4b:s14+s15], $0xD00, $0x38;
	[tilespmem:$0x1DA00] =	vst v63  }
0x73: {  	s13 =	sadd.s32 s9, s13;
	_ =	swait.ge [sflag:s28], $0xD00  }
0x74: {  	s13 =	sshll.u32 s13, $0x4;
	[sflag:s28] =	ssyncset.done $0x0  }
0x75: {  	s13 =	sadd.s32 s6, s13;
	[sflag:s28] =	ssyncadd.s32 $0xFFFFF300  }
0x76: {  	[tilespmem:s29], [sflag:$0x3] =	stream.linear.gather [hbm4b:s13+s15], $0xD00, $0x38;
	[tilespmem:$0x1DA00] =	vst v63  }
0x77: {  	_ =	swait.ge [sflag:s28], $0xD00  }
0x78: {  	[sflag:s28] =	ssyncset.done $0x0  }
0x79: {  	s14 =	simm.s32 $0x40;
	s13 =	simm.s32 $0x0;
	[sflag:s28] =	ssyncadd.s32 $0xFFFFF300  }
.LBB2_8:
0x7a: {  	p1 =	sne.s32 s14, $0x33C0;
	v2 =	vld [tilespmem:s13+$0x0];
	_ =	sdelay $0x1  }
.Ltmp3:
0x7b: {  	(pc) =	sbr.rel @p1 .LBB2_8-.Ltmp3, $3  }
0x7c: {  	_ =	sdelay $0x1  }
0x7d: {  	v2 =	vadd.s32 v0, v2  }
0x7e: {  	[tilespmem:s13+$0x0] =	vst v2;
	s13 =	sshra.s32 s14, $0x2;
	s14 =	sadd.s32 $0x40, s14  }
0x7f: {  	v2 =	vld [tilespmem:s13+$0x0];
	_ =	sdelay $0x4  }
0x80: {  	v2 =	vadd.s32 v0, v2  }
0x81: {  	[tilespmem:s13+$0x0] =	vst v2  }
.LBB2_10:
0x82: {  	s13 =	simm.s32 $0x0  }
0x83: {  	[tilespmem:s25], [sflag:$0x1] =	stream.indirect.gather [hbm4b:s5+s30], $0x80, s13, s30, $0xb8;
	[tilespmem:$0x1DA00] =	vst v63  }
0x84: {  	s14 =	simm.s32 $0x80  }
0x85: {  	[tilespmem:s31], [sflag:$0x2] =	stream.indirect.gather [hbm4b:s5+s30], $0x80, s14, s30, $0xb8;
	[tilespmem:$0x1DA00] =	vst v63  }
0x86: {  	_ =	swait.ge [sflag:s26], $0x4000  }
0x87: {  	[sflag:s26] =	ssyncset.done $0x0  }
0x88: {  	s15 =	simm.s32 $0xD00;
	[sflag:s26] =	ssyncadd.s32 $0xFFFFC000  }
0x89: {  	[spmem:s2] =	stream.indirect.scatter.add.f32 [tilespmem:s25], [sflag:$0x3], $0x80, s15, s30, $0xb8;
	[tilespmem:$0x1DA00] =	vst v63  }
0x8a: {  	_ =	swait.ge [sflag:s28], $0x4000  }
0x8b: {  	[sflag:s28] =	ssyncset.done $0x0  }
0x8c: {  	s16 =	simm.s32 $0x100;
	[sflag:s28] =	ssyncadd.s32 $0xFFFFC000  }
0x8d: {  	[tilespmem:s25], [sflag:$0x1] =	stream.indirect.gather [hbm4b:s5+s30], $0x80, s16, s30, $0xb8;
	[tilespmem:$0x1DA00] =	vst v63  }
0x8e: {  	_ =	swait.ge [sflag:s0], $0x4000  }
0x8f: {  	[sflag:s0] =	ssyncset.done $0x0  }
0x90: {  	s17 =	simm.s32 $0xD80;
	[sflag:s0] =	ssyncadd.s32 $0xFFFFC000  }
0x91: {  	[spmem:s2] =	stream.indirect.scatter.add.f32 [tilespmem:s31], [sflag:$0x3], $0x80, s17, s30, $0xb8;
	[tilespmem:$0x1DA00] =	vst v63  }
0x92: {  	_ =	swait.ge [sflag:s28], $0x4000  }
0x93: {  	s13 =	simm.s32 $0x100;
	s14 =	simm.s32 $0x800;
	[sflag:s28] =	ssyncset.done $0x0  }
.LBB2_11:
0x94: {  	s15 =	sadd.s32 $0x80, s13  }
0x95: {  	[sflag:s28] =	ssyncadd.s32 $0xFFFFC000;
	s16 =	smov.u32 s14;
	s17 =	sadd.s32 $0x400, s14  }
0x96: {  	[tilespmem:s31], [sflag:$0x2] =	stream.indirect.gather [hbm4b:s5+s30], $0x80, s15, s30, $0xb8;
	[tilespmem:$0x1DA00] =	vst v63  }
0x97: {  	p1 =	sne.s32 s14, $0x2C00;
	_ =	swait.ge [sflag:s26], $0x4000  }
0x98: {  	[sflag:s26] =	ssyncset.done $0x0  }
0x99: {  	s14 =	sadd.s32 $0xD00, s13;
	[sflag:s26] =	ssyncadd.s32 $0xFFFFC000  }
0x9a: {  	[spmem:s2] =	stream.indirect.scatter.add.f32 [tilespmem:s25], [sflag:$0x3], $0x80, s14, s30, $0xb8;
	[tilespmem:$0x1DA00] =	vst v63  }
0x9b: {  	_ =	swait.ge [sflag:s28], $0x4000  }
0x9c: {  	[sflag:s28] =	ssyncset.done $0x0  }
0x9d: {  	s14 =	sadd.s32 $0x100, s13;
	[sflag:s28] =	ssyncadd.s32 $0xFFFFC000  }
0x9e: {  	[tilespmem:s25], [sflag:$0x1] =	stream.indirect.gather [hbm4b:s5+s30], $0x80, s14, s30, $0xb8;
	[tilespmem:$0x1DA00] =	vst v63  }
0x9f: {  	_ =	swait.ge [sflag:s0], $0x4000  }
.Ltmp4:
0xa0: {  	[sflag:s0] =	ssyncset.done $0x0;
	(pc) =	sbr.rel @p1 .LBB2_11-.Ltmp4, $4  }
0xa1: {  	s13 =	sadd.s32 $0xD80, s13;
	[sflag:s0] =	ssyncadd.s32 $0xFFFFC000  }
0xa2: {  	[spmem:s2] =	stream.indirect.scatter.add.f32 [tilespmem:s31], [sflag:$0x3], $0x80, s13, s30, $0xb8;
	[tilespmem:$0x1DA00] =	vst v63  }
0xa3: {  	_ =	swait.ge [sflag:s28], $0x4000  }
0xa4: {  	s14 =	smov.u32 s17;
	s13 =	sshra.s32 s16, $0x2;
	[sflag:s28] =	ssyncset.done $0x0  }
0xa5: {  	s14 =	sadd.s32 $0x80, s13;
	[sflag:s28] =	ssyncadd.s32 $0xFFFFC000  }
0xa6: {  	[tilespmem:s31], [sflag:$0x2] =	stream.indirect.gather [hbm4b:s5+s30], $0x80, s14, s30, $0xb8;
	[tilespmem:$0x1DA00] =	vst v63  }
0xa7: {  	_ =	swait.ge [sflag:s26], $0x4000  }
0xa8: {  	[sflag:s26] =	ssyncset.done $0x0  }
0xa9: {  	s15 =	sadd.s32 $0xD00, s13;
	[sflag:s26] =	ssyncadd.s32 $0xFFFFC000  }
0xaa: {  	[spmem:s2] =	stream.indirect.scatter.add.f32 [tilespmem:s25], [sflag:$0x3], $0x80, s15, s30, $0xb8;
	[tilespmem:$0x1DA00] =	vst v63  }
0xab: {  	_ =	swait.ge [sflag:s28], $0x4000  }
0xac: {  	[sflag:s28] =	ssyncset.done $0x0  }
0xad: {  	s16 =	sadd.s32 $0x100, s13;
	[sflag:s28] =	ssyncadd.s32 $0xFFFFC000  }
0xae: {  	[tilespmem:s25], [sflag:$0x1] =	stream.indirect.gather [hbm4b:s5+s30], $0x80, s16, s30, $0xb8;
	[tilespmem:$0x1DA00] =	vst v63  }
0xaf: {  	_ =	swait.ge [sflag:s0], $0x4000  }
0xb0: {  	[sflag:s0] =	ssyncset.done $0x0  }
0xb1: {  	s17 =	sadd.s32 $0xD80, s13;
	[sflag:s0] =	ssyncadd.s32 $0xFFFFC000  }
0xb2: {  	[spmem:s2] =	stream.indirect.scatter.add.f32 [tilespmem:s31], [sflag:$0x3], $0x80, s17, s30, $0xb8;
	[tilespmem:$0x1DA00] =	vst v63  }
0xb3: {  	_ =	swait.ge [sflag:s28], $0x4000  }
0xb4: {  	[sflag:s28] =	ssyncset.done $0x0  }
0xb5: {  	[sflag:s28] =	ssyncadd.s32 $0xFFFFC000  }
0xb6: {  	[tilespmem:s31], [sflag:$0x2] =	stream.indirect.gather [hbm4b:s5+s30], $0x80, s3, s30, $0xb8;
	[tilespmem:$0x1DA00] =	vst v63  }
0xb7: {  	_ =	swait.ge [sflag:s26], $0x4000  }
0xb8: {  	[sflag:s26] =	ssyncset.done $0x0  }
0xb9: {  	[sflag:s26] =	ssyncadd.s32 $0xFFFFC000  }
0xba: {  	[spmem:s2] =	stream.indirect.scatter.add.f32 [tilespmem:s25], [sflag:$0x3], $0x80, s10, s30, $0xb8;
	[tilespmem:$0x1DA00] =	vst v63  }
0xbb: {  	_ =	swait.ge [sflag:s28], $0x4000  }
0xbc: {  	[sflag:s28] =	ssyncset.done $0x0  }
0xbd: {  	[sflag:s28] =	ssyncadd.s32 $0xFFFFC000  }
0xbe: {  	s12 =	sadd.s32 $0x1, s12;
	_ =	swait.ge [sflag:s0], $0x4000  }
0xbf: {  	p1 =	sne.s32 s12, $0x3;
	[sflag:s0] =	ssyncset.done $0x0  }
.Ltmp5:
0xc0: {  	[sflag:s0] =	ssyncadd.s32 $0xFFFFC000;
	(pc) =	sbr.rel @p1 .LBB2_6-.Ltmp5, $4  }
0xc1: {  	[spmem:s2] =	stream.indirect.scatter.add.f32 [tilespmem:s31], [sflag:$0x3], $0x80, s11, s30, $0xb8;
	[tilespmem:$0x1DA00] =	vst v63  }
0xc2: {  	_ =	swait.ge [sflag:s28], $0x4000  }
0xc3: {  	[sflag:s28] =	ssyncset.done $0x0  }
0xc4: {  	[sflag:s28] =	ssyncadd.s32 $0xFFFFC000  }
0xc5: {  	s12 =	simm.s32 @!p0 $0x0;
	s13 =	rddreg [dreg:$0x6]  }
0xc6: {  	[tilespmem:s12], [sflag:$0x3] =	stream.linear.gather @!p0 [hbm4b:s13+s12], $0x80, $0x38;
	[tilespmem:$0x1DA00] =	vst v63  }
0xc7: {  	s13 =	simm.s32 @!p0 $0x3  }
0xc8: {  	_ =	swait.ge @!p0 [sflag:s13], $0x80  }
0xc9: {  	[sflag:s13] =	ssyncset.done @!p0 $0x0  }
0xca: {  	s14 =	simm.s32 @!p0 $0xD00;
	s15 =	rddreg [dreg:$0x7];
	[sflag:s13] =	ssyncadd.s32 @!p0 $0xFFFFFF80  }
0xcb: {  	[tilespmem:s14], [sflag:$0x3] =	stream.linear.gather @!p0 [hbm4b:s15+s12], $0x80, $0x38;
	[tilespmem:$0x1DA00] =	vst v63  }
0xcc: {  	_ =	swait.ge @!p0 [sflag:s13], $0x80  }
0xcd: {  	[sflag:s13] =	ssyncset.done @!p0 $0x0  }
0xce: {  	[sflag:s13] =	ssyncadd.s32 @!p0 $0xFFFFFF80  }
0xcf: {  	v2 =	vld @!p0 [tilespmem:$0x0]  }
0xd0: {  	v3 =	vld @!p0 [tilespmem:$0x10]  }
0xd1: {  	v4 =	vld @!p0 [tilespmem:$0x20]  }
0xd2: {  	v5 =	vld @!p0 [tilespmem:$0x30]  }
0xd3: {  	v6 =	vld @!p0 [tilespmem:$0x40]  }
0xd4: {  	v7 =	vld @!p0 [tilespmem:$0x50];
	v2 =	vadd.s32 @!p0 v0, v2  }
0xd5: {  	[tilespmem:$0x0] =	vst @!p0 v2;
	v2 =	vadd.s32 @!p0 v0, v3;
	v3 =	vld @!p0 [tilespmem:$0x60]  }
0xd6: {  	[tilespmem:$0x10] =	vst @!p0 v2;
	v2 =	vadd.s32 @!p0 v0, v4;
	v4 =	vld @!p0 [tilespmem:$0x70]  }
0xd7: {  	[tilespmem:$0x20] =	vst @!p0 v2;
	v2 =	vadd.s32 @!p0 v0, v5  }
0xd8: {  	[tilespmem:$0x30] =	vst @!p0 v2;
	v2 =	vadd.s32 @!p0 v0, v6  }
0xd9: {  	[tilespmem:$0x40] =	vst @!p0 v2;
	v2 =	vadd.s32 @!p0 v0, v7  }
0xda: {  	[tilespmem:$0x50] =	vst @!p0 v2;
	v2 =	vadd.s32 @!p0 v0, v3  }
0xdb: {  	[tilespmem:$0x60] =	vst @!p0 v2;
	v2 =	vadd.s32 @!p0 v0, v4  }
0xdc: {  	s16 =	simm.s32 @!p0 $0x1A00;
	s15 =	simm.s32 @!p0 $0x80;
	[tilespmem:$0x70] =	vst @!p0 v2  }
0xdd: {  	[tilespmem:s16], [sflag:$0x1] =	stream.indirect.gather @!p0 [hbm4b:s5+s15], $0x80, s12, s15, $0xb8;
	[tilespmem:$0x1DA00] =	vst v63  }
0xde: {  	s12 =	simm.s32 @!p0 $0x1  }
0xdf: {  	_ =	swait.ge @!p0 [sflag:s12], $0x4000  }
0xe0: {  	[sflag:s12] =	ssyncset.done @!p0 $0x0  }
0xe1: {  	[sflag:s12] =	ssyncadd.s32 @!p0 $0xFFFFC000  }
0xe2: {  	[spmem:s2] =	stream.indirect.scatter.add.f32 @!p0 [tilespmem:s16], [sflag:$0x3], $0x80, s14, s15, $0xb8;
	[tilespmem:$0x1DA00] =	vst v63  }
0xe3: {  	_ =	swait.ge @!p0 [sflag:s13], $0x4000  }
0xe4: {  	[sflag:s13] =	ssyncset.done @!p0 $0x0  }
0xe5: {  	s14 =	stileid.u32;
	[sflag:s13] =	ssyncadd.s32 @!p0 $0xFFFFC000  }
0xe6: {  	s12 =	sshll.u32 s14, $0x6;
	[bflag:$0x0] =	sbarrier.arrive $0xFFFF  }
0xe7: {  	s15 =	sshrl.u32 s8, $0x3;
	s12 =	sor.u32 $0x1C03, s12;
	s16 =	rddreg [dreg:$0x8]  }
0xe8: {  	[hbm:s16], [sflag:s12] =	dma.local [spmem:s15], $0x2800  }
0xe9: {  	_ =	swait.ge [sflag:s28], $0x2800  }
0xea: {  	s4 =	sadd.s32 $0x1, s4;
	s17 =	rddreg [dreg:$0x9]  }
0xeb: {  	p1 =	sne.s32 s4, s17  }
.Ltmp6:
0xec: {  	_ = 	snop;
	(pc) =	sbr.rel @p1 .LBB2_1-.Ltmp6, $3  }
0xed: {  	_ =	sdelay $0x1  }
0xee: {  	[sflag:s28] =	ssyncset.done $0x0  }
0xef: {  	[sflag:s28] =	ssyncadd.s32 $0xFFFFD800  }
0xf0: {  	_ =	sfence.sel $0x180000  }
0xf1: {  	[bflag:$0x0] =	sbarrier.arrive $0xFFFF  }
0xf2: {  	_ =	strace $0x9000004A  }
0xf3: {  	s0 =	stileid.u32;
	[bflag:$0x2] =	sbarrier.arrive $0xFFFF  }
0xf4: {  	p0 =	sne.s32 s0, $0x0;
	s0 =	rddreg [dreg:$0x3]  }
0xf5: {  	s0 =	sadd.s32 @!p0 $0x100000, s0  }
0xf6: {  	[sflag:s0] =	ssyncadd.tile.s32 @!p0 $0x1;
	_ =	shalt  }
.Lfunc_end2:
_tile_overlayer_lowered:
.L_overlay_start_2:
0xf7: {  	(tag) =	ssettag $0x2  }
0xf8: {  	s0 =	rddreg [dreg:$0x0];
	s2 =	stileid.u32  }
0xf9: {  	s1 =	rddreg [dreg:$0x1];
	p0 =	sne.s32 s2, $0x0  }
0xfa: {  	s3 =	rddreg [dreg:$0x2];
	[bflag:$0x3] =	sbarrier.arrive $0xFFFF;
	s2 =	simm.s32 @!p0 $0x1C03  }
0xfb: {  	[timem:s3], [sflag:s2] =	dma.local @!p0 [hbm:s0], s1  }
0xfc: {  	s0 =	simm.s32 @!p0 $0x3  }
0xfd: {  	_ =	swait.ge @!p0 [sflag:s0], s1  }
0xfe: {  	s1 =	ssub.s32 @!p0 $0x0, s1;
	[sflag:s0] =	ssyncset.done @!p0 $0x0  }
0xff: {  	[sflag:s0] =	ssyncadd.s32 @!p0 s1  }
0x100: {  	[bflag:$0x3] =	sbarrier.arrive $0xFFFF  }
0x101: {  	_ =	shalt  }

// kernel: kernel.15.cloned.1.call-start
scs
__scs_entry_jumppad:
0x0: {  	(pc) =	sbr.rel $0x88, $3  }
0x1: {  	(tag) =	ssettag $0x0;
	lr =	simm.s32 $0x1  }
0x2: {  	[smem:$0x3F9B] =	sst lr;
	_ =	strace $0xD0000000  }
0x3: {  	_ = 	snop  }
0x4: {  	_ = 	snop  }
0x5: {  	_ = 	snop  }
0x6: {  	_ = 	snop  }
0x7: {  	_ = 	snop  }
__scs_overlays_trampoline_lowered:
0x8: {  	[smem:$0x3FAA] =	sst s0  }
0x9: {  	[smem:$0x3FAB] =	sst s1  }
0xa: {  	[smem:$0x3FAC] =	sst s2  }
0xb: {  	[smem:$0x3FAD] =	sst s3  }
0xc: {  	[smem:$0x3FAE] =	sst s4  }
0xd: {  	[smem:$0x3FAF] =	sst s5  }
0xe: {  	[smem:$0x3FB0] =	sst s6  }
0xf: {  	[smem:$0x3FB1] =	sst s7  }
0x10: {  	[smem:$0x3FB2] =	sst s8  }
0x11: {  	[smem:$0x3FB3] =	sst s9;
	s0 =	simm.s32 @!p0 $0x0  }
0x12: {  	s1 =	sld [smem:$0x3F99];
	s0 =	simm.s32 @p0 $0x1  }
0x13: {  	[smem:$0x3FB4] =	sst s0;
	s0 =	simm.s32 @!p1 $0x0  }
0x14: {  	s2 =	sld [smem:$0x3F98];
	s0 =	simm.s32 @p1 $0x1  }
0x15: {  	[smem:$0x3FB5] =	sst s0;
	s0 =	simm.s32 @!p2 $0x0  }
0x16: {  	s3 =	sld [smem:$0x3FDB];
	s0 =	simm.s32 @p2 $0x1  }
0x17: {  	s4 =	simm.s32 $0x1BF5;
	[smem:$0x3FB7] =	sst s0  }
0x18: {  	s0 =	sld [smem:$0x3F9A];
	_ =	swait.ge [sflag:s4], $0x0  }
0x19: {  	s7 =	sld [smem:$0x3F9B]  }
0x1a: {  	s8 =	sadd.s32 $0xFFFFE003, lr  }
0x1b: {  	s9 =	sadd.s32 $0xFFFFFEF7, lr;
	s5 =	simm.s32 $0xFFFFFFFF;
	p2 =	slt.u32 s8, $0xFFFFF086  }
0x1c: {  	p1 =	slt.u32 s9, $0xF7A;
	s5 =	simm.s32 @!p2 $0x0  }
0x1d: {  	s5 =	simm.s32 @p1 $0x1;
	p0 =	seq.s32 s7, s2  }
0x1e: {  	s7 =	smul.u32 @!p0 $0xF7A, s2;
	p2 =	seq.s32 @!p0 s5, $0x0  }
0x1f: {  	s9 =	smul.u32 $0xF7A, s1;
	s8 =	simm.s32 @!p0 $0x1BF5;
	p2 =	por !p2, p0  }
0x20: {  	[sflag:s8] =	ssyncset.s32 @!p0 $0xFFFFF086;
	s6 =	sadd.s32 @!p0 s3, s7;
	s7 =	simm.s32 @!p0 $0x108  }
0x21: {  	s3 =	sadd.s32 s3, s9;
	s6 =	sadd.s32 @!p0 $0x88, s6;
	s7 =	simm.s32 @p2 $0x1082  }
0x22: {  	[simem:s7], [sflag:s8] =	dma.local @!p0 [hbm:s6], $0xF7A  }
0x23: {  	s9 =	sor.u32 $0xD0000000, s2;
	s6 =	simm.s32 $0x108;
	_ =	swait.ge @!p0 [sflag:s8], $0x0  }
0x24: {  	s3 =	sadd.s32 $0x88, s3;
	s6 =	simm.s32 @!p1 $0x1082;
	[sflag:s4] =	ssyncset.s32 $0xFFFFF086  }
0x25: {  	[simem:s6], [sflag:s4] =	dma.local [hbm:s3], $0xF7A  }
0x26: {  	[smem:$0x3F9B] =	sst s1;
	(tag) =	ssettag s2;
	_ =	strace s9  }
0x27: {  	s1 =	sld [smem:$0x3FAB]  }
0x28: {  	s2 =	sld [smem:$0x3FAC]  }
0x29: {  	s4 =	sld [smem:$0x3FAE]  }
0x2a: {  	p0 =	seq.s32 s5, $0x0;
	s5 =	sld [smem:$0x3FAF]  }
0x2b: {  	s6 =	sld [smem:$0x3FB0]  }
0x2c: {  	s7 =	sld [smem:$0x3FB1]  }
0x2d: {  	s3 =	simm.s32 $0x108;
	s8 =	sld [smem:$0x3FB2]  }
0x2e: {  	s3 =	simm.s32 @!p0 $0x1082;
	s9 =	sld [smem:$0x3FB3]  }
0x2f: {  	lr =	sadd.s32 s0, s3;
	s0 =	sld [smem:$0x3FAA]  }
0x30: {  	s3 =	sld [smem:$0x3FAD]  }
0x31: {  	[smem:$0x3FB6] =	sst s10  }
0x32: {  	s10 =	sld [smem:$0x3FB4];
	_ =	sdelay $0x3  }
0x33: {  	p0 =	seq.s32 s10, $0x1;
	s10 =	sld [smem:$0x3FB6];
	_ =	sdelay $0x3  }
0x34: {  	[smem:$0x3FB6] =	sst s10  }
0x35: {  	s10 =	sld [smem:$0x3FB5];
	_ =	sdelay $0x3  }
0x36: {  	p1 =	seq.s32 s10, $0x1;
	s10 =	sld [smem:$0x3FB6];
	_ =	sdelay $0x3  }
0x37: {  	[smem:$0x3FB6] =	sst s10  }
0x38: {  	s10 =	sld [smem:$0x3FB7]  }
0x39: {  	_ = 	snop;
	(pc) =	sbr.ind lr, $3  }
0x3a: {  	_ = 	snop  }
0x3b: {  	_ = 	snop  }
0x3c: {  	p2 =	seq.s32 s10, $0x1;
	s10 =	sld [smem:$0x3FB6]  }
0x3d: {  	_ =	shalt  }
0x3e: {  	_ =	shalt  }
0x3f: {  	_ =	shalt  }
0x40: {  	_ =	shalt  }
0x41: {  	_ =	shalt  }
0x42: {  	_ =	shalt  }
0x43: {  	_ =	shalt  }
0x44: {  	_ =	shalt  }
0x45: {  	_ =	shalt  }
0x46: {  	_ =	shalt  }
0x47: {  	_ =	shalt  }
0x48: {  	_ =	shalt  }
0x49: {  	_ =	shalt  }
0x4a: {  	_ =	shalt  }
0x4b: {  	_ =	shalt  }
0x4c: {  	_ =	shalt  }
0x4d: {  	_ =	shalt  }
0x4e: {  	_ =	shalt  }
0x4f: {  	_ =	shalt  }
0x50: {  	_ =	shalt  }
0x51: {  	_ =	shalt  }
0x52: {  	_ =	shalt  }
0x53: {  	_ =	shalt  }
0x54: {  	_ =	shalt  }
0x55: {  	_ =	shalt  }
0x56: {  	_ =	shalt  }
0x57: {  	_ =	shalt  }
0x58: {  	_ =	shalt  }
0x59: {  	_ =	shalt  }
0x5a: {  	_ =	shalt  }
0x5b: {  	_ =	shalt  }
0x5c: {  	_ =	shalt  }
0x5d: {  	_ =	shalt  }
0x5e: {  	_ =	shalt  }
0x5f: {  	_ =	shalt  }
0x60: {  	_ =	shalt  }
0x61: {  	_ =	shalt  }
0x62: {  	_ =	shalt  }
0x63: {  	_ =	shalt  }
0x64: {  	_ =	shalt  }
0x65: {  	_ =	shalt  }
0x66: {  	_ =	shalt  }
0x67: {  	_ =	shalt  }
0x68: {  	_ =	shalt  }
0x69: {  	_ =	shalt  }
0x6a: {  	_ =	shalt  }
0x6b: {  	_ =	shalt  }
0x6c: {  	_ =	shalt  }
0x6d: {  	_ =	shalt  }
0x6e: {  	_ =	shalt  }
0x6f: {  	_ =	shalt  }
0x70: {  	_ =	shalt  }
0x71: {  	_ =	shalt  }
0x72: {  	_ =	shalt  }
0x73: {  	_ =	shalt  }
0x74: {  	_ =	shalt  }
0x75: {  	_ =	shalt  }
0x76: {  	_ =	shalt  }
0x77: {  	_ =	shalt  }
0x78: {  	_ =	shalt  }
0x79: {  	_ =	shalt  }
0x7a: {  	_ =	shalt  }
0x7b: {  	_ =	shalt  }
0x7c: {  	_ =	shalt  }
0x7d: {  	_ =	shalt  }
0x7e: {  	_ =	shalt  }
0x7f: {  	_ =	shalt  }
0x80: {  	_ =	shalt  }
0x81: {  	_ =	shalt  }
0x82: {  	_ =	shalt  }
0x83: {  	_ =	shalt  }
0x84: {  	_ =	shalt  }
0x85: {  	_ =	shalt  }
0x86: {  	_ =	shalt  }
0x87: {  	_ =	shalt  }
.Lfunc_end0:
.L_simem_size_0:
called_computation.2_lowered:
.L_overlay_start_0:
0x88: {  	s2 =	sld [smem:$0x3FD9]  }
0x89: {  	s3 =	sld [smem:$0x3FFE];
	_ =	sdelay $0x1  }
0x8a: {  	s1 =	srdreg.scid  }
0x8b: {  	s0 =	sand.u32 $0x1, s1  }
0x8c: {  	s17 =	sshll.u32 s0, $0xA;
	s2 =	sadd.s32 s3, s2  }
0x8d: {  	s2 =	sadd.s32 s2, s17  }
0x8e: {  	[smem:$0x3FC2] =	sst s2  }
0x8f: {  	_ = 	snop  }
0x90: {  	s2 =	sld [smem:$0x3FD0];
	(tm) =	ssettm $0x1  }
0x91: {  	s18 =	sld [smem:$0x3FFB];
	_ =	sdelay $0x3  }
0x92: {  	_ =	strace s18  }
0x93: {  	s3 =	sld [smem:$0x3FFC];
	_ =	sdelay $0x3  }
0x94: {  	_ =	strace s3  }
0x95: {  	s3 =	sld [smem:$0x3FFD];
	_ =	sdelay $0x3  }
0x96: {  	_ =	strace s3  }
0x97: {  	_ =	strace $0x8FFFFFFF  }
0x98: {  	s19 =	sld [smem:$0x3FDB];
	_ =	sdelay $0x1  }
0x99: {  	s4 =	simm.s32 $_scs_section_size  }
0x9a: {  	s5 =	simm.s32 $_size__tile_overlayer_lowered;
	s6 =	simm.s32 $_tile_overlayer_lowered  }
0x9b: {  	s22 =	simm.s32 $0x1BFF;
	s21 =	sshll.u32 s6, $0x1;
	s3 =	sadd.s32 s4, s19  }
0x9c: {  	s7 =	simm.s32 $0x0;
	s20 =	sshll.u32 s5, $0x1;
	s5 =	sadd.s32 s21, s3  }
0x9d: {  	[timem:s7], [sflag:s22] =	dma.local [hbm:s5], s20  }
0x9e: {  	_ =	swait.ge [sflag:s22], s20  }
0x9f: {  	s4 =	ssub.s32 $0x0, s20;
	[sflag:s22] =	ssyncset.done $0x0  }
0xa0: {  	[sflag:s22] =	ssyncadd.s32 s4;
	_ =	sdelay $0x1  }
0xa1: {  	s23 =	simm.s32 $0x1B8B  }
0xa2: {  	_ =	swait.ge [sflag:s23], $0x1  }
0xa3: {  	[sflag:s23] =	ssyncset.done $0x0  }
0xa4: {  	s25 =	simm.s32 $0x1B8E;
	s24 =	sld [smem:$0x3FFE];
	[sflag:s23] =	ssyncadd.s32 $0xFFFFFFFF  }
0xa5: {  	s26 =	simm.s32 $execute0_lowered;
	[smem:$0x3FD2] =	sst s25  }
0xa6: {  	s5 =	sshll.u32 s26, $0x1;
	_ =	strace $0x8000004C;
	[dreg:$0x1] =	wrdreg $0xFFFFFFFF  }
0xa7: {  	s28 =	simm.s32 $_size_execute0_lowered;
	s3 =	sadd.s32 s3, s5;
	[dreg:$0x0] =	wrdreg $0x0  }
0xa8: {  	s5 =	sshll.u32 s28, $0x1;
	[dreg:$0x2] =	wrdreg s3  }
0xa9: {  	[dreg:$0x3] =	wrdreg s5  }
0xaa: {  	[dreg:$0x4] =	wrdreg $0xC0  }
0xab: {  	_ =	task [dreg:s7], $0x5FFFF  }
0xac: {  	[dreg:$0x1] =	wrdreg $0xFFFFFFFF  }
0xad: {  	[dreg:$0x0] =	wrdreg $0x60  }
0xae: {  	[dreg:$0x2] =	wrdreg s24  }
0xaf: {  	[dreg:$0x3] =	wrdreg s2  }
0xb0: {  	[dreg:$0x4] =	wrdreg $0x9A000  }
0xb1: {  	[dreg:$0x5] =	wrdreg $0x9  }
0xb2: {  	_ =	task.clear_ibuf [dreg:s7], $0x6FFFF;
	_ =	strace $0x9000004C  }
0xb3: {  	s29 =	simm.s32 $0x9;
	_ =	strace $0x8000004E  }
0xb4: {  	_ =	swait.ge [sflag:s29], $0x1  }
0xb5: {  	[sflag:s29] =	ssyncadd.s32 $0xFFFFFFFF  }
0xb6: {  	_ =	strace $0x9000004E  }
0xb7: {  	_ =	sfence  }
0xb8: {  	s30 =	sld [smem:$0x0];
	_ =	sdelay $0x2  }
0xb9: {  	s31 =	sshll.u32 s1, $0xD;
	s1 =	sshrl.u32 s1, $0x2  }
0xba: {  	s3 =	sand.u32 $0x4000, s31;
	s1 =	sadd.s32 s1, s30  }
0xbb: {  	s0 =	sor.u32 s3, s0;
	s1 =	sshll.u32 s1, $0x11  }
0xbc: {  	s0 =	sor.u32 s1, s0  }
0xbd: {  	s0 =	sadd.s32 $0x8F2B, s0  }
0xbe: {  	[sflag:s0] =	ssyncadd.remote.s32 $0x1  }
0xbf: {  	_ =	sfence.sel $0xFFFF  }
0xc0: {  	[dreg:$0x0] =	wrdreg $0xFFFFFFFF;
	(pc) =	sbr.abs _section_cstart, $3  }
0xc1: {  	[dreg:$0x1] =	wrdreg $0xFFFFFFFF  }
0xc2: {  	_ =	task.clear_ibuf [dreg:s7], $0x2FFFF;
	_ =	strace $0x9FFFFFFF  }
0xc3: {  	(tm) =	ssettm $0x7FFFFFFF  }
tec
execute0_lowered:
.L_overlay_start_1:
0x0: {  	(tag) =	ssettag $0x1  }
0x1: {  	s0 =	rddreg [dreg:$0x0]  }
0x2: {  	s1 =	rddreg [dreg:$0x1]  }
0x3: {  	s2 =	rddreg [dreg:$0x2];
	s3 =	srdreg.scid  }
0x4: {  	s4 =	simm.s32 $0x0;
	s13 =	stileid.u32;
	s28 =	simm.s32 $0x3  }
0x5: {  	s29 =	simm.s32 $0xD00;
	s30 =	simm.s32 $0x80;
	s31 =	simm.s32 $0x5A00  }
0x6: {  	s3 =	sand.u32 $0x1, s3;
	[smem:$0x7FF] =	sst s4;
	s8 =	smul.u32 $0x14000, s13  }
0x7: {  	s5 =	sadd.s32 $0x5CA00, s0;
	s6 =	sadd.s32 $0x2C00, s0;
	s9 =	smul.u32 $0x50000, s13  }
0x8: {  	s11 =	smul.u32 $0x4E0, s13;
	s12 =	sshll.u32 s13, $0x4;
	p0 =	sgt.u32 s13, $0x1  }
0x9: {  	s7 =	smul.u32 $0x140000, s3;
	_ =	strace $0x8000004D;
	s19 =	ssub.s32 $0x2, s3  }
0xa: {  	s3 =	smul.u32 $0x2800, s3;
	s22 =	sadd.s32 s12, s1;
	s12 =	sadd.s32 s12, s6  }
0xb: {  	s10 =	sshrl.u32 s19, $0x1;
	s20 =	sshrl.u32 s9, $0x2;
	s11 =	sadd.s32 s1, s11  }
0xc: {  	s23 =	sadd.s32 $0x9C20, s12;
	s7 =	sadd.s32 s8, s7;
	[dreg:$0x4] =	wrdreg s11  }
0xd: {  	s10 =	ssub.s32 s19, s10;
	s8 =	sadd.s32 s20, s2;
	[dreg:$0x7] =	wrdreg s23  }
0xe: {  	v0 =	vmov s3;
	s3 =	simm.s32 $0xC80;
	s7 =	sshrl.u32 s7, $0x3;
	s24 =	smax.u32 s10, $0x1  }
0xf: {  	s25 =	sadd.s32 $0x2000, s8;
	s26 =	sadd.s32 $0x4000, s8;
	s18 =	sadd.s32 $0x6000, s8  }
0x10: {  	s19 =	sadd.s32 $0x8000, s8;
	s20 =	sadd.s32 $0xA000, s8;
	[dreg:$0x9] =	wrdreg s24  }
0x11: {  	s0 =	sadd.s32 s7, s0;
	s7 =	smul.u32 $0x4E, s13;
	[dreg:$0xa] =	wrdreg s25  }
0x12: {  	s23 =	sadd.s32 $0x10000, s8;
	s10 =	simm.s32 $0x1900;
	[dreg:$0xb] =	wrdreg s26  }
0x13: {  	s24 =	sadd.s32 $0x12000, s8;
	s25 =	simm.s32 $0x1A00;
	s9 =	sadd.s32 $0x4E2, s7  }
0x14: {  	s26 =	simm.s32 $0x1;
	s0 =	sadd.s32 $0xACA00, s0;
	s21 =	sshll.u32 s9, $0x4  }
0x15: {  	[dreg:$0x8] =	wrdreg s0;
	s0 =	simm.s32 $0x2;
	s11 =	sadd.s32 s6, s21  }
0x16: {  	s21 =	sadd.s32 $0xC000, s8;
	[dreg:$0x5] =	wrdreg s11;
	s11 =	sadd.s32 $0x4E00, s22  }
0x17: {  	v1 =	vimm.f32 $0.0e+00;
	s22 =	sadd.s32 $0xE000, s8;
	[dreg:$0x6] =	wrdreg s11;
	s11 =	simm.s32 $0x1980  }
.LBB2_1:
0x18: {  	s12 =	simm.s32 $0x0;
	s13 =	simm.s32 $0x200  }
.LBB2_2:
0x19: {  	p1 =	sne.s32 s13, $0x7E00;
	[tilespmem:s12+$0x1A70] =	vst v1  }
0x1a: {  	[tilespmem:s12+$0x1A00] =	vst v1  }
0x1b: {  	[tilespmem:s12+$0x1A10] =	vst v1  }
.Ltmp0:
0x1c: {  	[tilespmem:s12+$0x1A20] =	vst v1;
	(pc) =	sbr.rel @p1 .LBB2_2-.Ltmp0, $4  }
0x1d: {  	[tilespmem:s12+$0x1A30] =	vst v1  }
0x1e: {  	[tilespmem:s12+$0x1A40] =	vst v1  }
0x1f: {  	[tilespmem:s12+$0x1A50] =	vst v1  }
0x20: {  	[tilespmem:s12+$0x1A60] =	vst v1;
	s12 =	sshra.s32 s13, $0x2;
	s13 =	sadd.s32 $0x200, s13  }
0x21: {  	[tilespmem:s12+$0x1A70] =	vst v1  }
0x22: {  	[tilespmem:s12+$0x1A00] =	vst v1  }
0x23: {  	[tilespmem:s12+$0x1A10] =	vst v1  }
0x24: {  	[tilespmem:s12+$0x1A20] =	vst v1  }
0x25: {  	[tilespmem:s12+$0x1A30] =	vst v1  }
0x26: {  	[tilespmem:s12+$0x1A40] =	vst v1  }
0x27: {  	[tilespmem:s12+$0x1A50] =	vst v1  }
0x28: {  	[tilespmem:s12+$0x1A60] =	vst v1  }
0x29: {  	[spmem:s8] =	stream.linear.scatter [tilespmem:s25], [sflag:$0x1], $0x2000, $0x38;
	[tilespmem:$0x1DA00] =	vst v63  }
0x2a: {  	s14 =	rddreg [dreg:$0xa]  }
0x2b: {  	[spmem:s14] =	stream.linear.scatter [tilespmem:s25], [sflag:$0x1], $0x2000, $0x38;
	[tilespmem:$0x1DA00] =	vst v63  }
0x2c: {  	s15 =	rddreg [dreg:$0xb]  }
0x2d: {  	[spmem:s15] =	stream.linear.scatter [tilespmem:s25], [sflag:$0x1], $0x2000, $0x38;
	[tilespmem:$0x1DA00] =	vst v63  }
0x2e: {  	_ = 	snop  }
0x2f: {  	[spmem:s18] =	stream.linear.scatter [tilespmem:s25], [sflag:$0x1], $0x2000, $0x38;
	[tilespmem:$0x1DA00] =	vst v63  }
0x30: {  	_ = 	snop  }
0x31: {  	[spmem:s19] =	stream.linear.scatter [tilespmem:s25], [sflag:$0x1], $0x2000, $0x38;
	[tilespmem:$0x1DA00] =	vst v63  }
0x32: {  	_ = 	snop  }
0x33: {  	[spmem:s20] =	stream.linear.scatter [tilespmem:s25], [sflag:$0x1], $0x2000, $0x38;
	[tilespmem:$0x1DA00] =	vst v63  }
0x34: {  	_ = 	snop  }
0x35: {  	[spmem:s21] =	stream.linear.scatter [tilespmem:s25], [sflag:$0x1], $0x2000, $0x38;
	[tilespmem:$0x1DA00] =	vst v63  }
0x36: {  	_ = 	snop  }
0x37: {  	[spmem:s22] =	stream.linear.scatter [tilespmem:s25], [sflag:$0x1], $0x2000, $0x38;
	[tilespmem:$0x1DA00] =	vst v63  }
0x38: {  	_ = 	snop  }
0x39: {  	[spmem:s23] =	stream.linear.scatter [tilespmem:s25], [sflag:$0x1], $0x2000, $0x38;
	[tilespmem:$0x1DA00] =	vst v63  }
0x3a: {  	_ = 	snop  }
0x3b: {  	[spmem:s24] =	stream.linear.scatter [tilespmem:s25], [sflag:$0x1], $0x2000, $0x38;
	[tilespmem:$0x1DA00] =	vst v63  }
0x3c: {  	_ =	swait.ge [sflag:s26], $0x2000  }
0x3d: {  	[sflag:s26] =	ssyncset.done $0x0  }
0x3e: {  	[sflag:s26] =	ssyncadd.s32 $0xFFFFE000  }
0x3f: {  	_ =	swait.ge [sflag:s26], $0x2000  }
0x40: {  	[sflag:s26] =	ssyncset.done $0x0  }
0x41: {  	[sflag:s26] =	ssyncadd.s32 $0xFFFFE000  }
0x42: {  	_ =	swait.ge [sflag:s26], $0x2000  }
0x43: {  	[sflag:s26] =	ssyncset.done $0x0  }
0x44: {  	[sflag:s26] =	ssyncadd.s32 $0xFFFFE000  }
0x45: {  	_ =	swait.ge [sflag:s26], $0x2000  }
0x46: {  	[sflag:s26] =	ssyncset.done $0x0  }
0x47: {  	[sflag:s26] =	ssyncadd.s32 $0xFFFFE000  }
0x48: {  	_ =	swait.ge [sflag:s26], $0x2000  }
0x49: {  	[sflag:s26] =	ssyncset.done $0x0  }
0x4a: {  	[sflag:s26] =	ssyncadd.s32 $0xFFFFE000  }
0x4b: {  	_ =	swait.ge [sflag:s26], $0x2000  }
0x4c: {  	[sflag:s26] =	ssyncset.done $0x0  }
0x4d: {  	[sflag:s26] =	ssyncadd.s32 $0xFFFFE000  }
0x4e: {  	_ =	swait.ge [sflag:s26], $0x2000  }
0x4f: {  	[sflag:s26] =	ssyncset.done $0x0  }
0x50: {  	[sflag:s26] =	ssyncadd.s32 $0xFFFFE000  }
0x51: {  	_ =	swait.ge [sflag:s26], $0x2000  }
0x52: {  	[sflag:s26] =	ssyncset.done $0x0  }
0x53: {  	[sflag:s26] =	ssyncadd.s32 $0xFFFFE000  }
0x54: {  	_ =	swait.ge [sflag:s26], $0x2000  }
0x55: {  	[sflag:s26] =	ssyncset.done $0x0  }
0x56: {  	[sflag:s26] =	ssyncadd.s32 $0xFFFFE000  }
0x57: {  	_ =	swait.ge [sflag:s26], $0x2000  }
0x58: {  	[sflag:s26] =	ssyncset.done $0x0  }
0x59: {  	s16 =	simm.s32 $0x0;
	s13 =	rddreg [dreg:$0x4];
	[sflag:s26] =	ssyncadd.s32 $0xFFFFE000  }
0x5a: {  	[tilespmem:s16], [sflag:$0x3] =	stream.linear.gather [hbm4b:s13+s16], $0xD00, $0x38;
	[tilespmem:$0x1DA00] =	vst v63  }
0x5b: {  	_ =	swait.ge [sflag:s28], $0xD00  }
0x5c: {  	[sflag:s28] =	ssyncset.done $0x0  }
0x5d: {  	s17 =	rddreg [dreg:$0x5];
	[sflag:s28] =	ssyncadd.s32 $0xFFFFF300  }
0x5e: {  	[tilespmem:s29], [sflag:$0x3] =	stream.linear.gather [hbm4b:s17+s16], $0xD00, $0x38;
	[tilespmem:$0x1DA00] =	vst v63  }
0x5f: {  	_ =	swait.ge [sflag:s28], $0xD00  }
0x60: {  	[sflag:s28] =	ssyncset.done $0x0  }
0x61: {  	s12 =	simm.s32 $0x0;
	s13 =	simm.s32 $0x40;
	[sflag:s28] =	ssyncadd.s32 $0xFFFFF300  }
.LBB2_4:
0x62: {  	p1 =	sne.s32 s13, $0x33C0;
	v2 =	vld [tilespmem:s12+$0x0];
	_ =	sdelay $0x1  }
.Ltmp1:
0x63: {  	(pc) =	sbr.rel @p1 .LBB2_4-.Ltmp1, $3  }
0x64: {  	_ =	sdelay $0x1  }
0x65: {  	v2 =	vadd.s32 v0, v2  }
0x66: {  	[tilespmem:s12+$0x0] =	vst v2;
	s12 =	sshra.s32 s13, $0x2;
	s13 =	sadd.s32 $0x40, s13  }
0x67: {  	v2 =	vld [tilespmem:s12+$0x0];
	_ =	sdelay $0x4  }
0x68: {  	v2 =	vadd.s32 v0, v2  }
0x69: {  	[tilespmem:s12+$0x0] =	vst v2  }
0x6a: {  	s12 =	simm.s32 $0x0;
	[bflag:$0x0] =	sbarrier.arrive $0xFFFF  }
.LBB2_6:
0x6b: {  	p1 =	seq.s32 s12, $0x0  }
.Ltmp2:
0x6c: {  	_ = 	snop;
	(pc) =	sbr.rel @p1 .LBB2_10-.Ltmp2, $1  }
0x6d: {  	_ =	sdelay $0x3  }
0x6e: {  	s13 =	smul.u32 $0x1A, s12;
	_ =	sdelay $0x1  }
0x6f: {  	s14 =	sadd.s32 s7, s13  }
0x70: {  	s14 =	sshll.u32 s14, $0x4  }
0x71: {  	s15 =	simm.s32 $0x0;
	s14 =	sadd.s32 s1, s14  }
0x72: {  	[tilespmem:s15], [sflag:$0x3] =	stream.linear.gather [hbm4b:s14+s15], $0xD00, $0x38;
	[tilespmem:$0x1DA00] =	vst v63  }
0x73: {  	s13 =	sadd.s32 s9, s13;
	_ =	swait.ge [sflag:s28], $0xD00  }
0x74: {  	s13 =	sshll.u32 s13, $0x4;
	[sflag:s28] =	ssyncset.done $0x0  }
0x75: {  	s13 =	sadd.s32 s6, s13;
	[sflag:s28] =	ssyncadd.s32 $0xFFFFF300  }
0x76: {  	[tilespmem:s29], [sflag:$0x3] =	stream.linear.gather [hbm4b:s13+s15], $0xD00, $0x38;
	[tilespmem:$0x1DA00] =	vst v63  }
0x77: {  	_ =	swait.ge [sflag:s28], $0xD00  }
0x78: {  	[sflag:s28] =	ssyncset.done $0x0  }
0x79: {  	s14 =	simm.s32 $0x40;
	s13 =	simm.s32 $0x0;
	[sflag:s28] =	ssyncadd.s32 $0xFFFFF300  }
.LBB2_8:
0x7a: {  	p1 =	sne.s32 s14, $0x33C0;
	v2 =	vld [tilespmem:s13+$0x0];
	_ =	sdelay $0x1  }
.Ltmp3:
0x7b: {  	(pc) =	sbr.rel @p1 .LBB2_8-.Ltmp3, $3  }
0x7c: {  	_ =	sdelay $0x1  }
0x7d: {  	v2 =	vadd.s32 v0, v2  }
0x7e: {  	[tilespmem:s13+$0x0] =	vst v2;
	s13 =	sshra.s32 s14, $0x2;
	s14 =	sadd.s32 $0x40, s14  }
0x7f: {  	v2 =	vld [tilespmem:s13+$0x0];
	_ =	sdelay $0x4  }
0x80: {  	v2 =	vadd.s32 v0, v2  }
0x81: {  	[tilespmem:s13+$0x0] =	vst v2  }
.LBB2_10:
0x82: {  	s13 =	simm.s32 $0x0  }
0x83: {  	[tilespmem:s25], [sflag:$0x1] =	stream.indirect.gather [hbm4b:s5+s30], $0x80, s13, s30, $0xb8;
	[tilespmem:$0x1DA00] =	vst v63  }
0x84: {  	s14 =	simm.s32 $0x80  }
0x85: {  	[tilespmem:s31], [sflag:$0x2] =	stream.indirect.gather [hbm4b:s5+s30], $0x80, s14, s30, $0xb8;
	[tilespmem:$0x1DA00] =	vst v63  }
0x86: {  	_ =	swait.ge [sflag:s26], $0x4000  }
0x87: {  	[sflag:s26] =	ssyncset.done $0x0  }
0x88: {  	s15 =	simm.s32 $0xD00;
	[sflag:s26] =	ssyncadd.s32 $0xFFFFC000  }
0x89: {  	[spmem:s2] =	stream.indirect.scatter.add.f32 [tilespmem:s25], [sflag:$0x3], $0x80, s15, s30, $0xb8;
	[tilespmem:$0x1DA00] =	vst v63  }
0x8a: {  	_ =	swait.ge [sflag:s28], $0x4000  }
0x8b: {  	[sflag:s28] =	ssyncset.done $0x0  }
0x8c: {  	s16 =	simm.s32 $0x100;
	[sflag:s28] =	ssyncadd.s32 $0xFFFFC000  }
0x8d: {  	[tilespmem:s25], [sflag:$0x1] =	stream.indirect.gather [hbm4b:s5+s30], $0x80, s16, s30, $0xb8;
	[tilespmem:$0x1DA00] =	vst v63  }
0x8e: {  	_ =	swait.ge [sflag:s0], $0x4000  }
0x8f: {  	[sflag:s0] =	ssyncset.done $0x0  }
0x90: {  	s17 =	simm.s32 $0xD80;
	[sflag:s0] =	ssyncadd.s32 $0xFFFFC000  }
0x91: {  	[spmem:s2] =	stream.indirect.scatter.add.f32 [tilespmem:s31], [sflag:$0x3], $0x80, s17, s30, $0xb8;
	[tilespmem:$0x1DA00] =	vst v63  }
0x92: {  	_ =	swait.ge [sflag:s28], $0x4000  }
0x93: {  	s13 =	simm.s32 $0x100;
	s14 =	simm.s32 $0x800;
	[sflag:s28] =	ssyncset.done $0x0  }
.LBB2_11:
0x94: {  	s15 =	sadd.s32 $0x80, s13  }
0x95: {  	[sflag:s28] =	ssyncadd.s32 $0xFFFFC000;
	s16 =	smov.u32 s14;
	s17 =	sadd.s32 $0x400, s14  }
0x96: {  	[tilespmem:s31], [sflag:$0x2] =	stream.indirect.gather [hbm4b:s5+s30], $0x80, s15, s30, $0xb8;
	[tilespmem:$0x1DA00] =	vst v63  }
0x97: {  	p1 =	sne.s32 s14, $0x2C00;
	_ =	swait.ge [sflag:s26], $0x4000  }
0x98: {  	[sflag:s26] =	ssyncset.done $0x0  }
0x99: {  	s14 =	sadd.s32 $0xD00, s13;
	[sflag:s26] =	ssyncadd.s32 $0xFFFFC000  }
0x9a: {  	[spmem:s2] =	stream.indirect.scatter.add.f32 [tilespmem:s25], [sflag:$0x3], $0x80, s14, s30, $0xb8;
	[tilespmem:$0x1DA00] =	vst v63  }
0x9b: {  	_ =	swait.ge [sflag:s28], $0x4000  }
0x9c: {  	[sflag:s28] =	ssyncset.done $0x0  }
0x9d: {  	s14 =	sadd.s32 $0x100, s13;
	[sflag:s28] =	ssyncadd.s32 $0xFFFFC000  }
0x9e: {  	[tilespmem:s25], [sflag:$0x1] =	stream.indirect.gather [hbm4b:s5+s30], $0x80, s14, s30, $0xb8;
	[tilespmem:$0x1DA00] =	vst v63  }
0x9f: {  	_ =	swait.ge [sflag:s0], $0x4000  }
.Ltmp4:
0xa0: {  	[sflag:s0] =	ssyncset.done $0x0;
	(pc) =	sbr.rel @p1 .LBB2_11-.Ltmp4, $4  }
0xa1: {  	s13 =	sadd.s32 $0xD80, s13;
	[sflag:s0] =	ssyncadd.s32 $0xFFFFC000  }
0xa2: {  	[spmem:s2] =	stream.indirect.scatter.add.f32 [tilespmem:s31], [sflag:$0x3], $0x80, s13, s30, $0xb8;
	[tilespmem:$0x1DA00] =	vst v63  }
0xa3: {  	_ =	swait.ge [sflag:s28], $0x4000  }
0xa4: {  	s14 =	smov.u32 s17;
	s13 =	sshra.s32 s16, $0x2;
	[sflag:s28] =	ssyncset.done $0x0  }
0xa5: {  	s14 =	sadd.s32 $0x80, s13;
	[sflag:s28] =	ssyncadd.s32 $0xFFFFC000  }
0xa6: {  	[tilespmem:s31], [sflag:$0x2] =	stream.indirect.gather [hbm4b:s5+s30], $0x80, s14, s30, $0xb8;
	[tilespmem:$0x1DA00] =	vst v63  }
0xa7: {  	_ =	swait.ge [sflag:s26], $0x4000  }
0xa8: {  	[sflag:s26] =	ssyncset.done $0x0  }
0xa9: {  	s15 =	sadd.s32 $0xD00, s13;
	[sflag:s26] =	ssyncadd.s32 $0xFFFFC000  }
0xaa: {  	[spmem:s2] =	stream.indirect.scatter.add.f32 [tilespmem:s25], [sflag:$0x3], $0x80, s15, s30, $0xb8;
	[tilespmem:$0x1DA00] =	vst v63  }
0xab: {  	_ =	swait.ge [sflag:s28], $0x4000  }
0xac: {  	[sflag:s28] =	ssyncset.done $0x0  }
0xad: {  	s16 =	sadd.s32 $0x100, s13;
	[sflag:s28] =	ssyncadd.s32 $0xFFFFC000  }
0xae: {  	[tilespmem:s25], [sflag:$0x1] =	stream.indirect.gather [hbm4b:s5+s30], $0x80, s16, s30, $0xb8;
	[tilespmem:$0x1DA00] =	vst v63  }
0xaf: {  	_ =	swait.ge [sflag:s0], $0x4000  }
0xb0: {  	[sflag:s0] =	ssyncset.done $0x0  }
0xb1: {  	s17 =	sadd.s32 $0xD80, s13;
	[sflag:s0] =	ssyncadd.s32 $0xFFFFC000  }
0xb2: {  	[spmem:s2] =	stream.indirect.scatter.add.f32 [tilespmem:s31], [sflag:$0x3], $0x80, s17, s30, $0xb8;
	[tilespmem:$0x1DA00] =	vst v63  }
0xb3: {  	_ =	swait.ge [sflag:s28], $0x4000  }
0xb4: {  	[sflag:s28] =	ssyncset.done $0x0  }
0xb5: {  	[sflag:s28] =	ssyncadd.s32 $0xFFFFC000  }
0xb6: {  	[tilespmem:s31], [sflag:$0x2] =	stream.indirect.gather [hbm4b:s5+s30], $0x80, s3, s30, $0xb8;
	[tilespmem:$0x1DA00] =	vst v63  }
0xb7: {  	_ =	swait.ge [sflag:s26], $0x4000  }
0xb8: {  	[sflag:s26] =	ssyncset.done $0x0  }
0xb9: {  	[sflag:s26] =	ssyncadd.s32 $0xFFFFC000  }
0xba: {  	[spmem:s2] =	stream.indirect.scatter.add.f32 [tilespmem:s25], [sflag:$0x3], $0x80, s10, s30, $0xb8;
	[tilespmem:$0x1DA00] =	vst v63  }
0xbb: {  	_ =	swait.ge [sflag:s28], $0x4000  }
0xbc: {  	[sflag:s28] =	ssyncset.done $0x0  }
0xbd: {  	[sflag:s28] =	ssyncadd.s32 $0xFFFFC000  }
0xbe: {  	s12 =	sadd.s32 $0x1, s12;
	_ =	swait.ge [sflag:s0], $0x4000  }
0xbf: {  	p1 =	sne.s32 s12, $0x3;
	[sflag:s0] =	ssyncset.done $0x0  }
.Ltmp5:
0xc0: {  	[sflag:s0] =	ssyncadd.s32 $0xFFFFC000;
	(pc) =	sbr.rel @p1 .LBB2_6-.Ltmp5, $4  }
0xc1: {  	[spmem:s2] =	stream.indirect.scatter.add.f32 [tilespmem:s31], [sflag:$0x3], $0x80, s11, s30, $0xb8;
	[tilespmem:$0x1DA00] =	vst v63  }
0xc2: {  	_ =	swait.ge [sflag:s28], $0x4000  }
0xc3: {  	[sflag:s28] =	ssyncset.done $0x0  }
0xc4: {  	[sflag:s28] =	ssyncadd.s32 $0xFFFFC000  }
0xc5: {  	s12 =	simm.s32 @!p0 $0x0;
	s13 =	rddreg [dreg:$0x6]  }
0xc6: {  	[tilespmem:s12], [sflag:$0x3] =	stream.linear.gather @!p0 [hbm4b:s13+s12], $0x80, $0x38;
	[tilespmem:$0x1DA00] =	vst v63  }
0xc7: {  	s13 =	simm.s32 @!p0 $0x3  }
0xc8: {  	_ =	swait.ge @!p0 [sflag:s13], $0x80  }
0xc9: {  	[sflag:s13] =	ssyncset.done @!p0 $0x0  }
0xca: {  	s14 =	simm.s32 @!p0 $0xD00;
	s15 =	rddreg [dreg:$0x7];
	[sflag:s13] =	ssyncadd.s32 @!p0 $0xFFFFFF80  }
0xcb: {  	[tilespmem:s14], [sflag:$0x3] =	stream.linear.gather @!p0 [hbm4b:s15+s12], $0x80, $0x38;
	[tilespmem:$0x1DA00] =	vst v63  }
0xcc: {  	_ =	swait.ge @!p0 [sflag:s13], $0x80  }
0xcd: {  	[sflag:s13] =	ssyncset.done @!p0 $0x0  }
0xce: {  	[sflag:s13] =	ssyncadd.s32 @!p0 $0xFFFFFF80  }
0xcf: {  	v2 =	vld @!p0 [tilespmem:$0x0]  }
0xd0: {  	v3 =	vld @!p0 [tilespmem:$0x10]  }
0xd1: {  	v4 =	vld @!p0 [tilespmem:$0x20]  }
0xd2: {  	v5 =	vld @!p0 [tilespmem:$0x30]  }
0xd3: {  	v6 =	vld @!p0 [tilespmem:$0x40]  }
0xd4: {  	v7 =	vld @!p0 [tilespmem:$0x50];
	v2 =	vadd.s32 @!p0 v0, v2  }
0xd5: {  	[tilespmem:$0x0] =	vst @!p0 v2;
	v2 =	vadd.s32 @!p0 v0, v3;
	v3 =	vld @!p0 [tilespmem:$0x60]  }
0xd6: {  	[tilespmem:$0x10] =	vst @!p0 v2;
	v2 =	vadd.s32 @!p0 v0, v4;
	v4 =	vld @!p0 [tilespmem:$0x70]  }
0xd7: {  	[tilespmem:$0x20] =	vst @!p0 v2;
	v2 =	vadd.s32 @!p0 v0, v5  }
0xd8: {  	[tilespmem:$0x30] =	vst @!p0 v2;
	v2 =	vadd.s32 @!p0 v0, v6  }
0xd9: {  	[tilespmem:$0x40] =	vst @!p0 v2;
	v2 =	vadd.s32 @!p0 v0, v7  }
0xda: {  	[tilespmem:$0x50] =	vst @!p0 v2;
	v2 =	vadd.s32 @!p0 v0, v3  }
0xdb: {  	[tilespmem:$0x60] =	vst @!p0 v2;
	v2 =	vadd.s32 @!p0 v0, v4  }
0xdc: {  	s16 =	simm.s32 @!p0 $0x1A00;
	s15 =	simm.s32 @!p0 $0x80;
	[tilespmem:$0x70] =	vst @!p0 v2  }
0xdd: {  	[tilespmem:s16], [sflag:$0x1] =	stream.indirect.gather @!p0 [hbm4b:s5+s15], $0x80, s12, s15, $0xb8;
	[tilespmem:$0x1DA00] =	vst v63  }
0xde: {  	s12 =	simm.s32 @!p0 $0x1  }
0xdf: {  	_ =	swait.ge @!p0 [sflag:s12], $0x4000  }
0xe0: {  	[sflag:s12] =	ssyncset.done @!p0 $0x0  }
0xe1: {  	[sflag:s12] =	ssyncadd.s32 @!p0 $0xFFFFC000  }
0xe2: {  	[spmem:s2] =	stream.indirect.scatter.add.f32 @!p0 [tilespmem:s16], [sflag:$0x3], $0x80, s14, s15, $0xb8;
	[tilespmem:$0x1DA00] =	vst v63  }
0xe3: {  	_ =	swait.ge @!p0 [sflag:s13], $0x4000  }
0xe4: {  	[sflag:s13] =	ssyncset.done @!p0 $0x0  }
0xe5: {  	s14 =	stileid.u32;
	[sflag:s13] =	ssyncadd.s32 @!p0 $0xFFFFC000  }
0xe6: {  	s12 =	sshll.u32 s14, $0x6;
	[bflag:$0x0] =	sbarrier.arrive $0xFFFF  }
0xe7: {  	s15 =	sshrl.u32 s8, $0x3;
	s12 =	sor.u32 $0x1C03, s12;
	s16 =	rddreg [dreg:$0x8]  }
0xe8: {  	[hbm:s16], [sflag:s12] =	dma.local [spmem:s15], $0x2800  }
0xe9: {  	_ =	swait.ge [sflag:s28], $0x2800  }
0xea: {  	s4 =	sadd.s32 $0x1, s4;
	s17 =	rddreg [dreg:$0x9]  }
0xeb: {  	p1 =	sne.s32 s4, s17  }
.Ltmp6:
0xec: {  	_ = 	snop;
	(pc) =	sbr.rel @p1 .LBB2_1-.Ltmp6, $3  }
0xed: {  	_ =	sdelay $0x1  }
0xee: {  	[sflag:s28] =	ssyncset.done $0x0  }
0xef: {  	[sflag:s28] =	ssyncadd.s32 $0xFFFFD800  }
0xf0: {  	_ =	sfence.sel $0x180000  }
0xf1: {  	[bflag:$0x0] =	sbarrier.arrive $0xFFFF  }
0xf2: {  	_ =	strace $0x9000004D  }
0xf3: {  	s0 =	stileid.u32;
	[bflag:$0x2] =	sbarrier.arrive $0xFFFF  }
0xf4: {  	p0 =	sne.s32 s0, $0x0;
	s0 =	rddreg [dreg:$0x3]  }
0xf5: {  	s0 =	sadd.s32 @!p0 $0x100000, s0  }
0xf6: {  	[sflag:s0] =	ssyncadd.tile.s32 @!p0 $0x1;
	_ =	shalt  }
.Lfunc_end2:
_tile_overlayer_lowered:
.L_overlay_start_2:
0xf7: {  	(tag) =	ssettag $0x2  }
0xf8: {  	s0 =	rddreg [dreg:$0x0];
	s2 =	stileid.u32  }
0xf9: {  	s1 =	rddreg [dreg:$0x1];
	p0 =	sne.s32 s2, $0x0  }
0xfa: {  	s3 =	rddreg [dreg:$0x2];
	[bflag:$0x3] =	sbarrier.arrive $0xFFFF;
	s2 =	simm.s32 @!p0 $0x1C03  }
0xfb: {  	[timem:s3], [sflag:s2] =	dma.local @!p0 [hbm:s0], s1  }
0xfc: {  	s0 =	simm.s32 @!p0 $0x3  }
0xfd: {  	_ =	swait.ge @!p0 [sflag:s0], s1  }
0xfe: {  	s1 =	ssub.s32 @!p0 $0x0, s1;
	[sflag:s0] =	ssyncset.done @!p0 $0x0  }
0xff: {  	[sflag:s0] =	ssyncadd.s32 @!p0 s1  }
0x100: {  	[bflag:$0x3] =	sbarrier.arrive $0xFFFF  }
0x101: {  	_ =	shalt  }

// kernel: kernel.9.cloned.1.call-start
scs
__scs_entry_jumppad:
0x0: {  	(pc) =	sbr.rel $0x88, $3  }
0x1: {  	(tag) =	ssettag $0x0;
	lr =	simm.s32 $0x1  }
0x2: {  	[smem:$0x3F9B] =	sst lr;
	_ =	strace $0xD0000000  }
0x3: {  	_ = 	snop  }
0x4: {  	_ = 	snop  }
0x5: {  	_ = 	snop  }
0x6: {  	_ = 	snop  }
0x7: {  	_ = 	snop  }
__scs_overlays_trampoline_lowered:
0x8: {  	[smem:$0x3FAA] =	sst s0  }
0x9: {  	[smem:$0x3FAB] =	sst s1  }
0xa: {  	[smem:$0x3FAC] =	sst s2  }
0xb: {  	[smem:$0x3FAD] =	sst s3  }
0xc: {  	[smem:$0x3FAE] =	sst s4  }
0xd: {  	[smem:$0x3FAF] =	sst s5  }
0xe: {  	[smem:$0x3FB0] =	sst s6  }
0xf: {  	[smem:$0x3FB1] =	sst s7  }
0x10: {  	[smem:$0x3FB2] =	sst s8  }
0x11: {  	[smem:$0x3FB3] =	sst s9;
	s0 =	simm.s32 @!p0 $0x0  }
0x12: {  	s1 =	sld [smem:$0x3F99];
	s0 =	simm.s32 @p0 $0x1  }
0x13: {  	[smem:$0x3FB4] =	sst s0;
	s0 =	simm.s32 @!p1 $0x0  }
0x14: {  	s2 =	sld [smem:$0x3F98];
	s0 =	simm.s32 @p1 $0x1  }
0x15: {  	[smem:$0x3FB5] =	sst s0;
	s0 =	simm.s32 @!p2 $0x0  }
0x16: {  	s3 =	sld [smem:$0x3FDB];
	s0 =	simm.s32 @p2 $0x1  }
0x17: {  	s4 =	simm.s32 $0x1BF5;
	[smem:$0x3FB7] =	sst s0  }
0x18: {  	s0 =	sld [smem:$0x3F9A];
	_ =	swait.ge [sflag:s4], $0x0  }
0x19: {  	s7 =	sld [smem:$0x3F9B]  }
0x1a: {  	s8 =	sadd.s32 $0xFFFFE003, lr  }
0x1b: {  	s9 =	sadd.s32 $0xFFFFFEF7, lr;
	s5 =	simm.s32 $0xFFFFFFFF;
	p2 =	slt.u32 s8, $0xFFFFF086  }
0x1c: {  	p1 =	slt.u32 s9, $0xF7A;
	s5 =	simm.s32 @!p2 $0x0  }
0x1d: {  	s5 =	simm.s32 @p1 $0x1;
	p0 =	seq.s32 s7, s2  }
0x1e: {  	s7 =	smul.u32 @!p0 $0xF7A, s2;
	p2 =	seq.s32 @!p0 s5, $0x0  }
0x1f: {  	s9 =	smul.u32 $0xF7A, s1;
	s8 =	simm.s32 @!p0 $0x1BF5;
	p2 =	por !p2, p0  }
0x20: {  	[sflag:s8] =	ssyncset.s32 @!p0 $0xFFFFF086;
	s6 =	sadd.s32 @!p0 s3, s7;
	s7 =	simm.s32 @!p0 $0x108  }
0x21: {  	s3 =	sadd.s32 s3, s9;
	s6 =	sadd.s32 @!p0 $0x88, s6;
	s7 =	simm.s32 @p2 $0x1082  }
0x22: {  	[simem:s7], [sflag:s8] =	dma.local @!p0 [hbm:s6], $0xF7A  }
0x23: {  	s9 =	sor.u32 $0xD0000000, s2;
	s6 =	simm.s32 $0x108;
	_ =	swait.ge @!p0 [sflag:s8], $0x0  }
0x24: {  	s3 =	sadd.s32 $0x88, s3;
	s6 =	simm.s32 @!p1 $0x1082;
	[sflag:s4] =	ssyncset.s32 $0xFFFFF086  }
0x25: {  	[simem:s6], [sflag:s4] =	dma.local [hbm:s3], $0xF7A  }
0x26: {  	[smem:$0x3F9B] =	sst s1;
	(tag) =	ssettag s2;
	_ =	strace s9  }
0x27: {  	s1 =	sld [smem:$0x3FAB]  }
0x28: {  	s2 =	sld [smem:$0x3FAC]  }
0x29: {  	s4 =	sld [smem:$0x3FAE]  }
0x2a: {  	p0 =	seq.s32 s5, $0x0;
	s5 =	sld [smem:$0x3FAF]  }
0x2b: {  	s6 =	sld [smem:$0x3FB0]  }
0x2c: {  	s7 =	sld [smem:$0x3FB1]  }
0x2d: {  	s3 =	simm.s32 $0x108;
	s8 =	sld [smem:$0x3FB2]  }
0x2e: {  	s3 =	simm.s32 @!p0 $0x1082;
	s9 =	sld [smem:$0x3FB3]  }
0x2f: {  	lr =	sadd.s32 s0, s3;
	s0 =	sld [smem:$0x3FAA]  }
0x30: {  	s3 =	sld [smem:$0x3FAD]  }
0x31: {  	[smem:$0x3FB6] =	sst s10  }
0x32: {  	s10 =	sld [smem:$0x3FB4];
	_ =	sdelay $0x3  }
0x33: {  	p0 =	seq.s32 s10, $0x1;
	s10 =	sld [smem:$0x3FB6];
	_ =	sdelay $0x3  }
0x34: {  	[smem:$0x3FB6] =	sst s10  }
0x35: {  	s10 =	sld [smem:$0x3FB5];
	_ =	sdelay $0x3  }
0x36: {  	p1 =	seq.s32 s10, $0x1;
	s10 =	sld [smem:$0x3FB6];
	_ =	sdelay $0x3  }
0x37: {  	[smem:$0x3FB6] =	sst s10  }
0x38: {  	s10 =	sld [smem:$0x3FB7]  }
0x39: {  	_ = 	snop;
	(pc) =	sbr.ind lr, $3  }
0x3a: {  	_ = 	snop  }
0x3b: {  	_ = 	snop  }
0x3c: {  	p2 =	seq.s32 s10, $0x1;
	s10 =	sld [smem:$0x3FB6]  }
0x3d: {  	_ =	shalt  }
0x3e: {  	_ =	shalt  }
0x3f: {  	_ =	shalt  }
0x40: {  	_ =	shalt  }
0x41: {  	_ =	shalt  }
0x42: {  	_ =	shalt  }
0x43: {  	_ =	shalt  }
0x44: {  	_ =	shalt  }
0x45: {  	_ =	shalt  }
0x46: {  	_ =	shalt  }
0x47: {  	_ =	shalt  }
0x48: {  	_ =	shalt  }
0x49: {  	_ =	shalt  }
0x4a: {  	_ =	shalt  }
0x4b: {  	_ =	shalt  }
0x4c: {  	_ =	shalt  }
0x4d: {  	_ =	shalt  }
0x4e: {  	_ =	shalt  }
0x4f: {  	_ =	shalt  }
0x50: {  	_ =	shalt  }
0x51: {  	_ =	shalt  }
0x52: {  	_ =	shalt  }
0x53: {  	_ =	shalt  }
0x54: {  	_ =	shalt  }
0x55: {  	_ =	shalt  }
0x56: {  	_ =	shalt  }
0x57: {  	_ =	shalt  }
0x58: {  	_ =	shalt  }
0x59: {  	_ =	shalt  }
0x5a: {  	_ =	shalt  }
0x5b: {  	_ =	shalt  }
0x5c: {  	_ =	shalt  }
0x5d: {  	_ =	shalt  }
0x5e: {  	_ =	shalt  }
0x5f: {  	_ =	shalt  }
0x60: {  	_ =	shalt  }
0x61: {  	_ =	shalt  }
0x62: {  	_ =	shalt  }
0x63: {  	_ =	shalt  }
0x64: {  	_ =	shalt  }
0x65: {  	_ =	shalt  }
0x66: {  	_ =	shalt  }
0x67: {  	_ =	shalt  }
0x68: {  	_ =	shalt  }
0x69: {  	_ =	shalt  }
0x6a: {  	_ =	shalt  }
0x6b: {  	_ =	shalt  }
0x6c: {  	_ =	shalt  }
0x6d: {  	_ =	shalt  }
0x6e: {  	_ =	shalt  }
0x6f: {  	_ =	shalt  }
0x70: {  	_ =	shalt  }
0x71: {  	_ =	shalt  }
0x72: {  	_ =	shalt  }
0x73: {  	_ =	shalt  }
0x74: {  	_ =	shalt  }
0x75: {  	_ =	shalt  }
0x76: {  	_ =	shalt  }
0x77: {  	_ =	shalt  }
0x78: {  	_ =	shalt  }
0x79: {  	_ =	shalt  }
0x7a: {  	_ =	shalt  }
0x7b: {  	_ =	shalt  }
0x7c: {  	_ =	shalt  }
0x7d: {  	_ =	shalt  }
0x7e: {  	_ =	shalt  }
0x7f: {  	_ =	shalt  }
0x80: {  	_ =	shalt  }
0x81: {  	_ =	shalt  }
0x82: {  	_ =	shalt  }
0x83: {  	_ =	shalt  }
0x84: {  	_ =	shalt  }
0x85: {  	_ =	shalt  }
0x86: {  	_ =	shalt  }
0x87: {  	_ =	shalt  }
.Lfunc_end0:
.L_simem_size_0:
called_computation_lowered:
.L_overlay_start_0:
0x88: {  	s2 =	sld [smem:$0x3FD9]  }
0x89: {  	s3 =	sld [smem:$0x3FFE];
	_ =	sdelay $0x1  }
0x8a: {  	s1 =	srdreg.scid  }
0x8b: {  	s0 =	sand.u32 $0x1, s1  }
0x8c: {  	s16 =	sshll.u32 s0, $0xA;
	s2 =	sadd.s32 s3, s2  }
0x8d: {  	s2 =	sadd.s32 s2, s16  }
0x8e: {  	[smem:$0x3FC2] =	sst s2  }
0x8f: {  	_ = 	snop  }
0x90: {  	(tm) =	ssettm $0x1  }
0x91: {  	s17 =	sld [smem:$0x3FFB];
	_ =	sdelay $0x3  }
0x92: {  	_ =	strace s17  }
0x93: {  	s2 =	sld [smem:$0x3FFC];
	_ =	sdelay $0x3  }
0x94: {  	_ =	strace s2  }
0x95: {  	s2 =	sld [smem:$0x3FFD];
	_ =	sdelay $0x3  }
0x96: {  	_ =	strace s2  }
0x97: {  	_ =	strace $0x8FFFFFFF  }
0x98: {  	s18 =	sld [smem:$0x3FDB];
	_ =	sdelay $0x1  }
0x99: {  	s19 =	simm.s32 $_scs_section_size  }
0x9a: {  	s4 =	simm.s32 $_size__tile_overlayer_lowered;
	s5 =	simm.s32 $_tile_overlayer_lowered  }
0x9b: {  	s22 =	simm.s32 $0x1BFF;
	s21 =	sshll.u32 s5, $0x1;
	s2 =	sadd.s32 s19, s18  }
0x9c: {  	s6 =	simm.s32 $0x0;
	s20 =	sshll.u32 s4, $0x1;
	s4 =	sadd.s32 s21, s2  }
0x9d: {  	[timem:s6], [sflag:s22] =	dma.local [hbm:s4], s20  }
0x9e: {  	_ =	swait.ge [sflag:s22], s20  }
0x9f: {  	s3 =	ssub.s32 $0x0, s20;
	[sflag:s22] =	ssyncset.done $0x0  }
0xa0: {  	[sflag:s22] =	ssyncadd.s32 s3;
	_ =	sdelay $0x1  }
0xa1: {  	s23 =	simm.s32 $0x1B8B  }
0xa2: {  	_ =	swait.ge [sflag:s23], $0x1  }
0xa3: {  	[sflag:s23] =	ssyncset.done $0x0  }
0xa4: {  	s25 =	simm.s32 $0x1B8E;
	s24 =	sld [smem:$0x3FFE];
	[sflag:s23] =	ssyncadd.s32 $0xFFFFFFFF  }
0xa5: {  	s26 =	simm.s32 $execute0_lowered;
	[smem:$0x3FD2] =	sst s25  }
0xa6: {  	s4 =	sshll.u32 s26, $0x1;
	_ =	strace $0x80000046;
	[dreg:$0x1] =	wrdreg $0xFFFFFFFF  }
0xa7: {  	s28 =	simm.s32 $_size_execute0_lowered;
	s2 =	sadd.s32 s2, s4;
	[dreg:$0x0] =	wrdreg $0x0  }
0xa8: {  	s4 =	sshll.u32 s28, $0x1;
	[dreg:$0x2] =	wrdreg s2  }
0xa9: {  	[dreg:$0x3] =	wrdreg s4  }
0xaa: {  	[dreg:$0x4] =	wrdreg $0xC0  }
0xab: {  	_ =	task [dreg:s6], $0x5FFFF  }
0xac: {  	[dreg:$0x1] =	wrdreg $0xFFFFFFFF  }
0xad: {  	[dreg:$0x0] =	wrdreg $0x60  }
0xae: {  	[dreg:$0x2] =	wrdreg s24  }
0xaf: {  	[dreg:$0x3] =	wrdreg $0x73800  }
0xb0: {  	[dreg:$0x4] =	wrdreg $0x9  }
0xb1: {  	_ =	task.clear_ibuf [dreg:s6], $0x5FFFF;
	_ =	strace $0x90000046  }
0xb2: {  	s29 =	simm.s32 $0x9;
	_ =	strace $0x80000048  }
0xb3: {  	_ =	swait.ge [sflag:s29], $0x1  }
0xb4: {  	[sflag:s29] =	ssyncadd.s32 $0xFFFFFFFF  }
0xb5: {  	_ =	strace $0x90000048  }
0xb6: {  	_ =	sfence  }
0xb7: {  	s30 =	sld [smem:$0x0];
	_ =	sdelay $0x2  }
0xb8: {  	s31 =	sshll.u32 s1, $0xD;
	s1 =	sshrl.u32 s1, $0x2  }
0xb9: {  	s3 =	sand.u32 $0x4000, s31;
	s1 =	sadd.s32 s1, s30  }
0xba: {  	s0 =	sor.u32 s3, s0;
	s1 =	sshll.u32 s1, $0x11  }
0xbb: {  	s0 =	sor.u32 s1, s0  }
0xbc: {  	s0 =	sadd.s32 $0x8F2B, s0  }
0xbd: {  	[sflag:s0] =	ssyncadd.remote.s32 $0x1  }
0xbe: {  	_ =	sfence.sel $0xFFFF  }
0xbf: {  	[dreg:$0x0] =	wrdreg $0xFFFFFFFF;
	(pc) =	sbr.abs _section_cstart, $3  }
0xc0: {  	[dreg:$0x1] =	wrdreg $0xFFFFFFFF  }
0xc1: {  	_ =	task.clear_ibuf [dreg:s6], $0x2FFFF;
	_ =	strace $0x9FFFFFFF  }
0xc2: {  	(tm) =	ssettm $0x7FFFFFFF  }
0xc3: {  	_ =	shalt  }
tec
execute0_lowered:
.L_overlay_start_1:
0x0: {  	(tag) =	ssettag $0x1  }
0x1: {  	s4 =	rddreg [dreg:$0x0]  }
0x2: {  	s1 =	rddreg [dreg:$0x1]  }
0x3: {  	s2 =	srdreg.scid;
	s0 =	rddreg [dreg:$0x2];
	s3 =	simm.s32 $0x0  }
0x4: {  	s18 =	simm.s32 $0x5380;
	s19 =	simm.s32 $0x1;
	s20 =	simm.s32 $0x2  }
0x5: {  	s21 =	simm.s32 $0x80;
	s5 =	sand.u32 $0x1, s2;
	s2 =	stileid.u32  }
0x6: {  	s22 =	simm.s32 $0x1380;
	[smem:$0x7FF] =	sst s3;
	s6 =	smul.u32 $0x140000, s5  }
0x7: {  	s9 =	sadd.s32 $0x2C00, s4;
	s7 =	smul.u32 $0x14000, s2;
	s8 =	sshll.u32 s5, $0x4  }
0x8: {  	_ =	strace $0x80000047;
	s5 =	ssub.s32 $0x2, s5;
	s10 =	smul.u32 $0x50000, s2  }
0x9: {  	s30 =	sshll.u32 s2, $0x4;
	s23 =	sor.u32 s2, s8;
	s25 =	sshrl.u32 s5, $0x1  }
0xa: {  	s31 =	sadd.s32 s30, s9;
	s6 =	sadd.s32 s7, s6;
	s24 =	smul.u32 $0x1380, s23  }
0xb: {  	s8 =	ssub.s32 s5, s25;
	s28 =	sshrl.u32 s10, $0x2;
	s6 =	sshrl.u32 s6, $0x3  }
0xc: {  	p0 =	sgt.u32 s23, $0x1;
	s8 =	smax.u32 s8, $0x1;
	s11 =	sadd.s32 s6, s4  }
0xd: {  	s26 =	sshrl.u32 s24, $0x3;
	s4 =	sadd.s32 s28, s1;
	s6 =	sadd.s32 $0x9C20, s31  }
0xe: {  	s29 =	sadd.s32 s9, s26;
	s7 =	sadd.s32 $0xCA00, s11;
	s9 =	sadd.s32 $0x2000, s4  }
0xf: {  	s10 =	sadd.s32 $0x4000, s4;
	s11 =	sadd.s32 $0x6000, s4;
	s12 =	sadd.s32 $0x8000, s4  }
0x10: {  	s13 =	sadd.s32 $0xA000, s4;
	s14 =	sadd.s32 $0xC000, s4;
	s15 =	sadd.s32 $0xE000, s4  }
0x11: {  	v0 =	vimm.f32 $0.0e+00;
	v1 =	vimm.f32 $1.000000000e+00;
	s16 =	sadd.s32 $0x10000, s4;
	s17 =	sadd.s32 $0x12000, s4;
	s5 =	sadd.s32 $0x4E20, s29  }
.LBB2_1:
0x12: {  	s23 =	simm.s32 $0x0  }
.LBB2_2:
0x13: {  	p1 =	sne.s32 s23, $0x7E00  }
.Ltmp0:
0x14: {  	_ = 	snop;
	(pc) =	sbr.rel @p1 .LBB2_2-.Ltmp0, $3  }
0x15: {  	_ =	sdelay $0x1  }
0x16: {  	s24 =	sshra.s32 s23, $0x2  }
0x17: {  	s23 =	sadd.s32 $0x200, s23;
	[tilespmem:s24+$0x5380] =	vst v0  }
0x18: {  	s23 =	simm.s32 $0x200;
	s24 =	simm.s32 $0x0  }
.LBB2_4:
0x19: {  	p1 =	sne.s32 s23, $0xFE00;
	[tilespmem:s24+$0x1380] =	vst v1;
	s24 =	smov.u32 s23;
	s23 =	sadd.s32 $0x200, s23  }
.Ltmp1:
0x1a: {  	(pc) =	sbr.rel @p1 .LBB2_4-.Ltmp1, $2  }
0x1b: {  	_ =	sdelay $0x2  }
0x1c: {  	s24 =	sshra.s32 s24, $0x2  }
0x1d: {  	[tilespmem:s24+$0x1380] =	vst v1  }
0x1e: {  	[spmem:s4] =	stream.linear.scatter [tilespmem:s18], [sflag:$0x1], $0x2000, $0x38;
	[tilespmem:$0x9B80] =	vst v63  }
0x1f: {  	_ = 	snop  }
0x20: {  	[spmem:s9] =	stream.linear.scatter [tilespmem:s18], [sflag:$0x1], $0x2000, $0x38;
	[tilespmem:$0x9B80] =	vst v63  }
0x21: {  	_ = 	snop  }
0x22: {  	[spmem:s10] =	stream.linear.scatter [tilespmem:s18], [sflag:$0x1], $0x2000, $0x38;
	[tilespmem:$0x9B80] =	vst v63  }
0x23: {  	_ = 	snop  }
0x24: {  	[spmem:s11] =	stream.linear.scatter [tilespmem:s18], [sflag:$0x1], $0x2000, $0x38;
	[tilespmem:$0x9B80] =	vst v63  }
0x25: {  	_ = 	snop  }
0x26: {  	[spmem:s12] =	stream.linear.scatter [tilespmem:s18], [sflag:$0x1], $0x2000, $0x38;
	[tilespmem:$0x9B80] =	vst v63  }
0x27: {  	_ = 	snop  }
0x28: {  	[spmem:s13] =	stream.linear.scatter [tilespmem:s18], [sflag:$0x1], $0x2000, $0x38;
	[tilespmem:$0x9B80] =	vst v63  }
0x29: {  	_ = 	snop  }
0x2a: {  	[spmem:s14] =	stream.linear.scatter [tilespmem:s18], [sflag:$0x1], $0x2000, $0x38;
	[tilespmem:$0x9B80] =	vst v63  }
0x2b: {  	_ = 	snop  }
0x2c: {  	[spmem:s15] =	stream.linear.scatter [tilespmem:s18], [sflag:$0x1], $0x2000, $0x38;
	[tilespmem:$0x9B80] =	vst v63  }
0x2d: {  	_ = 	snop  }
0x2e: {  	[spmem:s16] =	stream.linear.scatter [tilespmem:s18], [sflag:$0x1], $0x2000, $0x38;
	[tilespmem:$0x9B80] =	vst v63  }
0x2f: {  	_ = 	snop  }
0x30: {  	[spmem:s17] =	stream.linear.scatter [tilespmem:s18], [sflag:$0x1], $0x2000, $0x38;
	[tilespmem:$0x9B80] =	vst v63  }
0x31: {  	_ =	swait.ge [sflag:s19], $0x2000  }
0x32: {  	[sflag:s19] =	ssyncset.done $0x0  }
0x33: {  	[sflag:s19] =	ssyncadd.s32 $0xFFFFE000  }
0x34: {  	_ =	swait.ge [sflag:s19], $0x2000  }
0x35: {  	[sflag:s19] =	ssyncset.done $0x0  }
0x36: {  	[sflag:s19] =	ssyncadd.s32 $0xFFFFE000  }
0x37: {  	_ =	swait.ge [sflag:s19], $0x2000  }
0x38: {  	[sflag:s19] =	ssyncset.done $0x0  }
0x39: {  	[sflag:s19] =	ssyncadd.s32 $0xFFFFE000  }
0x3a: {  	_ =	swait.ge [sflag:s19], $0x2000  }
0x3b: {  	[sflag:s19] =	ssyncset.done $0x0  }
0x3c: {  	[sflag:s19] =	ssyncadd.s32 $0xFFFFE000  }
0x3d: {  	_ =	swait.ge [sflag:s19], $0x2000  }
0x3e: {  	[sflag:s19] =	ssyncset.done $0x0  }
0x3f: {  	[sflag:s19] =	ssyncadd.s32 $0xFFFFE000  }
0x40: {  	_ =	swait.ge [sflag:s19], $0x2000  }
0x41: {  	[sflag:s19] =	ssyncset.done $0x0  }
0x42: {  	[sflag:s19] =	ssyncadd.s32 $0xFFFFE000  }
0x43: {  	_ =	swait.ge [sflag:s19], $0x2000  }
0x44: {  	[sflag:s19] =	ssyncset.done $0x0  }
0x45: {  	[sflag:s19] =	ssyncadd.s32 $0xFFFFE000  }
0x46: {  	_ =	swait.ge [sflag:s19], $0x2000  }
0x47: {  	[sflag:s19] =	ssyncset.done $0x0  }
0x48: {  	[sflag:s19] =	ssyncadd.s32 $0xFFFFE000  }
0x49: {  	_ =	swait.ge [sflag:s19], $0x2000  }
0x4a: {  	[sflag:s19] =	ssyncset.done $0x0  }
0x4b: {  	[sflag:s19] =	ssyncadd.s32 $0xFFFFE000  }
0x4c: {  	_ =	swait.ge [sflag:s19], $0x2000  }
0x4d: {  	[sflag:s19] =	ssyncset.done $0x0  }
0x4e: {  	s23 =	simm.s32 $0x0;
	[sflag:s19] =	ssyncadd.s32 $0xFFFFE000  }
0x4f: {  	[tilespmem:s23], [sflag:$0x2] =	stream.linear.gather [hbm4b:s5+s23], $0x1380, $0x38;
	[tilespmem:$0x9B80] =	vst v63  }
0x50: {  	_ =	swait.ge [sflag:s20], $0x1380  }
0x51: {  	[sflag:s20] =	ssyncset.done $0x0  }
0x52: {  	[sflag:s20] =	ssyncadd.s32 $0xFFFFEC80  }
0x53: {  	s31 =	simm.s32 $0x0;
	[bflag:$0x0] =	sbarrier.arrive $0xFFFF  }
0x54: {  	[spmem:s1] =	stream.indirect.scatter.add.f32 [tilespmem:s22], [sflag:$0x2], $0x10, s31, s21, $0xb8;
	[tilespmem:$0x9B80] =	vst v63  }
0x55: {  	_ =	swait.ge [sflag:s20], $0x800  }
0x56: {  	s23 =	simm.s32 $0x200;
	[sflag:s20] =	ssyncset.done $0x0  }
.LBB2_6:
0x57: {  	s24 =	sshra.s32 s23, $0x2;
	[sflag:s20] =	ssyncadd.s32 $0xFFFFF800;
	p1 =	sne.s32 s23, $0x4C00  }
0x58: {  	[spmem:s1] =	stream.indirect.scatter.add.f32 [tilespmem:s22], [sflag:$0x2], $0x10, s24, s21, $0xb8;
	[tilespmem:$0x9B80] =	vst v63  }
.Ltmp2:
0x59: {  	_ = 	snop;
	(pc) =	sbr.rel @p1 .LBB2_6-.Ltmp2, $4  }
0x5a: {  	_ = 	snop  }
0x5b: {  	s23 =	sadd.s32 $0x200, s23  }
0x5c: {  	_ =	swait.ge [sflag:s20], $0x800  }
0x5d: {  	[sflag:s20] =	ssyncset.done $0x0  }
0x5e: {  	[sflag:s20] =	ssyncadd.s32 $0xFFFFF800;
	s23 =	simm.s32 @!p0 $0x0;
	s24 =	simm.s32 @!p0 $0x2  }
0x5f: {  	[tilespmem:s23], [sflag:$0x2] =	stream.linear.gather @!p0 [hbm4b:s6+s23], $0x80, $0x38;
	[tilespmem:$0x9B80] =	vst v63  }
0x60: {  	_ =	swait.ge @!p0 [sflag:s24], $0x80  }
0x61: {  	[sflag:s24] =	ssyncset.done @!p0 $0x0  }
0x62: {  	s25 =	simm.s32 @!p0 $0x80;
	s26 =	simm.s32 @!p0 $0x1380;
	[sflag:s24] =	ssyncadd.s32 @!p0 $0xFFFFFF80  }
0x63: {  	[spmem:s1] =	stream.indirect.scatter.add.f32 @!p0 [tilespmem:s26], [sflag:$0x2], $0x10, s23, s25, $0xb8;
	[tilespmem:$0x9B80] =	vst v63  }
0x64: {  	_ =	swait.ge @!p0 [sflag:s24], $0x800  }
0x65: {  	s30 =	sshll.u32 s2, $0x6;
	s3 =	sadd.s32 $0x1, s3;
	[sflag:s24] =	ssyncset.done @!p0 $0x0  }
0x66: {  	s31 =	sshrl.u32 s4, $0x3;
	p1 =	sne.s32 s3, s8;
	[sflag:s24] =	ssyncadd.s32 @!p0 $0xFFFFF800  }
.Ltmp3:
0x67: {  	s23 =	sor.u32 $0x1C02, s30;
	[bflag:$0x0] =	sbarrier.arrive $0xFFFF;
	(pc) =	sbr.rel @p1 .LBB2_1-.Ltmp3, $4  }
0x68: {  	[hbm:s7], [sflag:s23] =	dma.local [spmem:s31], $0x2800  }
0x69: {  	_ =	swait.ge [sflag:s20], $0x2800  }
0x6a: {  	[sflag:s20] =	ssyncset.done $0x0  }
0x6b: {  	[sflag:s20] =	ssyncadd.s32 $0xFFFFD800  }
0x6c: {  	_ =	sfence.sel $0x180000  }
0x6d: {  	[bflag:$0x0] =	sbarrier.arrive $0xFFFF  }
0x6e: {  	p0 =	sne.s32 s2, $0x0;
	_ =	strace $0x90000047  }
0x6f: {  	s0 =	sadd.s32 @!p0 $0x100000, s0;
	[bflag:$0x2] =	sbarrier.arrive $0xFFFF  }
0x70: {  	[sflag:s0] =	ssyncadd.tile.s32 @!p0 $0x1;
	_ =	shalt  }
.Lfunc_end2:
_tile_overlayer_lowered:
.L_overlay_start_2:
0x71: {  	(tag) =	ssettag $0x2  }
0x72: {  	s0 =	rddreg [dreg:$0x0];
	s2 =	stileid.u32  }
0x73: {  	s1 =	rddreg [dreg:$0x1];
	p0 =	sne.s32 s2, $0x0  }
0x74: {  	s3 =	rddreg [dreg:$0x2];
	[bflag:$0x3] =	sbarrier.arrive $0xFFFF;
	s2 =	simm.s32 @!p0 $0x1C02  }
0x75: {  	[timem:s3], [sflag:s2] =	dma.local @!p0 [hbm:s0], s1  }
0x76: {  	s0 =	simm.s32 @!p0 $0x2  }
0x77: {  	_ =	swait.ge @!p0 [sflag:s0], s1  }
0x78: {  	s1 =	ssub.s32 @!p0 $0x0, s1;
	[sflag:s0] =	ssyncset.done @!p0 $0x0  }
0x79: {  	[sflag:s0] =	ssyncadd.s32 @!p0 s1  }
0x7a: {  	[bflag:$0x3] =	sbarrier.arrive $0xFFFF  }
0x7b: {  	_ =	shalt  }

</sc_bundles>
